<compile_context>
chip_gen: v7x
topology: tpu7x:2x2x1
jax: 0.10.2.dev20260603
libtpu: 0.0.44.dev20260713+nightly
codegen_flags: <defaults>
</compile_context>

<pallas_src>
import functools

import jax
import jax.numpy as jnp
from jax import lax
from jax.experimental import pallas as pl
from jax.experimental.pallas import tpu as pltpu
from jax.experimental.pallas import tpu_sc as plsc

N = 10000
E = 320000
C = 128

NC = 2
NS = 16
NW = NC * NS
EPW = E // NW
CHUNK = 80
NCH = EPW // CHUNK
NP = 10240
ROWS_PT = NP // NS
DPT = NP // NS
NSEC = 5
SCH = NCH // NSEC


def _matmul_body(x_ref, w_ref, o_ref):
    o_ref[...] = jnp.dot(x_ref[...], w_ref[...],
                         preferred_element_type=jnp.float32)


def _tc_matmul(x, w):
    bn = 2000
    return pl.pallas_call(
        _matmul_body,
        grid=(N // bn,),
        in_specs=[
            pl.BlockSpec((bn, C), lambda i: (i, 0)),
            pl.BlockSpec((C, C), lambda i: (0, 0)),
        ],
        out_specs=pl.BlockSpec((bn, C), lambda i: (i, 0)),
        out_shape=jax.ShapeDtypeStruct((N, C), jnp.float32),
    )(x, w)


def _sc_body(m_hbm, e_hbm, out_sum, out_deg,
             acc_sh, deg_sh, src_v, dst_v, rows0_v, rows1_v, ones_v, zdeg_v,
             gsem0, gsem1, ssem0, ssem1, degsem):
    cid = lax.axis_index("c")
    sid = lax.axis_index("s")
    wid = cid * NS + sid
    rows = (rows0_v, rows1_v)
    gsems = (gsem0, gsem1)
    ssems = (ssem0, ssem1)

    zf16 = jnp.zeros((16,), jnp.float32)

    def _zrow(i, _):
        for k in range(8):
            rows0_v[i, pl.ds(k * 16, 16)] = zf16
        return 0
    lax.fori_loop(0, CHUNK, _zrow, 0)

    def _zdeg(i, _):
        zdeg_v[pl.ds(i * 16, 16)] = zf16
        return 0
    lax.fori_loop(0, DPT // 16, _zdeg, 0)

    for k in range(CHUNK // 16):
        ones_v[pl.ds(k * 16, 16)] = jnp.ones((16,), jnp.float32)

    for b in range(ROWS_PT // CHUNK):
        pltpu.sync_copy(rows0_v,
                        acc_sh.at[pl.ds(sid * ROWS_PT + b * CHUNK, CHUNK)])
    pltpu.sync_copy(zdeg_v, deg_sh.at[pl.ds(sid * DPT, DPT)])

    plsc.subcore_barrier()

    def _sec(s, _):
        pltpu.sync_copy(e_hbm.at[wid, s, 0], src_v)
        pltpu.sync_copy(e_hbm.at[wid, s, 1], dst_v)
        gdesc = [None, None]
        sdesc = [None]
        gdesc[0] = pltpu.async_copy(m_hbm.at[src_v.at[0]], rows[0], gsems[0])
        for t in range(SCH):
            b = t % 2
            if sdesc[0] is not None:
                sdesc[0].wait()
            if t + 1 < SCH:
                gdesc[1 - b] = pltpu.async_copy(m_hbm.at[src_v.at[t + 1]],
                                                rows[1 - b], gsems[1 - b])
            gdesc[b].wait()
            sdesc[0] = pltpu.async_copy(rows[b], acc_sh.at[dst_v.at[t]],
                                        ssems[0], add=True)
            pltpu.sync_copy(ones_v, deg_sh.at[dst_v.at[t]], add=True)
        sdesc[0].wait()
        return 0
    lax.fori_loop(0, NSEC, _sec, 0)

    plsc.subcore_barrier()

    pltpu.sync_copy(acc_sh.at[pl.ds(sid * ROWS_PT, ROWS_PT)],
                    out_sum.at[cid, pl.ds(sid * ROWS_PT, ROWS_PT)])
    pltpu.sync_copy(deg_sh.at[pl.ds(sid * DPT, DPT)],
                    out_deg.at[cid, pl.ds(sid * DPT, DPT)])


@functools.cache
def _sc_scatter():
    return pl.kernel(
        _sc_body,
        out_type=[
            jax.ShapeDtypeStruct((NC, NP, C), jnp.float32),
            jax.ShapeDtypeStruct((NC, NP), jnp.float32),
        ],
        mesh=plsc.VectorSubcoreMesh(core_axis_name="c", subcore_axis_name="s",
                                    num_cores=NC, num_subcores=NS),
        scratch_types=[
        pltpu.VMEM_SHARED((NP, C), jnp.float32),
        pltpu.VMEM_SHARED((NP,), jnp.float32),
        pltpu.VMEM((SCH, CHUNK), jnp.int32),
        pltpu.VMEM((SCH, CHUNK), jnp.int32),
        pltpu.VMEM((CHUNK, C), jnp.float32),
        pltpu.VMEM((CHUNK, C), jnp.float32),
        pltpu.VMEM((CHUNK,), jnp.float32),
            pltpu.VMEM((DPT,), jnp.float32),
            pltpu.SemaphoreType.DMA,
            pltpu.SemaphoreType.DMA,
            pltpu.SemaphoreType.DMA,
            pltpu.SemaphoreType.DMA,
            pltpu.SemaphoreType.DMA,
        ],
    )


def _gates_body(x_ref, sum_ref, deg_ref, wih_ref, whh_ref, bih_ref, bhh_ref,
                lw_ref, lbi_ref, lbh_ref, o_ref):
    cdims = (((1,), (1,)), ((), ()))
    x = x_ref[...]
    s = sum_ref[0] + sum_ref[1]
    d = lax.dot_general(deg_ref[...], jnp.ones((NC, 1), jnp.float32),
                        (((0,), (0,)), ((), ())),
                        preferred_element_type=jnp.float32)
    agg = s / jnp.maximum(d, 1.0)
    gi = lax.dot_general(agg, wih_ref[...], cdims,
                         preferred_element_type=jnp.float32) + bih_ref[...]
    gh = lax.dot_general(x, whh_ref[...], cdims,
                         preferred_element_type=jnp.float32) + bhh_ref[...]
    r = jax.nn.sigmoid(gi[:, 0:C] + gh[:, 0:C])
    z = jax.nn.sigmoid(gi[:, C:2 * C] + gh[:, C:2 * C])
    n = jnp.tanh(gi[:, 2 * C:] + r * gh[:, 2 * C:])
    h = (1.0 - z) * n + z * x
    lb = lbi_ref[...] + lbh_ref[...]
    gates = lax.dot_general(h, lw_ref[...], cdims,
                            preferred_element_type=jnp.float32) + lb
    i_g = jax.nn.sigmoid(gates[:, 0:C])
    gg = jnp.tanh(gates[:, 2 * C:3 * C])
    o_g = jax.nn.sigmoid(gates[:, 3 * C:])
    o_ref[...] = jax.nn.relu(o_g * jnp.tanh(i_g * gg))


def _tc_gates(x, sum_parts, deg_parts, w_ih, w_hh, b_ih, b_hh, lw, lbi, lbh):
    bn = 5120
    return pl.pallas_call(
        _gates_body,
        grid=(2,),
        in_specs=[
            pl.BlockSpec((bn, C), lambda i: (i, 0)),
            pl.BlockSpec((NC, bn, C), lambda i: (0, i, 0)),
            pl.BlockSpec((NC, bn), lambda i: (0, i)),
            pl.BlockSpec((3 * C, C), lambda i: (0, 0)),
            pl.BlockSpec((3 * C, C), lambda i: (0, 0)),
            pl.BlockSpec((3 * C,), lambda i: (0,)),
            pl.BlockSpec((3 * C,), lambda i: (0,)),
            pl.BlockSpec((4 * C, C), lambda i: (0, 0)),
            pl.BlockSpec((4 * C,), lambda i: (0,)),
            pl.BlockSpec((4 * C,), lambda i: (0,)),
        ],
        out_specs=pl.BlockSpec((bn, C), lambda i: (i, 0)),
        out_shape=jax.ShapeDtypeStruct((N, C), jnp.float32),
    )(x, sum_parts, deg_parts, w_ih, w_hh, b_ih, b_hh, lw, lbi, lbh)


def kernel(x, edge_index, W_conv, gru_w_ih, gru_w_hh, gru_b_ih, gru_b_hh,
           lstm_w_ih, lstm_w_hh, lstm_b_ih, lstm_b_hh):
    edges = edge_index.reshape(2, NW, NSEC, SCH, CHUNK).transpose(1, 2, 0, 3, 4)

    m = _tc_matmul(x, W_conv)
    sum_parts, deg_parts = _sc_scatter()(m, edges)

    return _tc_gates(x, sum_parts, deg_parts,
                     gru_w_ih, gru_w_hh, gru_b_ih, gru_b_hh,
                     lstm_w_ih, lstm_b_ih, lstm_b_hh)

# --- scband reference (transcript-rebuilt; emitter-appended) ---
"""Pipeline reference for scband-dy-gr-encoder-7327214207524 (READ-ONLY COPY).

The authoritative reference and input builder live on the scoring server;
editing this copy changes nothing except your own understanding.
"""

import jax, jax.numpy as jnp
import numpy as np

N = 10000
E = 320000
C = 128

def setup_inputs(seed: int = 0) -> dict:
    key = jax.random.key(seed)
    ks = jax.random.split(key, 12)
    x = jax.random.normal(ks[0], (N, C), dtype=jnp.float32)
    edge_index = jax.random.randint(ks[1], (2, E), 0, N, dtype=jnp.int32)
    s = 1.0 / np.sqrt(C)
    W_conv = jax.random.uniform(ks[2], (C, C), minval=-s, maxval=s, dtype=jnp.float32)
    gru_w_ih = jax.random.uniform(ks[3], (3 * C, C), minval=-s, maxval=s, dtype=jnp.float32)
    gru_w_hh = jax.random.uniform(ks[4], (3 * C, C), minval=-s, maxval=s, dtype=jnp.float32)
    gru_b_ih = jax.random.uniform(ks[5], (3 * C,), minval=-s, maxval=s, dtype=jnp.float32)
    gru_b_hh = jax.random.uniform(ks[6], (3 * C,), minval=-s, maxval=s, dtype=jnp.float32)
    lstm_w_ih = jax.random.uniform(ks[7], (4 * C, C), minval=-s, maxval=s, dtype=jnp.float32)
    lstm_w_hh = jax.random.uniform(ks[8], (4 * C, C), minval=-s, maxval=s, dtype=jnp.float32)
    lstm_b_ih = jax.random.uniform(ks[9], (4 * C,), minval=-s, maxval=s, dtype=jnp.float32)
    lstm_b_hh = jax.random.uniform(ks[10], (4 * C,), minval=-s, maxval=s, dtype=jnp.float32)
    return {"x": x, "edge_index": edge_index, "W_conv": W_conv,
            "gru_w_ih": gru_w_ih, "gru_w_hh": gru_w_hh, "gru_b_ih": gru_b_ih, "gru_b_hh": gru_b_hh,
            "lstm_w_ih": lstm_w_ih, "lstm_w_hh": lstm_w_hh, "lstm_b_ih": lstm_b_ih, "lstm_b_hh": lstm_b_hh}


def reference(x, edge_index, W_conv, gru_w_ih, gru_w_hh, gru_b_ih, gru_b_hh,
              lstm_w_ih, lstm_w_hh, lstm_b_ih, lstm_b_hh):
    src = edge_index[0]
    dst = edge_index[1]
    # GatedGraphConv, num_layers=1, aggr='mean': m = x @ W; mean-scatter to dst; GRUCell update
    m = x @ W_conv
    msg = jnp.take(m, src, axis=0)
    summed = jax.ops.segment_sum(msg, dst, num_segments=N)
    deg = jax.ops.segment_sum(jnp.ones((E,), jnp.float32), dst, num_segments=N)
    agg = summed / jnp.clip(deg, 1.0, None)[:, None]
    # GRUCell(agg as input, x as hidden); torch gate order: r, z, n
    gi = agg @ gru_w_ih.T + gru_b_ih
    gh = x @ gru_w_hh.T + gru_b_hh
    i_r, i_z, i_n = jnp.split(gi, 3, axis=1)
    h_r, h_z, h_n = jnp.split(gh, 3, axis=1)
    r = jax.nn.sigmoid(i_r + h_r)
    z = jax.nn.sigmoid(i_z + h_z)
    n = jnp.tanh(i_n + r * h_n)
    h = (1.0 - z) * n + z * x
    # LSTM single time step over [1, N, C], zero initial hidden/cell state
    # h0 = 0 so W_hh contribution is zero; gate order: i, f, g, o
    gates = h @ lstm_w_ih.T + lstm_b_ih + lstm_b_hh
    g_i, g_f, g_g, g_o = jnp.split(gates, 4, axis=1)
    i_g = jax.nn.sigmoid(g_i)
    f_g = jax.nn.sigmoid(g_f)
    gg = jnp.tanh(g_g)
    o_g = jax.nn.sigmoid(g_o)
    c = i_g * gg
    H_tilde = o_g * jnp.tanh(c)
    return jax.nn.relu(H_tilde)

if __name__ == "__main__":
    import jax
    _d = setup_inputs()
    print(jax.jit(kernel)(*tuple(_d.values())))

</pallas_src>

<mosaic_0001>
#map = affine_map<(d0, d1) -> (0, 0)>
#map1 = affine_map<(d0, d1) -> (0, 0, 0, 0, 0)>
#map2 = affine_map<(d0, d1) -> (0, 0, 0)>
module attributes {stable_mosaic.version = 14 : i64} {
  func.func @_sc_body(%arg0: i32, %arg1: i32, %arg2: memref<10000x128xf32, #tpu.memory_space<hbm>>, %arg3: memref<32x5x2x25x80xi32, #tpu.memory_space<hbm>>, %arg4: memref<2x10240x128xf32, #tpu.memory_space<hbm>>, %arg5: memref<2x10240xf32, #tpu.memory_space<hbm>>, %arg6: memref<10240x128xf32, #tpu.memory_space<vmem_shared>>, %arg7: memref<10240xf32, #tpu.memory_space<vmem_shared>>, %arg8: memref<25x80xi32, #tpu.memory_space<vmem>>, %arg9: memref<25x80xi32, #tpu.memory_space<vmem>>, %arg10: memref<80x128xf32, #tpu.memory_space<vmem>>, %arg11: memref<80x128xf32, #tpu.memory_space<vmem>>, %arg12: memref<80xf32, #tpu.memory_space<vmem>>, %arg13: memref<640xf32, #tpu.memory_space<vmem>>, %arg14: memref<!tpu.dma_semaphore, #tpu.memory_space<semaphore_mem>>, %arg15: memref<!tpu.dma_semaphore, #tpu.memory_space<semaphore_mem>>, %arg16: memref<!tpu.dma_semaphore, #tpu.memory_space<semaphore_mem>>, %arg17: memref<!tpu.dma_semaphore, #tpu.memory_space<semaphore_mem>>, %arg18: memref<!tpu.dma_semaphore, #tpu.memory_space<semaphore_mem>>) attributes {dimension_semantics = [#tpu.dimension_semantics<core_parallel>, #tpu.dimension_semantics<subcore_parallel>], iteration_bounds = array<i64: 2, 16>, scalar_prefetch = 0 : i64, scratch_operands = 13 : i64, tpu.core_type = #tpu.core_type<sc_vector_subcore>, window_params = [{transform_indices = #map}, {transform_indices = #map1}, {transform_indices = #map2}, {transform_indices = #map}]} {
    %mul3A = arith.constant 16 : i32
    %mul3A_0 = arith.muli %arg0, %mul3A : i32
    %add3A = arith.addi %mul3A_0, %arg1 : i32
    %broadcast_in_dim3A = arith.constant 0.000000e+00 : f32
    %broadcast_in_dim3A_1 = vector.broadcast %broadcast_in_dim3A : f32 to vector<16xf32>
    %scan3A = arith.constant 0 : i32
    %scan3A_2 = arith.constant 0 : i32
    %scan3A_3 = arith.constant 80 : i32
    %scan3A_4 = arith.addi %scan3A_2, %scan3A_3 : i32
    %scan3A_5 = arith.constant 1 : i32
    %scan3A_6 = scf.for %scan3A_94 = %scan3A_2 to %scan3A_4 step %scan3A_5 iter_args(%scan3A_95 = %scan3A) -> (i32)  : i32 {
      %swap3A_96 = arith.index_cast %scan3A_94 : i32 to index
      %swap3A_97 = arith.constant 0 : index
      %swap3A_98 = tpu.vector_load %arg10[%swap3A_96, %swap3A_97] {strides = array<i32>} : memref<80x128xf32, #tpu.memory_space<vmem>>, vector<1x16xf32>,
      %swap3A_99 = vector.shape_cast %swap3A_98 : vector<1x16xf32> to vector<16xf32>
      %swap3A_100 = vector.shape_cast %broadcast_in_dim3A_1 : vector<16xf32> to vector<1x16xf32>
      tpu.vector_store %arg10[%swap3A_96, %swap3A_97], %swap3A_100 {strides = array<i32>} : memref<80x128xf32, #tpu.memory_space<vmem>>, vector<1x16xf32>,
      %swap3A_101 = arith.index_cast %scan3A_94 : i32 to index
      %swap3A_102 = arith.constant 16 : index
      %swap3A_103 = tpu.vector_load %arg10[%swap3A_101, %swap3A_102] {strides = array<i32>} : memref<80x128xf32, #tpu.memory_space<vmem>>, vector<1x16xf32>,
      %swap3A_104 = vector.shape_cast %swap3A_103 : vector<1x16xf32> to vector<16xf32>
      %swap3A_105 = vector.shape_cast %broadcast_in_dim3A_1 : vector<16xf32> to vector<1x16xf32>
      tpu.vector_store %arg10[%swap3A_101, %swap3A_102], %swap3A_105 {strides = array<i32>} : memref<80x128xf32, #tpu.memory_space<vmem>>, vector<1x16xf32>,
      %swap3A_106 = arith.index_cast %scan3A_94 : i32 to index
      %swap3A_107 = arith.constant 32 : index
      %swap3A_108 = tpu.vector_load %arg10[%swap3A_106, %swap3A_107] {strides = array<i32>} : memref<80x128xf32, #tpu.memory_space<vmem>>, vector<1x16xf32>,
      %swap3A_109 = vector.shape_cast %swap3A_108 : vector<1x16xf32> to vector<16xf32>
      %swap3A_110 = vector.shape_cast %broadcast_in_dim3A_1 : vector<16xf32> to vector<1x16xf32>
      tpu.vector_store %arg10[%swap3A_106, %swap3A_107], %swap3A_110 {strides = array<i32>} : memref<80x128xf32, #tpu.memory_space<vmem>>, vector<1x16xf32>,
      %swap3A_111 = arith.index_cast %scan3A_94 : i32 to index
      %swap3A_112 = arith.constant 48 : index
      %swap3A_113 = tpu.vector_load %arg10[%swap3A_111, %swap3A_112] {strides = array<i32>} : memref<80x128xf32, #tpu.memory_space<vmem>>, vector<1x16xf32>,
      %swap3A_114 = vector.shape_cast %swap3A_113 : vector<1x16xf32> to vector<16xf32>
      %swap3A_115 = vector.shape_cast %broadcast_in_dim3A_1 : vector<16xf32> to vector<1x16xf32>
      tpu.vector_store %arg10[%swap3A_111, %swap3A_112], %swap3A_115 {strides = array<i32>} : memref<80x128xf32, #tpu.memory_space<vmem>>, vector<1x16xf32>,
      %swap3A_116 = arith.index_cast %scan3A_94 : i32 to index
      %swap3A_117 = arith.constant 64 : index
      %swap3A_118 = tpu.vector_load %arg10[%swap3A_116, %swap3A_117] {strides = array<i32>} : memref<80x128xf32, #tpu.memory_space<vmem>>, vector<1x16xf32>,
      %swap3A_119 = vector.shape_cast %swap3A_118 : vector<1x16xf32> to vector<16xf32>
      %swap3A_120 = vector.shape_cast %broadcast_in_dim3A_1 : vector<16xf32> to vector<1x16xf32>
      tpu.vector_store %arg10[%swap3A_116, %swap3A_117], %swap3A_120 {strides = array<i32>} : memref<80x128xf32, #tpu.memory_space<vmem>>, vector<1x16xf32>,
      %swap3A_121 = arith.index_cast %scan3A_94 : i32 to index
      %swap3A_122 = arith.constant 80 : index
      %swap3A_123 = tpu.vector_load %arg10[%swap3A_121, %swap3A_122] {strides = array<i32>} : memref<80x128xf32, #tpu.memory_space<vmem>>, vector<1x16xf32>,
      %swap3A_124 = vector.shape_cast %swap3A_123 : vector<1x16xf32> to vector<16xf32>
      %swap3A_125 = vector.shape_cast %broadcast_in_dim3A_1 : vector<16xf32> to vector<1x16xf32>
      tpu.vector_store %arg10[%swap3A_121, %swap3A_122], %swap3A_125 {strides = array<i32>} : memref<80x128xf32, #tpu.memory_space<vmem>>, vector<1x16xf32>,
      %swap3A_126 = arith.index_cast %scan3A_94 : i32 to index
      %swap3A_127 = arith.constant 96 : index
      %swap3A_128 = tpu.vector_load %arg10[%swap3A_126, %swap3A_127] {strides = array<i32>} : memref<80x128xf32, #tpu.memory_space<vmem>>, vector<1x16xf32>,
      %swap3A_129 = vector.shape_cast %swap3A_128 : vector<1x16xf32> to vector<16xf32>
      %swap3A_130 = vector.shape_cast %broadcast_in_dim3A_1 : vector<16xf32> to vector<1x16xf32>
      tpu.vector_store %arg10[%swap3A_126, %swap3A_127], %swap3A_130 {strides = array<i32>} : memref<80x128xf32, #tpu.memory_space<vmem>>, vector<1x16xf32>,
      %swap3A_131 = arith.index_cast %scan3A_94 : i32 to index
      %swap3A_132 = arith.constant 112 : index
      %swap3A_133 = tpu.vector_load %arg10[%swap3A_131, %swap3A_132] {strides = array<i32>} : memref<80x128xf32, #tpu.memory_space<vmem>>, vector<1x16xf32>,
      %swap3A_134 = vector.shape_cast %swap3A_133 : vector<1x16xf32> to vector<16xf32>
      %swap3A_135 = vector.shape_cast %broadcast_in_dim3A_1 : vector<16xf32> to vector<1x16xf32>
      tpu.vector_store %arg10[%swap3A_131, %swap3A_132], %swap3A_135 {strides = array<i32>} : memref<80x128xf32, #tpu.memory_space<vmem>>, vector<1x16xf32>,
      %scan3A_136 = arith.constant 0 : i32
      scf.yield %scan3A_136 : i32
    }
    %scan3A_7 = arith.constant 80 : i32
    %scan3A_8 = arith.constant 0 : i32
    %scan3A_9 = arith.constant 0 : i32
    %scan3A_10 = arith.constant 40 : i32
    %scan3A_11 = arith.addi %scan3A_9, %scan3A_10 : i32
    %scan3A_12 = arith.constant 1 : i32
    %scan3A_13 = scf.for %scan3A_94 = %scan3A_9 to %scan3A_11 step %scan3A_12 iter_args(%scan3A_95 = %scan3A_8) -> (i32)  : i32 {
      %mul3A_96 = arith.constant 16 : i32
      %mul3A_97 = arith.muli %scan3A_94, %mul3A_96 : i32
      %swap3A_98 = arith.index_cast %mul3A_97 : i32 to index
      %swap3A_99 = tpu.vector_load %arg13[%swap3A_98] {strides = array<i32>} : memref<640xf32, #tpu.memory_space<vmem>>, vector<16xf32>,
      %swap3A_100 = vector.shape_cast %swap3A_99 : vector<16xf32> to vector<16xf32>
      %swap3A_101 = vector.shape_cast %broadcast_in_dim3A_1 : vector<16xf32> to vector<16xf32>
      tpu.vector_store %arg13[%swap3A_98], %swap3A_101 {strides = array<i32>} : memref<640xf32, #tpu.memory_space<vmem>>, vector<16xf32>,
      %scan3A_102 = arith.constant 0 : i32
      scf.yield %scan3A_102 : i32
    }
    %scan3A_14 = arith.constant 40 : i32
    %broadcast_in_dim3A_15 = arith.constant 1.000000e+00 : f32
    %broadcast_in_dim3A_16 = vector.broadcast %broadcast_in_dim3A_15 : f32 to vector<16xf32>
    %swap3A = arith.constant 0 : index
    %swap3A_17 = tpu.vector_load %arg12[%swap3A] {strides = array<i32>} : memref<80xf32, #tpu.memory_space<vmem>>, vector<16xf32>,
    %swap3A_18 = vector.shape_cast %swap3A_17 : vector<16xf32> to vector<16xf32>
    %swap3A_19 = vector.shape_cast %broadcast_in_dim3A_16 : vector<16xf32> to vector<16xf32>
    tpu.vector_store %arg12[%swap3A], %swap3A_19 {strides = array<i32>} : memref<80xf32, #tpu.memory_space<vmem>>, vector<16xf32>,
    %broadcast_in_dim3A_20 = arith.constant 1.000000e+00 : f32
    %broadcast_in_dim3A_21 = vector.broadcast %broadcast_in_dim3A_20 : f32 to vector<16xf32>
    %swap3A_22 = arith.constant 16 : index
    %swap3A_23 = tpu.vector_load %arg12[%swap3A_22] {strides = array<i32>} : memref<80xf32, #tpu.memory_space<vmem>>, vector<16xf32>,
    %swap3A_24 = vector.shape_cast %swap3A_23 : vector<16xf32> to vector<16xf32>
    %swap3A_25 = vector.shape_cast %broadcast_in_dim3A_21 : vector<16xf32> to vector<16xf32>
    tpu.vector_store %arg12[%swap3A_22], %swap3A_25 {strides = array<i32>} : memref<80xf32, #tpu.memory_space<vmem>>, vector<16xf32>,
    %broadcast_in_dim3A_26 = arith.constant 1.000000e+00 : f32
    %broadcast_in_dim3A_27 = vector.broadcast %broadcast_in_dim3A_26 : f32 to vector<16xf32>
    %swap3A_28 = arith.constant 32 : index
    %swap3A_29 = tpu.vector_load %arg12[%swap3A_28] {strides = array<i32>} : memref<80xf32, #tpu.memory_space<vmem>>, vector<16xf32>,
    %swap3A_30 = vector.shape_cast %swap3A_29 : vector<16xf32> to vector<16xf32>
    %swap3A_31 = vector.shape_cast %broadcast_in_dim3A_27 : vector<16xf32> to vector<16xf32>
    tpu.vector_store %arg12[%swap3A_28], %swap3A_31 {strides = array<i32>} : memref<80xf32, #tpu.memory_space<vmem>>, vector<16xf32>,
    %broadcast_in_dim3A_32 = arith.constant 1.000000e+00 : f32
    %broadcast_in_dim3A_33 = vector.broadcast %broadcast_in_dim3A_32 : f32 to vector<16xf32>
    %swap3A_34 = arith.constant 48 : index
    %swap3A_35 = tpu.vector_load %arg12[%swap3A_34] {strides = array<i32>} : memref<80xf32, #tpu.memory_space<vmem>>, vector<16xf32>,
    %swap3A_36 = vector.shape_cast %swap3A_35 : vector<16xf32> to vector<16xf32>
    %swap3A_37 = vector.shape_cast %broadcast_in_dim3A_33 : vector<16xf32> to vector<16xf32>
    tpu.vector_store %arg12[%swap3A_34], %swap3A_37 {strides = array<i32>} : memref<80xf32, #tpu.memory_space<vmem>>, vector<16xf32>,
    %broadcast_in_dim3A_38 = arith.constant 1.000000e+00 : f32
    %broadcast_in_dim3A_39 = vector.broadcast %broadcast_in_dim3A_38 : f32 to vector<16xf32>
    %swap3A_40 = arith.constant 64 : index
    %swap3A_41 = tpu.vector_load %arg12[%swap3A_40] {strides = array<i32>} : memref<80xf32, #tpu.memory_space<vmem>>, vector<16xf32>,
    %swap3A_42 = vector.shape_cast %swap3A_41 : vector<16xf32> to vector<16xf32>
    %swap3A_43 = vector.shape_cast %broadcast_in_dim3A_39 : vector<16xf32> to vector<16xf32>
    tpu.vector_store %arg12[%swap3A_40], %swap3A_43 {strides = array<i32>} : memref<80xf32, #tpu.memory_space<vmem>>, vector<16xf32>,
    %mul3A_44 = arith.constant 640 : i32
    %mul3A_45 = arith.muli %arg1, %mul3A_44 : i32
    %add3A_46 = arith.constant 0 : i32
    %add3A_47 = arith.addi %mul3A_45, %add3A_46 : i32
    "tpu.region"() ({
      %run_scoped3A = tpu.sem_alloc : memref<!tpu.dma_semaphore, #tpu.memory_space<semaphore_mem>>
      %dma_start3A = arith.constant 0 : i32
      %dma_start3A_94 = tpu.memref_slice %arg6[%add3A_47, %dma_start3A] : memref<10240x128xf32, #tpu.memory_space<vmem_shared>> -> memref<80x128xf32, #tpu.memory_space<vmem_shared>>
      %dma_start3A_95 = arith.constant 0 : i32
      %dma_start3A_96 = tpu.memref_slice %arg6[%add3A_47, %dma_start3A_95] : memref<10240x128xf32, #tpu.memory_space<vmem_shared>> -> memref<80x128xf32, #tpu.memory_space<vmem_shared>>
      tpu.enqueue_dma source(%arg10 : memref<80x128xf32, #tpu.memory_space<vmem>>) target(%dma_start3A_96 : memref<80x128xf32, #tpu.memory_space<vmem_shared>>) target_semaphore(%run_scoped3A : memref<!tpu.dma_semaphore, #tpu.memory_space<semaphore_mem>>)
      %dma_wait3A = arith.constant 0 : i32
      %dma_wait3A_97 = tpu.memref_slice %arg6[%add3A_47, %dma_wait3A] : memref<10240x128xf32, #tpu.memory_space<vmem_shared>> -> memref<80x128xf32, #tpu.memory_space<vmem_shared>>
      %dma_wait3A_98 = arith.constant 0 : i32
      %dma_wait3A_99 = tpu.memref_slice %arg6[%add3A_47, %dma_wait3A_98] : memref<10240x128xf32, #tpu.memory_space<vmem_shared>> -> memref<80x128xf32, #tpu.memory_space<vmem_shared>>
      tpu.wait_dma2 semaphore(%run_scoped3A : memref<!tpu.dma_semaphore, #tpu.memory_space<semaphore_mem>>) src(%arg10 : memref<80x128xf32, #tpu.memory_space<vmem>>) dst(%dma_wait3A_99 : memref<80x128xf32, #tpu.memory_space<vmem_shared>>)
      tpu.yield
    }) : () -> ()
    %mul3A_48 = arith.constant 640 : i32
    %mul3A_49 = arith.muli %arg1, %mul3A_48 : i32
    %add3A_50 = arith.constant 80 : i32
    %add3A_51 = arith.addi %mul3A_49, %add3A_50 : i32
    "tpu.region"() ({
      %run_scoped3A = tpu.sem_alloc : memref<!tpu.dma_semaphore, #tpu.memory_space<semaphore_mem>>
      %dma_start3A = arith.constant 0 : i32
      %dma_start3A_94 = tpu.memref_slice %arg6[%add3A_51, %dma_start3A] : memref<10240x128xf32, #tpu.memory_space<vmem_shared>> -> memref<80x128xf32, #tpu.memory_space<vmem_shared>>
      %dma_start3A_95 = arith.constant 0 : i32
      %dma_start3A_96 = tpu.memref_slice %arg6[%add3A_51, %dma_start3A_95] : memref<10240x128xf32, #tpu.memory_space<vmem_shared>> -> memref<80x128xf32, #tpu.memory_space<vmem_shared>>
      tpu.enqueue_dma source(%arg10 : memref<80x128xf32, #tpu.memory_space<vmem>>) target(%dma_start3A_96 : memref<80x128xf32, #tpu.memory_space<vmem_shared>>) target_semaphore(%run_scoped3A : memref<!tpu.dma_semaphore, #tpu.memory_space<semaphore_mem>>)
      %dma_wait3A = arith.constant 0 : i32
      %dma_wait3A_97 = tpu.memref_slice %arg6[%add3A_51, %dma_wait3A] : memref<10240x128xf32, #tpu.memory_space<vmem_shared>> -> memref<80x128xf32, #tpu.memory_space<vmem_shared>>
      %dma_wait3A_98 = arith.constant 0 : i32
      %dma_wait3A_99 = tpu.memref_slice %arg6[%add3A_51, %dma_wait3A_98] : memref<10240x128xf32, #tpu.memory_space<vmem_shared>> -> memref<80x128xf32, #tpu.memory_space<vmem_shared>>
      tpu.wait_dma2 semaphore(%run_scoped3A : memref<!tpu.dma_semaphore, #tpu.memory_space<semaphore_mem>>) src(%arg10 : memref<80x128xf32, #tpu.memory_space<vmem>>) dst(%dma_wait3A_99 : memref<80x128xf32, #tpu.memory_space<vmem_shared>>)
      tpu.yield
    }) : () -> ()
    %mul3A_52 = arith.constant 640 : i32
    %mul3A_53 = arith.muli %arg1, %mul3A_52 : i32
    %add3A_54 = arith.constant 160 : i32
    %add3A_55 = arith.addi %mul3A_53, %add3A_54 : i32
    "tpu.region"() ({
      %run_scoped3A = tpu.sem_alloc : memref<!tpu.dma_semaphore, #tpu.memory_space<semaphore_mem>>
      %dma_start3A = arith.constant 0 : i32
      %dma_start3A_94 = tpu.memref_slice %arg6[%add3A_55, %dma_start3A] : memref<10240x128xf32, #tpu.memory_space<vmem_shared>> -> memref<80x128xf32, #tpu.memory_space<vmem_shared>>
      %dma_start3A_95 = arith.constant 0 : i32
      %dma_start3A_96 = tpu.memref_slice %arg6[%add3A_55, %dma_start3A_95] : memref<10240x128xf32, #tpu.memory_space<vmem_shared>> -> memref<80x128xf32, #tpu.memory_space<vmem_shared>>
      tpu.enqueue_dma source(%arg10 : memref<80x128xf32, #tpu.memory_space<vmem>>) target(%dma_start3A_96 : memref<80x128xf32, #tpu.memory_space<vmem_shared>>) target_semaphore(%run_scoped3A : memref<!tpu.dma_semaphore, #tpu.memory_space<semaphore_mem>>)
      %dma_wait3A = arith.constant 0 : i32
      %dma_wait3A_97 = tpu.memref_slice %arg6[%add3A_55, %dma_wait3A] : memref<10240x128xf32, #tpu.memory_space<vmem_shared>> -> memref<80x128xf32, #tpu.memory_space<vmem_shared>>
      %dma_wait3A_98 = arith.constant 0 : i32
      %dma_wait3A_99 = tpu.memref_slice %arg6[%add3A_55, %dma_wait3A_98] : memref<10240x128xf32, #tpu.memory_space<vmem_shared>> -> memref<80x128xf32, #tpu.memory_space<vmem_shared>>
      tpu.wait_dma2 semaphore(%run_scoped3A : memref<!tpu.dma_semaphore, #tpu.memory_space<semaphore_mem>>) src(%arg10 : memref<80x128xf32, #tpu.memory_space<vmem>>) dst(%dma_wait3A_99 : memref<80x128xf32, #tpu.memory_space<vmem_shared>>)
      tpu.yield
    }) : () -> ()
    %mul3A_56 = arith.constant 640 : i32
    %mul3A_57 = arith.muli %arg1, %mul3A_56 : i32
    %add3A_58 = arith.constant 240 : i32
    %add3A_59 = arith.addi %mul3A_57, %add3A_58 : i32
    "tpu.region"() ({
      %run_scoped3A = tpu.sem_alloc : memref<!tpu.dma_semaphore, #tpu.memory_space<semaphore_mem>>
      %dma_start3A = arith.constant 0 : i32
      %dma_start3A_94 = tpu.memref_slice %arg6[%add3A_59, %dma_start3A] : memref<10240x128xf32, #tpu.memory_space<vmem_shared>> -> memref<80x128xf32, #tpu.memory_space<vmem_shared>>
      %dma_start3A_95 = arith.constant 0 : i32
      %dma_start3A_96 = tpu.memref_slice %arg6[%add3A_59, %dma_start3A_95] : memref<10240x128xf32, #tpu.memory_space<vmem_shared>> -> memref<80x128xf32, #tpu.memory_space<vmem_shared>>
      tpu.enqueue_dma source(%arg10 : memref<80x128xf32, #tpu.memory_space<vmem>>) target(%dma_start3A_96 : memref<80x128xf32, #tpu.memory_space<vmem_shared>>) target_semaphore(%run_scoped3A : memref<!tpu.dma_semaphore, #tpu.memory_space<semaphore_mem>>)
      %dma_wait3A = arith.constant 0 : i32
      %dma_wait3A_97 = tpu.memref_slice %arg6[%add3A_59, %dma_wait3A] : memref<10240x128xf32, #tpu.memory_space<vmem_shared>> -> memref<80x128xf32, #tpu.memory_space<vmem_shared>>
      %dma_wait3A_98 = arith.constant 0 : i32
      %dma_wait3A_99 = tpu.memref_slice %arg6[%add3A_59, %dma_wait3A_98] : memref<10240x128xf32, #tpu.memory_space<vmem_shared>> -> memref<80x128xf32, #tpu.memory_space<vmem_shared>>
      tpu.wait_dma2 semaphore(%run_scoped3A : memref<!tpu.dma_semaphore, #tpu.memory_space<semaphore_mem>>) src(%arg10 : memref<80x128xf32, #tpu.memory_space<vmem>>) dst(%dma_wait3A_99 : memref<80x128xf32, #tpu.memory_space<vmem_shared>>)
      tpu.yield
    }) : () -> ()
    %mul3A_60 = arith.constant 640 : i32
    %mul3A_61 = arith.muli %arg1, %mul3A_60 : i32
    %add3A_62 = arith.constant 320 : i32
    %add3A_63 = arith.addi %mul3A_61, %add3A_62 : i32
    "tpu.region"() ({
      %run_scoped3A = tpu.sem_alloc : memref<!tpu.dma_semaphore, #tpu.memory_space<semaphore_mem>>
      %dma_start3A = arith.constant 0 : i32
      %dma_start3A_94 = tpu.memref_slice %arg6[%add3A_63, %dma_start3A] : memref<10240x128xf32, #tpu.memory_space<vmem_shared>> -> memref<80x128xf32, #tpu.memory_space<vmem_shared>>
      %dma_start3A_95 = arith.constant 0 : i32
      %dma_start3A_96 = tpu.memref_slice %arg6[%add3A_63, %dma_start3A_95] : memref<10240x128xf32, #tpu.memory_space<vmem_shared>> -> memref<80x128xf32, #tpu.memory_space<vmem_shared>>
      tpu.enqueue_dma source(%arg10 : memref<80x128xf32, #tpu.memory_space<vmem>>) target(%dma_start3A_96 : memref<80x128xf32, #tpu.memory_space<vmem_shared>>) target_semaphore(%run_scoped3A : memref<!tpu.dma_semaphore, #tpu.memory_space<semaphore_mem>>)
      %dma_wait3A = arith.constant 0 : i32
      %dma_wait3A_97 = tpu.memref_slice %arg6[%add3A_63, %dma_wait3A] : memref<10240x128xf32, #tpu.memory_space<vmem_shared>> -> memref<80x128xf32, #tpu.memory_space<vmem_shared>>
      %dma_wait3A_98 = arith.constant 0 : i32
      %dma_wait3A_99 = tpu.memref_slice %arg6[%add3A_63, %dma_wait3A_98] : memref<10240x128xf32, #tpu.memory_space<vmem_shared>> -> memref<80x128xf32, #tpu.memory_space<vmem_shared>>
      tpu.wait_dma2 semaphore(%run_scoped3A : memref<!tpu.dma_semaphore, #tpu.memory_space<semaphore_mem>>) src(%arg10 : memref<80x128xf32, #tpu.memory_space<vmem>>) dst(%dma_wait3A_99 : memref<80x128xf32, #tpu.memory_space<vmem_shared>>)
      tpu.yield
    }) : () -> ()
    %mul3A_64 = arith.constant 640 : i32
    %mul3A_65 = arith.muli %arg1, %mul3A_64 : i32
    %add3A_66 = arith.constant 400 : i32
    %add3A_67 = arith.addi %mul3A_65, %add3A_66 : i32
    "tpu.region"() ({
      %run_scoped3A = tpu.sem_alloc : memref<!tpu.dma_semaphore, #tpu.memory_space<semaphore_mem>>
      %dma_start3A = arith.constant 0 : i32
      %dma_start3A_94 = tpu.memref_slice %arg6[%add3A_67, %dma_start3A] : memref<10240x128xf32, #tpu.memory_space<vmem_shared>> -> memref<80x128xf32, #tpu.memory_space<vmem_shared>>
      %dma_start3A_95 = arith.constant 0 : i32
      %dma_start3A_96 = tpu.memref_slice %arg6[%add3A_67, %dma_start3A_95] : memref<10240x128xf32, #tpu.memory_space<vmem_shared>> -> memref<80x128xf32, #tpu.memory_space<vmem_shared>>
      tpu.enqueue_dma source(%arg10 : memref<80x128xf32, #tpu.memory_space<vmem>>) target(%dma_start3A_96 : memref<80x128xf32, #tpu.memory_space<vmem_shared>>) target_semaphore(%run_scoped3A : memref<!tpu.dma_semaphore, #tpu.memory_space<semaphore_mem>>)
      %dma_wait3A = arith.constant 0 : i32
      %dma_wait3A_97 = tpu.memref_slice %arg6[%add3A_67, %dma_wait3A] : memref<10240x128xf32, #tpu.memory_space<vmem_shared>> -> memref<80x128xf32, #tpu.memory_space<vmem_shared>>
      %dma_wait3A_98 = arith.constant 0 : i32
      %dma_wait3A_99 = tpu.memref_slice %arg6[%add3A_67, %dma_wait3A_98] : memref<10240x128xf32, #tpu.memory_space<vmem_shared>> -> memref<80x128xf32, #tpu.memory_space<vmem_shared>>
      tpu.wait_dma2 semaphore(%run_scoped3A : memref<!tpu.dma_semaphore, #tpu.memory_space<semaphore_mem>>) src(%arg10 : memref<80x128xf32, #tpu.memory_space<vmem>>) dst(%dma_wait3A_99 : memref<80x128xf32, #tpu.memory_space<vmem_shared>>)
      tpu.yield
    }) : () -> ()
    %mul3A_68 = arith.constant 640 : i32
    %mul3A_69 = arith.muli %arg1, %mul3A_68 : i32
    %add3A_70 = arith.constant 480 : i32
    %add3A_71 = arith.addi %mul3A_69, %add3A_70 : i32
    "tpu.region"() ({
      %run_scoped3A = tpu.sem_alloc : memref<!tpu.dma_semaphore, #tpu.memory_space<semaphore_mem>>
      %dma_start3A = arith.constant 0 : i32
      %dma_start3A_94 = tpu.memref_slice %arg6[%add3A_71, %dma_start3A] : memref<10240x128xf32, #tpu.memory_space<vmem_shared>> -> memref<80x128xf32, #tpu.memory_space<vmem_shared>>
      %dma_start3A_95 = arith.constant 0 : i32
      %dma_start3A_96 = tpu.memref_slice %arg6[%add3A_71, %dma_start3A_95] : memref<10240x128xf32, #tpu.memory_space<vmem_shared>> -> memref<80x128xf32, #tpu.memory_space<vmem_shared>>
      tpu.enqueue_dma source(%arg10 : memref<80x128xf32, #tpu.memory_space<vmem>>) target(%dma_start3A_96 : memref<80x128xf32, #tpu.memory_space<vmem_shared>>) target_semaphore(%run_scoped3A : memref<!tpu.dma_semaphore, #tpu.memory_space<semaphore_mem>>)
      %dma_wait3A = arith.constant 0 : i32
      %dma_wait3A_97 = tpu.memref_slice %arg6[%add3A_71, %dma_wait3A] : memref<10240x128xf32, #tpu.memory_space<vmem_shared>> -> memref<80x128xf32, #tpu.memory_space<vmem_shared>>
      %dma_wait3A_98 = arith.constant 0 : i32
      %dma_wait3A_99 = tpu.memref_slice %arg6[%add3A_71, %dma_wait3A_98] : memref<10240x128xf32, #tpu.memory_space<vmem_shared>> -> memref<80x128xf32, #tpu.memory_space<vmem_shared>>
      tpu.wait_dma2 semaphore(%run_scoped3A : memref<!tpu.dma_semaphore, #tpu.memory_space<semaphore_mem>>) src(%arg10 : memref<80x128xf32, #tpu.memory_space<vmem>>) dst(%dma_wait3A_99 : memref<80x128xf32, #tpu.memory_space<vmem_shared>>)
      tpu.yield
    }) : () -> ()
    %mul3A_72 = arith.constant 640 : i32
    %mul3A_73 = arith.muli %arg1, %mul3A_72 : i32
    %add3A_74 = arith.constant 560 : i32
    %add3A_75 = arith.addi %mul3A_73, %add3A_74 : i32
    "tpu.region"() ({
      %run_scoped3A = tpu.sem_alloc : memref<!tpu.dma_semaphore, #tpu.memory_space<semaphore_mem>>
      %dma_start3A = arith.constant 0 : i32
      %dma_start3A_94 = tpu.memref_slice %arg6[%add3A_75, %dma_start3A] : memref<10240x128xf32, #tpu.memory_space<vmem_shared>> -> memref<80x128xf32, #tpu.memory_space<vmem_shared>>
      %dma_start3A_95 = arith.constant 0 : i32
      %dma_start3A_96 = tpu.memref_slice %arg6[%add3A_75, %dma_start3A_95] : memref<10240x128xf32, #tpu.memory_space<vmem_shared>> -> memref<80x128xf32, #tpu.memory_space<vmem_shared>>
      tpu.enqueue_dma source(%arg10 : memref<80x128xf32, #tpu.memory_space<vmem>>) target(%dma_start3A_96 : memref<80x128xf32, #tpu.memory_space<vmem_shared>>) target_semaphore(%run_scoped3A : memref<!tpu.dma_semaphore, #tpu.memory_space<semaphore_mem>>)
      %dma_wait3A = arith.constant 0 : i32
      %dma_wait3A_97 = tpu.memref_slice %arg6[%add3A_75, %dma_wait3A] : memref<10240x128xf32, #tpu.memory_space<vmem_shared>> -> memref<80x128xf32, #tpu.memory_space<vmem_shared>>
      %dma_wait3A_98 = arith.constant 0 : i32
      %dma_wait3A_99 = tpu.memref_slice %arg6[%add3A_75, %dma_wait3A_98] : memref<10240x128xf32, #tpu.memory_space<vmem_shared>> -> memref<80x128xf32, #tpu.memory_space<vmem_shared>>
      tpu.wait_dma2 semaphore(%run_scoped3A : memref<!tpu.dma_semaphore, #tpu.memory_space<semaphore_mem>>) src(%arg10 : memref<80x128xf32, #tpu.memory_space<vmem>>) dst(%dma_wait3A_99 : memref<80x128xf32, #tpu.memory_space<vmem_shared>>)
      tpu.yield
    }) : () -> ()
    %mul3A_76 = arith.constant 640 : i32
    %mul3A_77 = arith.muli %arg1, %mul3A_76 : i32
    "tpu.region"() ({
      %run_scoped3A = tpu.sem_alloc : memref<!tpu.dma_semaphore, #tpu.memory_space<semaphore_mem>>
      %dma_start3A = tpu.memref_slice %arg7[%mul3A_77] : memref<10240xf32, #tpu.memory_space<vmem_shared>> -> memref<640xf32, #tpu.memory_space<vmem_shared>>
      %dma_start3A_94 = tpu.memref_slice %arg7[%mul3A_77] : memref<10240xf32, #tpu.memory_space<vmem_shared>> -> memref<640xf32, #tpu.memory_space<vmem_shared>>
      tpu.enqueue_dma source(%arg13 : memref<640xf32, #tpu.memory_space<vmem>>) target(%dma_start3A_94 : memref<640xf32, #tpu.memory_space<vmem_shared>>) target_semaphore(%run_scoped3A : memref<!tpu.dma_semaphore, #tpu.memory_space<semaphore_mem>>)
      %dma_wait3A = tpu.memref_slice %arg7[%mul3A_77] : memref<10240xf32, #tpu.memory_space<vmem_shared>> -> memref<640xf32, #tpu.memory_space<vmem_shared>>
      %dma_wait3A_95 = tpu.memref_slice %arg7[%mul3A_77] : memref<10240xf32, #tpu.memory_space<vmem_shared>> -> memref<640xf32, #tpu.memory_space<vmem_shared>>
      tpu.wait_dma2 semaphore(%run_scoped3A : memref<!tpu.dma_semaphore, #tpu.memory_space<semaphore_mem>>) src(%arg13 : memref<640xf32, #tpu.memory_space<vmem>>) dst(%dma_wait3A_95 : memref<640xf32, #tpu.memory_space<vmem_shared>>)
      tpu.yield
    }) : () -> ()
    %barrier3A = arith.constant 0 : index
    tpu.barrier barrier_id(%barrier3A)
    %scan3A_78 = arith.constant 0 : i32
    %scan3A_79 = arith.constant 0 : i32
    %scan3A_80 = arith.constant 5 : i32
    %scan3A_81 = arith.addi %scan3A_79, %scan3A_80 : i32
    %scan3A_82 = arith.constant 1 : i32
    %scan3A_83 = scf.for %scan3A_94 = %scan3A_79 to %scan3A_81 step %scan3A_82 iter_args(%scan3A_95 = %scan3A_78) -> (i32)  : i32 {
      %run_scoped3A = arith.constant 0 : i32
      "tpu.region"() ({
        %run_scoped3A_821 = tpu.sem_alloc : memref<!tpu.dma_semaphore, #tpu.memory_space<semaphore_mem>>
        %dma_start3A_822 = arith.constant 0 : i32
        %dma_start3A_823 = arith.constant 0 : i32
        %dma_start3A_824 = tpu.memref_slice %arg3[%add3A, %scan3A_94, %run_scoped3A, %dma_start3A_822, %dma_start3A_823] : memref<32x5x2x25x80xi32, #tpu.memory_space<hbm>> -> memref<1x1x1x25x80xi32, #tpu.memory_space<hbm>>
        %dma_start3A_825 = tpu.memref_squeeze %dma_start3A_824 : memref<1x1x1x25x80xi32, #tpu.memory_space<hbm>> -> memref<25x80xi32, #tpu.memory_space<hbm>>
        %dma_start3A_826 = arith.constant 0 : i32
        %dma_start3A_827 = arith.constant 0 : i32
        %dma_start3A_828 = tpu.memref_slice %arg3[%add3A, %scan3A_94, %run_scoped3A, %dma_start3A_826, %dma_start3A_827] : memref<32x5x2x25x80xi32, #tpu.memory_space<hbm>> -> memref<1x1x1x25x80xi32, #tpu.memory_space<hbm>>
        %dma_start3A_829 = tpu.memref_squeeze %dma_start3A_828 : memref<1x1x1x25x80xi32, #tpu.memory_space<hbm>> -> memref<25x80xi32, #tpu.memory_space<hbm>>
        tpu.enqueue_dma source(%dma_start3A_829 : memref<25x80xi32, #tpu.memory_space<hbm>>) target(%arg8 : memref<25x80xi32, #tpu.memory_space<vmem>>) target_semaphore(%run_scoped3A_821 : memref<!tpu.dma_semaphore, #tpu.memory_space<semaphore_mem>>)
        %dma_wait3A_830 = arith.constant 0 : i32
        %dma_wait3A_831 = arith.constant 0 : i32
        %dma_wait3A_832 = tpu.memref_slice %arg3[%add3A, %scan3A_94, %run_scoped3A, %dma_wait3A_830, %dma_wait3A_831] : memref<32x5x2x25x80xi32, #tpu.memory_space<hbm>> -> memref<1x1x1x25x80xi32, #tpu.memory_space<hbm>>
        %dma_wait3A_833 = tpu.memref_squeeze %dma_wait3A_832 : memref<1x1x1x25x80xi32, #tpu.memory_space<hbm>> -> memref<25x80xi32, #tpu.memory_space<hbm>>
        %dma_wait3A_834 = arith.constant 0 : i32
        %dma_wait3A_835 = arith.constant 0 : i32
        %dma_wait3A_836 = tpu.memref_slice %arg3[%add3A, %scan3A_94, %run_scoped3A, %dma_wait3A_834, %dma_wait3A_835] : memref<32x5x2x25x80xi32, #tpu.memory_space<hbm>> -> memref<1x1x1x25x80xi32, #tpu.memory_space<hbm>>
        %dma_wait3A_837 = tpu.memref_squeeze %dma_wait3A_836 : memref<1x1x1x25x80xi32, #tpu.memory_space<hbm>> -> memref<25x80xi32, #tpu.memory_space<hbm>>
        tpu.wait_dma2 semaphore(%run_scoped3A_821 : memref<!tpu.dma_semaphore, #tpu.memory_space<semaphore_mem>>) src(%dma_wait3A_837 : memref<25x80xi32, #tpu.memory_space<hbm>>) dst(%arg8 : memref<25x80xi32, #tpu.memory_space<vmem>>)
        tpu.yield
      }) : () -> ()
      %run_scoped3A_96 = arith.constant 1 : i32
      "tpu.region"() ({
        %run_scoped3A_821 = tpu.sem_alloc : memref<!tpu.dma_semaphore, #tpu.memory_space<semaphore_mem>>
        %dma_start3A_822 = arith.constant 0 : i32
        %dma_start3A_823 = arith.constant 0 : i32
        %dma_start3A_824 = tpu.memref_slice %arg3[%add3A, %scan3A_94, %run_scoped3A_96, %dma_start3A_822, %dma_start3A_823] : memref<32x5x2x25x80xi32, #tpu.memory_space<hbm>> -> memref<1x1x1x25x80xi32, #tpu.memory_space<hbm>>
        %dma_start3A_825 = tpu.memref_squeeze %dma_start3A_824 : memref<1x1x1x25x80xi32, #tpu.memory_space<hbm>> -> memref<25x80xi32, #tpu.memory_space<hbm>>
        %dma_start3A_826 = arith.constant 0 : i32
        %dma_start3A_827 = arith.constant 0 : i32
        %dma_start3A_828 = tpu.memref_slice %arg3[%add3A, %scan3A_94, %run_scoped3A_96, %dma_start3A_826, %dma_start3A_827] : memref<32x5x2x25x80xi32, #tpu.memory_space<hbm>> -> memref<1x1x1x25x80xi32, #tpu.memory_space<hbm>>
        %dma_start3A_829 = tpu.memref_squeeze %dma_start3A_828 : memref<1x1x1x25x80xi32, #tpu.memory_space<hbm>> -> memref<25x80xi32, #tpu.memory_space<hbm>>
        tpu.enqueue_dma source(%dma_start3A_829 : memref<25x80xi32, #tpu.memory_space<hbm>>) target(%arg9 : memref<25x80xi32, #tpu.memory_space<vmem>>) target_semaphore(%run_scoped3A_821 : memref<!tpu.dma_semaphore, #tpu.memory_space<semaphore_mem>>)
        %dma_wait3A_830 = arith.constant 0 : i32
        %dma_wait3A_831 = arith.constant 0 : i32
        %dma_wait3A_832 = tpu.memref_slice %arg3[%add3A, %scan3A_94, %run_scoped3A_96, %dma_wait3A_830, %dma_wait3A_831] : memref<32x5x2x25x80xi32, #tpu.memory_space<hbm>> -> memref<1x1x1x25x80xi32, #tpu.memory_space<hbm>>
        %dma_wait3A_833 = tpu.memref_squeeze %dma_wait3A_832 : memref<1x1x1x25x80xi32, #tpu.memory_space<hbm>> -> memref<25x80xi32, #tpu.memory_space<hbm>>
        %dma_wait3A_834 = arith.constant 0 : i32
        %dma_wait3A_835 = arith.constant 0 : i32
        %dma_wait3A_836 = tpu.memref_slice %arg3[%add3A, %scan3A_94, %run_scoped3A_96, %dma_wait3A_834, %dma_wait3A_835] : memref<32x5x2x25x80xi32, #tpu.memory_space<hbm>> -> memref<1x1x1x25x80xi32, #tpu.memory_space<hbm>>
        %dma_wait3A_837 = tpu.memref_squeeze %dma_wait3A_836 : memref<1x1x1x25x80xi32, #tpu.memory_space<hbm>> -> memref<25x80xi32, #tpu.memory_space<hbm>>
        tpu.wait_dma2 semaphore(%run_scoped3A_821 : memref<!tpu.dma_semaphore, #tpu.memory_space<semaphore_mem>>) src(%dma_wait3A_837 : memref<25x80xi32, #tpu.memory_space<hbm>>) dst(%arg9 : memref<25x80xi32, #tpu.memory_space<vmem>>)
        tpu.yield
      }) : () -> ()
      %dma_start3A = arith.constant 0 : i32
      %dma_start3A_97 = arith.constant 0 : i32
      %dma_start3A_98 = tpu.memref_slice %arg8[%dma_start3A, %dma_start3A_97] : memref<25x80xi32, #tpu.memory_space<vmem>> -> memref<1x80xi32, #tpu.memory_space<vmem>>
      %dma_start3A_99 = tpu.memref_squeeze %dma_start3A_98 : memref<1x80xi32, #tpu.memory_space<vmem>> -> memref<80xi32, #tpu.memory_space<vmem>>
      %dma_start3A_100 = arith.constant 0 : i32
      %dma_start3A_101 = arith.constant 0 : i32
      %dma_start3A_102 = tpu.memref_slice %arg2[%dma_start3A_100, %dma_start3A_101] : memref<10000x128xf32, #tpu.memory_space<hbm>> -> memref<10000x128xf32, #tpu.memory_space<hbm>>
      tpu.enqueue_indirect_dma source(%dma_start3A_102 : memref<10000x128xf32, #tpu.memory_space<hbm>>) target(%arg10 : memref<80x128xf32, #tpu.memory_space<vmem>>) offsets(%dma_start3A_99 : memref<80xi32, #tpu.memory_space<vmem>>) semaphore(%arg14 : memref<!tpu.dma_semaphore, #tpu.memory_space<semaphore_mem>>)
      %dma_start3A_103 = arith.constant 1 : i32
      %dma_start3A_104 = arith.constant 0 : i32
      %dma_start3A_105 = tpu.memref_slice %arg8[%dma_start3A_103, %dma_start3A_104] : memref<25x80xi32, #tpu.memory_space<vmem>> -> memref<1x80xi32, #tpu.memory_space<vmem>>
      %dma_start3A_106 = tpu.memref_squeeze %dma_start3A_105 : memref<1x80xi32, #tpu.memory_space<vmem>> -> memref<80xi32, #tpu.memory_space<vmem>>
      %dma_start3A_107 = arith.constant 0 : i32
      %dma_start3A_108 = arith.constant 0 : i32
      %dma_start3A_109 = tpu.memref_slice %arg2[%dma_start3A_107, %dma_start3A_108] : memref<10000x128xf32, #tpu.memory_space<hbm>> -> memref<10000x128xf32, #tpu.memory_space<hbm>>
      tpu.enqueue_indirect_dma source(%dma_start3A_109 : memref<10000x128xf32, #tpu.memory_space<hbm>>) target(%arg11 : memref<80x128xf32, #tpu.memory_space<vmem>>) offsets(%dma_start3A_106 : memref<80xi32, #tpu.memory_space<vmem>>) semaphore(%arg15 : memref<!tpu.dma_semaphore, #tpu.memory_space<semaphore_mem>>)
      %dma_wait3A = arith.constant 0 : i32
      %dma_wait3A_110 = arith.constant 0 : i32
      %dma_wait3A_111 = tpu.memref_slice %arg8[%dma_wait3A, %dma_wait3A_110] : memref<25x80xi32, #tpu.memory_space<vmem>> -> memref<1x80xi32, #tpu.memory_space<vmem>>
      %dma_wait3A_112 = tpu.memref_squeeze %dma_wait3A_111 : memref<1x80xi32, #tpu.memory_space<vmem>> -> memref<80xi32, #tpu.memory_space<vmem>>
      %dma_wait3A_113 = arith.constant 0 : i32
      %dma_wait3A_114 = arith.constant 0 : i32
      %dma_wait3A_115 = tpu.memref_slice %arg2[%dma_wait3A_113, %dma_wait3A_114] : memref<10000x128xf32, #tpu.memory_space<hbm>> -> memref<10000x128xf32, #tpu.memory_space<hbm>>
      tpu.wait_indirect_dma semaphore(%arg14 : memref<!tpu.dma_semaphore, #tpu.memory_space<semaphore_mem>>) src(%dma_wait3A_115 : memref<10000x128xf32, #tpu.memory_space<hbm>>) dst(%arg10 : memref<80x128xf32, #tpu.memory_space<vmem>>)
      %dma_start3A_116 = arith.constant 0 : i32
      %dma_start3A_117 = arith.constant 0 : i32
      %dma_start3A_118 = tpu.memref_slice %arg9[%dma_start3A_116, %dma_start3A_117] : memref<25x80xi32, #tpu.memory_space<vmem>> -> memref<1x80xi32, #tpu.memory_space<vmem>>
      %dma_start3A_119 = tpu.memref_squeeze %dma_start3A_118 : memref<1x80xi32, #tpu.memory_space<vmem>> -> memref<80xi32, #tpu.memory_space<vmem>>
      %dma_start3A_120 = arith.constant 0 : i32
      %dma_start3A_121 = arith.constant 0 : i32
      %dma_start3A_122 = tpu.memref_slice %arg6[%dma_start3A_120, %dma_start3A_121] : memref<10240x128xf32, #tpu.memory_space<vmem_shared>> -> memref<10240x128xf32, #tpu.memory_space<vmem_shared>>
      tpu.enqueue_indirect_dma source(%arg10 : memref<80x128xf32, #tpu.memory_space<vmem>>) target(%dma_start3A_122 : memref<10240x128xf32, #tpu.memory_space<vmem_shared>>) offsets(%dma_start3A_119 : memref<80xi32, #tpu.memory_space<vmem>>) semaphore(%arg16 : memref<!tpu.dma_semaphore, #tpu.memory_space<semaphore_mem>>) {add = true}
      %run_scoped3A_123 = arith.constant 0 : i32
      "tpu.region"() ({
        %run_scoped3A_821 = tpu.sem_alloc : memref<!tpu.dma_semaphore, #tpu.memory_space<semaphore_mem>>
        %dma_start3A_822 = arith.constant 0 : i32
        %dma_start3A_823 = tpu.memref_slice %arg9[%run_scoped3A_123, %dma_start3A_822] : memref<25x80xi32, #tpu.memory_space<vmem>> -> memref<1x80xi32, #tpu.memory_space<vmem>>
        %dma_start3A_824 = tpu.memref_squeeze %dma_start3A_823 : memref<1x80xi32, #tpu.memory_space<vmem>> -> memref<80xi32, #tpu.memory_space<vmem>>
        %dma_start3A_825 = arith.constant 0 : i32
        %dma_start3A_826 = tpu.memref_slice %arg7[%dma_start3A_825] : memref<10240xf32, #tpu.memory_space<vmem_shared>> -> memref<10240xf32, #tpu.memory_space<vmem_shared>>
        tpu.enqueue_indirect_dma source(%arg12 : memref<80xf32, #tpu.memory_space<vmem>>) target(%dma_start3A_826 : memref<10240xf32, #tpu.memory_space<vmem_shared>>) offsets(%dma_start3A_824 : memref<80xi32, #tpu.memory_space<vmem>>) semaphore(%run_scoped3A_821 : memref<!tpu.dma_semaphore, #tpu.memory_space<semaphore_mem>>) {add = true}
        %dma_wait3A_827 = arith.constant 0 : i32
        %dma_wait3A_828 = tpu.memref_slice %arg9[%run_scoped3A_123, %dma_wait3A_827] : memref<25x80xi32, #tpu.memory_space<vmem>> -> memref<1x80xi32, #tpu.memory_space<vmem>>
        %dma_wait3A_829 = tpu.memref_squeeze %dma_wait3A_828 : memref<1x80xi32, #tpu.memory_space<vmem>> -> memref<80xi32, #tpu.memory_space<vmem>>
        %dma_wait3A_830 = arith.constant 0 : i32
        %dma_wait3A_831 = tpu.memref_slice %arg7[%dma_wait3A_830] : memref<10240xf32, #tpu.memory_space<vmem_shared>> -> memref<10240xf32, #tpu.memory_space<vmem_shared>>
        tpu.wait_indirect_dma semaphore(%run_scoped3A_821 : memref<!tpu.dma_semaphore, #tpu.memory_space<semaphore_mem>>) src(%arg12 : memref<80xf32, #tpu.memory_space<vmem>>) dst(%dma_wait3A_831 : memref<10240xf32, #tpu.memory_space<vmem_shared>>)
        tpu.yield
      }) : () -> ()
      %dma_wait3A_124 = arith.constant 0 : i32
      %dma_wait3A_125 = arith.constant 0 : i32
      %dma_wait3A_126 = tpu.memref_slice %arg9[%dma_wait3A_124, %dma_wait3A_125] : memref<25x80xi32, #tpu.memory_space<vmem>> -> memref<1x80xi32, #tpu.memory_space<vmem>>
      %dma_wait3A_127 = tpu.memref_squeeze %dma_wait3A_126 : memref<1x80xi32, #tpu.memory_space<vmem>> -> memref<80xi32, #tpu.memory_space<vmem>>
      %dma_wait3A_128 = arith.constant 0 : i32
      %dma_wait3A_129 = arith.constant 0 : i32
      %dma_wait3A_130 = tpu.memref_slice %arg6[%dma_wait3A_128, %dma_wait3A_129] : memref<10240x128xf32, #tpu.memory_space<vmem_shared>> -> memref<10240x128xf32, #tpu.memory_space<vmem_shared>>
      tpu.wait_indirect_dma semaphore(%arg16 : memref<!tpu.dma_semaphore, #tpu.memory_space<semaphore_mem>>) src(%arg10 : memref<80x128xf32, #tpu.memory_space<vmem>>) dst(%dma_wait3A_130 : memref<10240x128xf32, #tpu.memory_space<vmem_shared>>)
      %dma_start3A_131 = arith.constant 2 : i32
      %dma_start3A_132 = arith.constant 0 : i32
      %dma_start3A_133 = tpu.memref_slice %arg8[%dma_start3A_131, %dma_start3A_132] : memref<25x80xi32, #tpu.memory_space<vmem>> -> memref<1x80xi32, #tpu.memory_space<vmem>>
      %dma_start3A_134 = tpu.memref_squeeze %dma_start3A_133 : memref<1x80xi32, #tpu.memory_space<vmem>> -> memref<80xi32, #tpu.memory_space<vmem>>
      %dma_start3A_135 = arith.constant 0 : i32
      %dma_start3A_136 = arith.constant 0 : i32
      %dma_start3A_137 = tpu.memref_slice %arg2[%dma_start3A_135, %dma_start3A_136] : memref<10000x128xf32, #tpu.memory_space<hbm>> -> memref<10000x128xf32, #tpu.memory_space<hbm>>
      tpu.enqueue_indirect_dma source(%dma_start3A_137 : memref<10000x128xf32, #tpu.memory_space<hbm>>) target(%arg10 : memref<80x128xf32, #tpu.memory_space<vmem>>) offsets(%dma_start3A_134 : memref<80xi32, #tpu.memory_space<vmem>>) semaphore(%arg14 : memref<!tpu.dma_semaphore, #tpu.memory_space<semaphore_mem>>)
      %dma_wait3A_138 = arith.constant 1 : i32
      %dma_wait3A_139 = arith.constant 0 : i32
      %dma_wait3A_140 = tpu.memref_slice %arg8[%dma_wait3A_138, %dma_wait3A_139] : memref<25x80xi32, #tpu.memory_space<vmem>> -> memref<1x80xi32, #tpu.memory_space<vmem>>
      %dma_wait3A_141 = tpu.memref_squeeze %dma_wait3A_140 : memref<1x80xi32, #tpu.memory_space<vmem>> -> memref<80xi32, #tpu.memory_space<vmem>>
      %dma_wait3A_142 = arith.constant 0 : i32
      %dma_wait3A_143 = arith.constant 0 : i32
      %dma_wait3A_144 = tpu.memref_slice %arg2[%dma_wait3A_142, %dma_wait3A_143] : memref<10000x128xf32, #tpu.memory_space<hbm>> -> memref<10000x128xf32, #tpu.memory_space<hbm>>
      tpu.wait_indirect_dma semaphore(%arg15 : memref<!tpu.dma_semaphore, #tpu.memory_space<semaphore_mem>>) src(%dma_wait3A_144 : memref<10000x128xf32, #tpu.memory_space<hbm>>) dst(%arg11 : memref<80x128xf32, #tpu.memory_space<vmem>>)
      %dma_start3A_145 = arith.constant 1 : i32
      %dma_start3A_146 = arith.constant 0 : i32
      %dma_start3A_147 = tpu.memref_slice %arg9[%dma_start3A_145, %dma_start3A_146] : memref<25x80xi32, #tpu.memory_space<vmem>> -> memref<1x80xi32, #tpu.memory_space<vmem>>
      %dma_start3A_148 = tpu.memref_squeeze %dma_start3A_147 : memref<1x80xi32, #tpu.memory_space<vmem>> -> memref<80xi32, #tpu.memory_space<vmem>>
      %dma_start3A_149 = arith.constant 0 : i32
      %dma_start3A_150 = arith.constant 0 : i32
      %dma_start3A_151 = tpu.memref_slice %arg6[%dma_start3A_149, %dma_start3A_150] : memref<10240x128xf32, #tpu.memory_space<vmem_shared>> -> memref<10240x128xf32, #tpu.memory_space<vmem_shared>>
      tpu.enqueue_indirect_dma source(%arg11 : memref<80x128xf32, #tpu.memory_space<vmem>>) target(%dma_start3A_151 : memref<10240x128xf32, #tpu.memory_space<vmem_shared>>) offsets(%dma_start3A_148 : memref<80xi32, #tpu.memory_space<vmem>>) semaphore(%arg16 : memref<!tpu.dma_semaphore, #tpu.memory_space<semaphore_mem>>) {add = true}
      %run_scoped3A_152 = arith.constant 1 : i32
      "tpu.region"() ({
        %run_scoped3A_821 = tpu.sem_alloc : memref<!tpu.dma_semaphore, #tpu.memory_space<semaphore_mem>>
        %dma_start3A_822 = arith.constant 0 : i32
        %dma_start3A_823 = tpu.memref_slice %arg9[%run_scoped3A_152, %dma_start3A_822] : memref<25x80xi32, #tpu.memory_space<vmem>> -> memref<1x80xi32, #tpu.memory_space<vmem>>
        %dma_start3A_824 = tpu.memref_squeeze %dma_start3A_823 : memref<1x80xi32, #tpu.memory_space<vmem>> -> memref<80xi32, #tpu.memory_space<vmem>>
        %dma_start3A_825 = arith.constant 0 : i32
        %dma_start3A_826 = tpu.memref_slice %arg7[%dma_start3A_825] : memref<10240xf32, #tpu.memory_space<vmem_shared>> -> memref<10240xf32, #tpu.memory_space<vmem_shared>>
        tpu.enqueue_indirect_dma source(%arg12 : memref<80xf32, #tpu.memory_space<vmem>>) target(%dma_start3A_826 : memref<10240xf32, #tpu.memory_space<vmem_shared>>) offsets(%dma_start3A_824 : memref<80xi32, #tpu.memory_space<vmem>>) semaphore(%run_scoped3A_821 : memref<!tpu.dma_semaphore, #tpu.memory_space<semaphore_mem>>) {add = true}
        %dma_wait3A_827 = arith.constant 0 : i32
        %dma_wait3A_828 = tpu.memref_slice %arg9[%run_scoped3A_152, %dma_wait3A_827] : memref<25x80xi32, #tpu.memory_space<vmem>> -> memref<1x80xi32, #tpu.memory_space<vmem>>
        %dma_wait3A_829 = tpu.memref_squeeze %dma_wait3A_828 : memref<1x80xi32, #tpu.memory_space<vmem>> -> memref<80xi32, #tpu.memory_space<vmem>>
        %dma_wait3A_830 = arith.constant 0 : i32
        %dma_wait3A_831 = tpu.memref_slice %arg7[%dma_wait3A_830] : memref<10240xf32, #tpu.memory_space<vmem_shared>> -> memref<10240xf32, #tpu.memory_space<vmem_shared>>
        tpu.wait_indirect_dma semaphore(%run_scoped3A_821 : memref<!tpu.dma_semaphore, #tpu.memory_space<semaphore_mem>>) src(%arg12 : memref<80xf32, #tpu.memory_space<vmem>>) dst(%dma_wait3A_831 : memref<10240xf32, #tpu.memory_space<vmem_shared>>)
        tpu.yield
      }) : () -> ()
      %dma_wait3A_153 = arith.constant 1 : i32
      %dma_wait3A_154 = arith.constant 0 : i32
      %dma_wait3A_155 = tpu.memref_slice %arg9[%dma_wait3A_153, %dma_wait3A_154] : memref<25x80xi32, #tpu.memory_space<vmem>> -> memref<1x80xi32, #tpu.memory_space<vmem>>
      %dma_wait3A_156 = tpu.memref_squeeze %dma_wait3A_155 : memref<1x80xi32, #tpu.memory_space<vmem>> -> memref<80xi32, #tpu.memory_space<vmem>>
      %dma_wait3A_157 = arith.constant 0 : i32
      %dma_wait3A_158 = arith.constant 0 : i32
      %dma_wait3A_159 = tpu.memref_slice %arg6[%dma_wait3A_157, %dma_wait3A_158] : memref<10240x128xf32, #tpu.memory_space<vmem_shared>> -> memref<10240x128xf32, #tpu.memory_space<vmem_shared>>
      tpu.wait_indirect_dma semaphore(%arg16 : memref<!tpu.dma_semaphore, #tpu.memory_space<semaphore_mem>>) src(%arg11 : memref<80x128xf32, #tpu.memory_space<vmem>>) dst(%dma_wait3A_159 : memref<10240x128xf32, #tpu.memory_space<vmem_shared>>)
      %dma_start3A_160 = arith.constant 3 : i32
      %dma_start3A_161 = arith.constant 0 : i32
      %dma_start3A_162 = tpu.memref_slice %arg8[%dma_start3A_160, %dma_start3A_161] : memref<25x80xi32, #tpu.memory_space<vmem>> -> memref<1x80xi32, #tpu.memory_space<vmem>>
      %dma_start3A_163 = tpu.memref_squeeze %dma_start3A_162 : memref<1x80xi32, #tpu.memory_space<vmem>> -> memref<80xi32, #tpu.memory_space<vmem>>
      %dma_start3A_164 = arith.constant 0 : i32
      %dma_start3A_165 = arith.constant 0 : i32
      %dma_start3A_166 = tpu.memref_slice %arg2[%dma_start3A_164, %dma_start3A_165] : memref<10000x128xf32, #tpu.memory_space<hbm>> -> memref<10000x128xf32, #tpu.memory_space<hbm>>
      tpu.enqueue_indirect_dma source(%dma_start3A_166 : memref<10000x128xf32, #tpu.memory_space<hbm>>) target(%arg11 : memref<80x128xf32, #tpu.memory_space<vmem>>) offsets(%dma_start3A_163 : memref<80xi32, #tpu.memory_space<vmem>>) semaphore(%arg15 : memref<!tpu.dma_semaphore, #tpu.memory_space<semaphore_mem>>)
      %dma_wait3A_167 = arith.constant 2 : i32
      %dma_wait3A_168 = arith.constant 0 : i32
      %dma_wait3A_169 = tpu.memref_slice %arg8[%dma_wait3A_167, %dma_wait3A_168] : memref<25x80xi32, #tpu.memory_space<vmem>> -> memref<1x80xi32, #tpu.memory_space<vmem>>
      %dma_wait3A_170 = tpu.memref_squeeze %dma_wait3A_169 : memref<1x80xi32, #tpu.memory_space<vmem>> -> memref<80xi32, #tpu.memory_space<vmem>>
      %dma_wait3A_171 = arith.constant 0 : i32
      %dma_wait3A_172 = arith.constant 0 : i32
      %dma_wait3A_173 = tpu.memref_slice %arg2[%dma_wait3A_171, %dma_wait3A_172] : memref<10000x128xf32, #tpu.memory_space<hbm>> -> memref<10000x128xf32, #tpu.memory_space<hbm>>
      tpu.wait_indirect_dma semaphore(%arg14 : memref<!tpu.dma_semaphore, #tpu.memory_space<semaphore_mem>>) src(%dma_wait3A_173 : memref<10000x128xf32, #tpu.memory_space<hbm>>) dst(%arg10 : memref<80x128xf32, #tpu.memory_space<vmem>>)
      %dma_start3A_174 = arith.constant 2 : i32
      %dma_start3A_175 = arith.constant 0 : i32
      %dma_start3A_176 = tpu.memref_slice %arg9[%dma_start3A_174, %dma_start3A_175] : memref<25x80xi32, #tpu.memory_space<vmem>> -> memref<1x80xi32, #tpu.memory_space<vmem>>
      %dma_start3A_177 = tpu.memref_squeeze %dma_start3A_176 : memref<1x80xi32, #tpu.memory_space<vmem>> -> memref<80xi32, #tpu.memory_space<vmem>>
      %dma_start3A_178 = arith.constant 0 : i32
      %dma_start3A_179 = arith.constant 0 : i32
      %dma_start3A_180 = tpu.memref_slice %arg6[%dma_start3A_178, %dma_start3A_179] : memref<10240x128xf32, #tpu.memory_space<vmem_shared>> -> memref<10240x128xf32, #tpu.memory_space<vmem_shared>>
      tpu.enqueue_indirect_dma source(%arg10 : memref<80x128xf32, #tpu.memory_space<vmem>>) target(%dma_start3A_180 : memref<10240x128xf32, #tpu.memory_space<vmem_shared>>) offsets(%dma_start3A_177 : memref<80xi32, #tpu.memory_space<vmem>>) semaphore(%arg16 : memref<!tpu.dma_semaphore, #tpu.memory_space<semaphore_mem>>) {add = true}
      %run_scoped3A_181 = arith.constant 2 : i32
      "tpu.region"() ({
        %run_scoped3A_821 = tpu.sem_alloc : memref<!tpu.dma_semaphore, #tpu.memory_space<semaphore_mem>>
        %dma_start3A_822 = arith.constant 0 : i32
        %dma_start3A_823 = tpu.memref_slice %arg9[%run_scoped3A_181, %dma_start3A_822] : memref<25x80xi32, #tpu.memory_space<vmem>> -> memref<1x80xi32, #tpu.memory_space<vmem>>
        %dma_start3A_824 = tpu.memref_squeeze %dma_start3A_823 : memref<1x80xi32, #tpu.memory_space<vmem>> -> memref<80xi32, #tpu.memory_space<vmem>>
        %dma_start3A_825 = arith.constant 0 : i32
        %dma_start3A_826 = tpu.memref_slice %arg7[%dma_start3A_825] : memref<10240xf32, #tpu.memory_space<vmem_shared>> -> memref<10240xf32, #tpu.memory_space<vmem_shared>>
        tpu.enqueue_indirect_dma source(%arg12 : memref<80xf32, #tpu.memory_space<vmem>>) target(%dma_start3A_826 : memref<10240xf32, #tpu.memory_space<vmem_shared>>) offsets(%dma_start3A_824 : memref<80xi32, #tpu.memory_space<vmem>>) semaphore(%run_scoped3A_821 : memref<!tpu.dma_semaphore, #tpu.memory_space<semaphore_mem>>) {add = true}
        %dma_wait3A_827 = arith.constant 0 : i32
        %dma_wait3A_828 = tpu.memref_slice %arg9[%run_scoped3A_181, %dma_wait3A_827] : memref<25x80xi32, #tpu.memory_space<vmem>> -> memref<1x80xi32, #tpu.memory_space<vmem>>
        %dma_wait3A_829 = tpu.memref_squeeze %dma_wait3A_828 : memref<1x80xi32, #tpu.memory_space<vmem>> -> memref<80xi32, #tpu.memory_space<vmem>>
        %dma_wait3A_830 = arith.constant 0 : i32
        %dma_wait3A_831 = tpu.memref_slice %arg7[%dma_wait3A_830] : memref<10240xf32, #tpu.memory_space<vmem_shared>> -> memref<10240xf32, #tpu.memory_space<vmem_shared>>
        tpu.wait_indirect_dma semaphore(%run_scoped3A_821 : memref<!tpu.dma_semaphore, #tpu.memory_space<semaphore_mem>>) src(%arg12 : memref<80xf32, #tpu.memory_space<vmem>>) dst(%dma_wait3A_831 : memref<10240xf32, #tpu.memory_space<vmem_shared>>)
        tpu.yield
      }) : () -> ()
      %dma_wait3A_182 = arith.constant 2 : i32
      %dma_wait3A_183 = arith.constant 0 : i32
      %dma_wait3A_184 = tpu.memref_slice %arg9[%dma_wait3A_182, %dma_wait3A_183] : memref<25x80xi32, #tpu.memory_space<vmem>> -> memref<1x80xi32, #tpu.memory_space<vmem>>
      %dma_wait3A_185 = tpu.memref_squeeze %dma_wait3A_184 : memref<1x80xi32, #tpu.memory_space<vmem>> -> memref<80xi32, #tpu.memory_space<vmem>>
      %dma_wait3A_186 = arith.constant 0 : i32
      %dma_wait3A_187 = arith.constant 0 : i32
      %dma_wait3A_188 = tpu.memref_slice %arg6[%dma_wait3A_186, %dma_wait3A_187] : memref<10240x128xf32, #tpu.memory_space<vmem_shared>> -> memref<10240x128xf32, #tpu.memory_space<vmem_shared>>
      tpu.wait_indirect_dma semaphore(%arg16 : memref<!tpu.dma_semaphore, #tpu.memory_space<semaphore_mem>>) src(%arg10 : memref<80x128xf32, #tpu.memory_space<vmem>>) dst(%dma_wait3A_188 : memref<10240x128xf32, #tpu.memory_space<vmem_shared>>)
      %dma_start3A_189 = arith.constant 4 : i32
      %dma_start3A_190 = arith.constant 0 : i32
      %dma_start3A_191 = tpu.memref_slice %arg8[%dma_start3A_189, %dma_start3A_190] : memref<25x80xi32, #tpu.memory_space<vmem>> -> memref<1x80xi32, #tpu.memory_space<vmem>>
      %dma_start3A_192 = tpu.memref_squeeze %dma_start3A_191 : memref<1x80xi32, #tpu.memory_space<vmem>> -> memref<80xi32, #tpu.memory_space<vmem>>
      %dma_start3A_193 = arith.constant 0 : i32
      %dma_start3A_194 = arith.constant 0 : i32
      %dma_start3A_195 = tpu.memref_slice %arg2[%dma_start3A_193, %dma_start3A_194] : memref<10000x128xf32, #tpu.memory_space<hbm>> -> memref<10000x128xf32, #tpu.memory_space<hbm>>
      tpu.enqueue_indirect_dma source(%dma_start3A_195 : memref<10000x128xf32, #tpu.memory_space<hbm>>) target(%arg10 : memref<80x128xf32, #tpu.memory_space<vmem>>) offsets(%dma_start3A_192 : memref<80xi32, #tpu.memory_space<vmem>>) semaphore(%arg14 : memref<!tpu.dma_semaphore, #tpu.memory_space<semaphore_mem>>)
      %dma_wait3A_196 = arith.constant 3 : i32
      %dma_wait3A_197 = arith.constant 0 : i32
      %dma_wait3A_198 = tpu.memref_slice %arg8[%dma_wait3A_196, %dma_wait3A_197] : memref<25x80xi32, #tpu.memory_space<vmem>> -> memref<1x80xi32, #tpu.memory_space<vmem>>
      %dma_wait3A_199 = tpu.memref_squeeze %dma_wait3A_198 : memref<1x80xi32, #tpu.memory_space<vmem>> -> memref<80xi32, #tpu.memory_space<vmem>>
      %dma_wait3A_200 = arith.constant 0 : i32
      %dma_wait3A_201 = arith.constant 0 : i32
      %dma_wait3A_202 = tpu.memref_slice %arg2[%dma_wait3A_200, %dma_wait3A_201] : memref<10000x128xf32, #tpu.memory_space<hbm>> -> memref<10000x128xf32, #tpu.memory_space<hbm>>
      tpu.wait_indirect_dma semaphore(%arg15 : memref<!tpu.dma_semaphore, #tpu.memory_space<semaphore_mem>>) src(%dma_wait3A_202 : memref<10000x128xf32, #tpu.memory_space<hbm>>) dst(%arg11 : memref<80x128xf32, #tpu.memory_space<vmem>>)
      %dma_start3A_203 = arith.constant 3 : i32
      %dma_start3A_204 = arith.constant 0 : i32
      %dma_start3A_205 = tpu.memref_slice %arg9[%dma_start3A_203, %dma_start3A_204] : memref<25x80xi32, #tpu.memory_space<vmem>> -> memref<1x80xi32, #tpu.memory_space<vmem>>
      %dma_start3A_206 = tpu.memref_squeeze %dma_start3A_205 : memref<1x80xi32, #tpu.memory_space<vmem>> -> memref<80xi32, #tpu.memory_space<vmem>>
      %dma_start3A_207 = arith.constant 0 : i32
      %dma_start3A_208 = arith.constant 0 : i32
      %dma_start3A_209 = tpu.memref_slice %arg6[%dma_start3A_207, %dma_start3A_208] : memref<10240x128xf32, #tpu.memory_space<vmem_shared>> -> memref<10240x128xf32, #tpu.memory_space<vmem_shared>>
      tpu.enqueue_indirect_dma source(%arg11 : memref<80x128xf32, #tpu.memory_space<vmem>>) target(%dma_start3A_209 : memref<10240x128xf32, #tpu.memory_space<vmem_shared>>) offsets(%dma_start3A_206 : memref<80xi32, #tpu.memory_space<vmem>>) semaphore(%arg16 : memref<!tpu.dma_semaphore, #tpu.memory_space<semaphore_mem>>) {add = true}
      %run_scoped3A_210 = arith.constant 3 : i32
      "tpu.region"() ({
        %run_scoped3A_821 = tpu.sem_alloc : memref<!tpu.dma_semaphore, #tpu.memory_space<semaphore_mem>>
        %dma_start3A_822 = arith.constant 0 : i32
        %dma_start3A_823 = tpu.memref_slice %arg9[%run_scoped3A_210, %dma_start3A_822] : memref<25x80xi32, #tpu.memory_space<vmem>> -> memref<1x80xi32, #tpu.memory_space<vmem>>
        %dma_start3A_824 = tpu.memref_squeeze %dma_start3A_823 : memref<1x80xi32, #tpu.memory_space<vmem>> -> memref<80xi32, #tpu.memory_space<vmem>>
        %dma_start3A_825 = arith.constant 0 : i32
        %dma_start3A_826 = tpu.memref_slice %arg7[%dma_start3A_825] : memref<10240xf32, #tpu.memory_space<vmem_shared>> -> memref<10240xf32, #tpu.memory_space<vmem_shared>>
        tpu.enqueue_indirect_dma source(%arg12 : memref<80xf32, #tpu.memory_space<vmem>>) target(%dma_start3A_826 : memref<10240xf32, #tpu.memory_space<vmem_shared>>) offsets(%dma_start3A_824 : memref<80xi32, #tpu.memory_space<vmem>>) semaphore(%run_scoped3A_821 : memref<!tpu.dma_semaphore, #tpu.memory_space<semaphore_mem>>) {add = true}
        %dma_wait3A_827 = arith.constant 0 : i32
        %dma_wait3A_828 = tpu.memref_slice %arg9[%run_scoped3A_210, %dma_wait3A_827] : memref<25x80xi32, #tpu.memory_space<vmem>> -> memref<1x80xi32, #tpu.memory_space<vmem>>
        %dma_wait3A_829 = tpu.memref_squeeze %dma_wait3A_828 : memref<1x80xi32, #tpu.memory_space<vmem>> -> memref<80xi32, #tpu.memory_space<vmem>>
        %dma_wait3A_830 = arith.constant 0 : i32
        %dma_wait3A_831 = tpu.memref_slice %arg7[%dma_wait3A_830] : memref<10240xf32, #tpu.memory_space<vmem_shared>> -> memref<10240xf32, #tpu.memory_space<vmem_shared>>
        tpu.wait_indirect_dma semaphore(%run_scoped3A_821 : memref<!tpu.dma_semaphore, #tpu.memory_space<semaphore_mem>>) src(%arg12 : memref<80xf32, #tpu.memory_space<vmem>>) dst(%dma_wait3A_831 : memref<10240xf32, #tpu.memory_space<vmem_shared>>)
        tpu.yield
      }) : () -> ()
      %dma_wait3A_211 = arith.constant 3 : i32
      %dma_wait3A_212 = arith.constant 0 : i32
      %dma_wait3A_213 = tpu.memref_slice %arg9[%dma_wait3A_211, %dma_wait3A_212] : memref<25x80xi32, #tpu.memory_space<vmem>> -> memref<1x80xi32, #tpu.memory_space<vmem>>
      %dma_wait3A_214 = tpu.memref_squeeze %dma_wait3A_213 : memref<1x80xi32, #tpu.memory_space<vmem>> -> memref<80xi32, #tpu.memory_space<vmem>>
      %dma_wait3A_215 = arith.constant 0 : i32
      %dma_wait3A_216 = arith.constant 0 : i32
      %dma_wait3A_217 = tpu.memref_slice %arg6[%dma_wait3A_215, %dma_wait3A_216] : memref<10240x128xf32, #tpu.memory_space<vmem_shared>> -> memref<10240x128xf32, #tpu.memory_space<vmem_shared>>
      tpu.wait_indirect_dma semaphore(%arg16 : memref<!tpu.dma_semaphore, #tpu.memory_space<semaphore_mem>>) src(%arg11 : memref<80x128xf32, #tpu.memory_space<vmem>>) dst(%dma_wait3A_217 : memref<10240x128xf32, #tpu.memory_space<vmem_shared>>)
      %dma_start3A_218 = arith.constant 5 : i32
      %dma_start3A_219 = arith.constant 0 : i32
      %dma_start3A_220 = tpu.memref_slice %arg8[%dma_start3A_218, %dma_start3A_219] : memref<25x80xi32, #tpu.memory_space<vmem>> -> memref<1x80xi32, #tpu.memory_space<vmem>>
      %dma_start3A_221 = tpu.memref_squeeze %dma_start3A_220 : memref<1x80xi32, #tpu.memory_space<vmem>> -> memref<80xi32, #tpu.memory_space<vmem>>
      %dma_start3A_222 = arith.constant 0 : i32
      %dma_start3A_223 = arith.constant 0 : i32
      %dma_start3A_224 = tpu.memref_slice %arg2[%dma_start3A_222, %dma_start3A_223] : memref<10000x128xf32, #tpu.memory_space<hbm>> -> memref<10000x128xf32, #tpu.memory_space<hbm>>
      tpu.enqueue_indirect_dma source(%dma_start3A_224 : memref<10000x128xf32, #tpu.memory_space<hbm>>) target(%arg11 : memref<80x128xf32, #tpu.memory_space<vmem>>) offsets(%dma_start3A_221 : memref<80xi32, #tpu.memory_space<vmem>>) semaphore(%arg15 : memref<!tpu.dma_semaphore, #tpu.memory_space<semaphore_mem>>)
      %dma_wait3A_225 = arith.constant 4 : i32
      %dma_wait3A_226 = arith.constant 0 : i32
      %dma_wait3A_227 = tpu.memref_slice %arg8[%dma_wait3A_225, %dma_wait3A_226] : memref<25x80xi32, #tpu.memory_space<vmem>> -> memref<1x80xi32, #tpu.memory_space<vmem>>
      %dma_wait3A_228 = tpu.memref_squeeze %dma_wait3A_227 : memref<1x80xi32, #tpu.memory_space<vmem>> -> memref<80xi32, #tpu.memory_space<vmem>>
      %dma_wait3A_229 = arith.constant 0 : i32
      %dma_wait3A_230 = arith.constant 0 : i32
      %dma_wait3A_231 = tpu.memref_slice %arg2[%dma_wait3A_229, %dma_wait3A_230] : memref<10000x128xf32, #tpu.memory_space<hbm>> -> memref<10000x128xf32, #tpu.memory_space<hbm>>
      tpu.wait_indirect_dma semaphore(%arg14 : memref<!tpu.dma_semaphore, #tpu.memory_space<semaphore_mem>>) src(%dma_wait3A_231 : memref<10000x128xf32, #tpu.memory_space<hbm>>) dst(%arg10 : memref<80x128xf32, #tpu.memory_space<vmem>>)
      %dma_start3A_232 = arith.constant 4 : i32
      %dma_start3A_233 = arith.constant 0 : i32
      %dma_start3A_234 = tpu.memref_slice %arg9[%dma_start3A_232, %dma_start3A_233] : memref<25x80xi32, #tpu.memory_space<vmem>> -> memref<1x80xi32, #tpu.memory_space<vmem>>
      %dma_start3A_235 = tpu.memref_squeeze %dma_start3A_234 : memref<1x80xi32, #tpu.memory_space<vmem>> -> memref<80xi32, #tpu.memory_space<vmem>>
      %dma_start3A_236 = arith.constant 0 : i32
      %dma_start3A_237 = arith.constant 0 : i32
      %dma_start3A_238 = tpu.memref_slice %arg6[%dma_start3A_236, %dma_start3A_237] : memref<10240x128xf32, #tpu.memory_space<vmem_shared>> -> memref<10240x128xf32, #tpu.memory_space<vmem_shared>>
      tpu.enqueue_indirect_dma source(%arg10 : memref<80x128xf32, #tpu.memory_space<vmem>>) target(%dma_start3A_238 : memref<10240x128xf32, #tpu.memory_space<vmem_shared>>) offsets(%dma_start3A_235 : memref<80xi32, #tpu.memory_space<vmem>>) semaphore(%arg16 : memref<!tpu.dma_semaphore, #tpu.memory_space<semaphore_mem>>) {add = true}
      %run_scoped3A_239 = arith.constant 4 : i32
      "tpu.region"() ({
        %run_scoped3A_821 = tpu.sem_alloc : memref<!tpu.dma_semaphore, #tpu.memory_space<semaphore_mem>>
        %dma_start3A_822 = arith.constant 0 : i32
        %dma_start3A_823 = tpu.memref_slice %arg9[%run_scoped3A_239, %dma_start3A_822] : memref<25x80xi32, #tpu.memory_space<vmem>> -> memref<1x80xi32, #tpu.memory_space<vmem>>
        %dma_start3A_824 = tpu.memref_squeeze %dma_start3A_823 : memref<1x80xi32, #tpu.memory_space<vmem>> -> memref<80xi32, #tpu.memory_space<vmem>>
        %dma_start3A_825 = arith.constant 0 : i32
        %dma_start3A_826 = tpu.memref_slice %arg7[%dma_start3A_825] : memref<10240xf32, #tpu.memory_space<vmem_shared>> -> memref<10240xf32, #tpu.memory_space<vmem_shared>>
        tpu.enqueue_indirect_dma source(%arg12 : memref<80xf32, #tpu.memory_space<vmem>>) target(%dma_start3A_826 : memref<10240xf32, #tpu.memory_space<vmem_shared>>) offsets(%dma_start3A_824 : memref<80xi32, #tpu.memory_space<vmem>>) semaphore(%run_scoped3A_821 : memref<!tpu.dma_semaphore, #tpu.memory_space<semaphore_mem>>) {add = true}
        %dma_wait3A_827 = arith.constant 0 : i32
        %dma_wait3A_828 = tpu.memref_slice %arg9[%run_scoped3A_239, %dma_wait3A_827] : memref<25x80xi32, #tpu.memory_space<vmem>> -> memref<1x80xi32, #tpu.memory_space<vmem>>
        %dma_wait3A_829 = tpu.memref_squeeze %dma_wait3A_828 : memref<1x80xi32, #tpu.memory_space<vmem>> -> memref<80xi32, #tpu.memory_space<vmem>>
        %dma_wait3A_830 = arith.constant 0 : i32
        %dma_wait3A_831 = tpu.memref_slice %arg7[%dma_wait3A_830] : memref<10240xf32, #tpu.memory_space<vmem_shared>> -> memref<10240xf32, #tpu.memory_space<vmem_shared>>
        tpu.wait_indirect_dma semaphore(%run_scoped3A_821 : memref<!tpu.dma_semaphore, #tpu.memory_space<semaphore_mem>>) src(%arg12 : memref<80xf32, #tpu.memory_space<vmem>>) dst(%dma_wait3A_831 : memref<10240xf32, #tpu.memory_space<vmem_shared>>)
        tpu.yield
      }) : () -> ()
      %dma_wait3A_240 = arith.constant 4 : i32
      %dma_wait3A_241 = arith.constant 0 : i32
      %dma_wait3A_242 = tpu.memref_slice %arg9[%dma_wait3A_240, %dma_wait3A_241] : memref<25x80xi32, #tpu.memory_space<vmem>> -> memref<1x80xi32, #tpu.memory_space<vmem>>
      %dma_wait3A_243 = tpu.memref_squeeze %dma_wait3A_242 : memref<1x80xi32, #tpu.memory_space<vmem>> -> memref<80xi32, #tpu.memory_space<vmem>>
      %dma_wait3A_244 = arith.constant 0 : i32
      %dma_wait3A_245 = arith.constant 0 : i32
      %dma_wait3A_246 = tpu.memref_slice %arg6[%dma_wait3A_244, %dma_wait3A_245] : memref<10240x128xf32, #tpu.memory_space<vmem_shared>> -> memref<10240x128xf32, #tpu.memory_space<vmem_shared>>
      tpu.wait_indirect_dma semaphore(%arg16 : memref<!tpu.dma_semaphore, #tpu.memory_space<semaphore_mem>>) src(%arg10 : memref<80x128xf32, #tpu.memory_space<vmem>>) dst(%dma_wait3A_246 : memref<10240x128xf32, #tpu.memory_space<vmem_shared>>)
      %dma_start3A_247 = arith.constant 6 : i32
      %dma_start3A_248 = arith.constant 0 : i32
      %dma_start3A_249 = tpu.memref_slice %arg8[%dma_start3A_247, %dma_start3A_248] : memref<25x80xi32, #tpu.memory_space<vmem>> -> memref<1x80xi32, #tpu.memory_space<vmem>>
      %dma_start3A_250 = tpu.memref_squeeze %dma_start3A_249 : memref<1x80xi32, #tpu.memory_space<vmem>> -> memref<80xi32, #tpu.memory_space<vmem>>
      %dma_start3A_251 = arith.constant 0 : i32
      %dma_start3A_252 = arith.constant 0 : i32
      %dma_start3A_253 = tpu.memref_slice %arg2[%dma_start3A_251, %dma_start3A_252] : memref<10000x128xf32, #tpu.memory_space<hbm>> -> memref<10000x128xf32, #tpu.memory_space<hbm>>
      tpu.enqueue_indirect_dma source(%dma_start3A_253 : memref<10000x128xf32, #tpu.memory_space<hbm>>) target(%arg10 : memref<80x128xf32, #tpu.memory_space<vmem>>) offsets(%dma_start3A_250 : memref<80xi32, #tpu.memory_space<vmem>>) semaphore(%arg14 : memref<!tpu.dma_semaphore, #tpu.memory_space<semaphore_mem>>)
      %dma_wait3A_254 = arith.constant 5 : i32
      %dma_wait3A_255 = arith.constant 0 : i32
      %dma_wait3A_256 = tpu.memref_slice %arg8[%dma_wait3A_254, %dma_wait3A_255] : memref<25x80xi32, #tpu.memory_space<vmem>> -> memref<1x80xi32, #tpu.memory_space<vmem>>
      %dma_wait3A_257 = tpu.memref_squeeze %dma_wait3A_256 : memref<1x80xi32, #tpu.memory_space<vmem>> -> memref<80xi32, #tpu.memory_space<vmem>>
      %dma_wait3A_258 = arith.constant 0 : i32
      %dma_wait3A_259 = arith.constant 0 : i32
      %dma_wait3A_260 = tpu.memref_slice %arg2[%dma_wait3A_258, %dma_wait3A_259] : memref<10000x128xf32, #tpu.memory_space<hbm>> -> memref<10000x128xf32, #tpu.memory_space<hbm>>
      tpu.wait_indirect_dma semaphore(%arg15 : memref<!tpu.dma_semaphore, #tpu.memory_space<semaphore_mem>>) src(%dma_wait3A_260 : memref<10000x128xf32, #tpu.memory_space<hbm>>) dst(%arg11 : memref<80x128xf32, #tpu.memory_space<vmem>>)
      %dma_start3A_261 = arith.constant 5 : i32
      %dma_start3A_262 = arith.constant 0 : i32
      %dma_start3A_263 = tpu.memref_slice %arg9[%dma_start3A_261, %dma_start3A_262] : memref<25x80xi32, #tpu.memory_space<vmem>> -> memref<1x80xi32, #tpu.memory_space<vmem>>
      %dma_start3A_264 = tpu.memref_squeeze %dma_start3A_263 : memref<1x80xi32, #tpu.memory_space<vmem>> -> memref<80xi32, #tpu.memory_space<vmem>>
      %dma_start3A_265 = arith.constant 0 : i32
      %dma_start3A_266 = arith.constant 0 : i32
      %dma_start3A_267 = tpu.memref_slice %arg6[%dma_start3A_265, %dma_start3A_266] : memref<10240x128xf32, #tpu.memory_space<vmem_shared>> -> memref<10240x128xf32, #tpu.memory_space<vmem_shared>>
      tpu.enqueue_indirect_dma source(%arg11 : memref<80x128xf32, #tpu.memory_space<vmem>>) target(%dma_start3A_267 : memref<10240x128xf32, #tpu.memory_space<vmem_shared>>) offsets(%dma_start3A_264 : memref<80xi32, #tpu.memory_space<vmem>>) semaphore(%arg16 : memref<!tpu.dma_semaphore, #tpu.memory_space<semaphore_mem>>) {add = true}
      %run_scoped3A_268 = arith.constant 5 : i32
      "tpu.region"() ({
        %run_scoped3A_821 = tpu.sem_alloc : memref<!tpu.dma_semaphore, #tpu.memory_space<semaphore_mem>>
        %dma_start3A_822 = arith.constant 0 : i32
        %dma_start3A_823 = tpu.memref_slice %arg9[%run_scoped3A_268, %dma_start3A_822] : memref<25x80xi32, #tpu.memory_space<vmem>> -> memref<1x80xi32, #tpu.memory_space<vmem>>
        %dma_start3A_824 = tpu.memref_squeeze %dma_start3A_823 : memref<1x80xi32, #tpu.memory_space<vmem>> -> memref<80xi32, #tpu.memory_space<vmem>>
        %dma_start3A_825 = arith.constant 0 : i32
        %dma_start3A_826 = tpu.memref_slice %arg7[%dma_start3A_825] : memref<10240xf32, #tpu.memory_space<vmem_shared>> -> memref<10240xf32, #tpu.memory_space<vmem_shared>>
        tpu.enqueue_indirect_dma source(%arg12 : memref<80xf32, #tpu.memory_space<vmem>>) target(%dma_start3A_826 : memref<10240xf32, #tpu.memory_space<vmem_shared>>) offsets(%dma_start3A_824 : memref<80xi32, #tpu.memory_space<vmem>>) semaphore(%run_scoped3A_821 : memref<!tpu.dma_semaphore, #tpu.memory_space<semaphore_mem>>) {add = true}
        %dma_wait3A_827 = arith.constant 0 : i32
        %dma_wait3A_828 = tpu.memref_slice %arg9[%run_scoped3A_268, %dma_wait3A_827] : memref<25x80xi32, #tpu.memory_space<vmem>> -> memref<1x80xi32, #tpu.memory_space<vmem>>
        %dma_wait3A_829 = tpu.memref_squeeze %dma_wait3A_828 : memref<1x80xi32, #tpu.memory_space<vmem>> -> memref<80xi32, #tpu.memory_space<vmem>>
        %dma_wait3A_830 = arith.constant 0 : i32
        %dma_wait3A_831 = tpu.memref_slice %arg7[%dma_wait3A_830] : memref<10240xf32, #tpu.memory_space<vmem_shared>> -> memref<10240xf32, #tpu.memory_space<vmem_shared>>
        tpu.wait_indirect_dma semaphore(%run_scoped3A_821 : memref<!tpu.dma_semaphore, #tpu.memory_space<semaphore_mem>>) src(%arg12 : memref<80xf32, #tpu.memory_space<vmem>>) dst(%dma_wait3A_831 : memref<10240xf32, #tpu.memory_space<vmem_shared>>)
        tpu.yield
      }) : () -> ()
      %dma_wait3A_269 = arith.constant 5 : i32
      %dma_wait3A_270 = arith.constant 0 : i32
      %dma_wait3A_271 = tpu.memref_slice %arg9[%dma_wait3A_269, %dma_wait3A_270] : memref<25x80xi32, #tpu.memory_space<vmem>> -> memref<1x80xi32, #tpu.memory_space<vmem>>
      %dma_wait3A_272 = tpu.memref_squeeze %dma_wait3A_271 : memref<1x80xi32, #tpu.memory_space<vmem>> -> memref<80xi32, #tpu.memory_space<vmem>>
      %dma_wait3A_273 = arith.constant 0 : i32
      %dma_wait3A_274 = arith.constant 0 : i32
      %dma_wait3A_275 = tpu.memref_slice %arg6[%dma_wait3A_273, %dma_wait3A_274] : memref<10240x128xf32, #tpu.memory_space<vmem_shared>> -> memref<10240x128xf32, #tpu.memory_space<vmem_shared>>
      tpu.wait_indirect_dma semaphore(%arg16 : memref<!tpu.dma_semaphore, #tpu.memory_space<semaphore_mem>>) src(%arg11 : memref<80x128xf32, #tpu.memory_space<vmem>>) dst(%dma_wait3A_275 : memref<10240x128xf32, #tpu.memory_space<vmem_shared>>)
      %dma_start3A_276 = arith.constant 7 : i32
      %dma_start3A_277 = arith.constant 0 : i32
      %dma_start3A_278 = tpu.memref_slice %arg8[%dma_start3A_276, %dma_start3A_277] : memref<25x80xi32, #tpu.memory_space<vmem>> -> memref<1x80xi32, #tpu.memory_space<vmem>>
      %dma_start3A_279 = tpu.memref_squeeze %dma_start3A_278 : memref<1x80xi32, #tpu.memory_space<vmem>> -> memref<80xi32, #tpu.memory_space<vmem>>
      %dma_start3A_280 = arith.constant 0 : i32
      %dma_start3A_281 = arith.constant 0 : i32
      %dma_start3A_282 = tpu.memref_slice %arg2[%dma_start3A_280, %dma_start3A_281] : memref<10000x128xf32, #tpu.memory_space<hbm>> -> memref<10000x128xf32, #tpu.memory_space<hbm>>
      tpu.enqueue_indirect_dma source(%dma_start3A_282 : memref<10000x128xf32, #tpu.memory_space<hbm>>) target(%arg11 : memref<80x128xf32, #tpu.memory_space<vmem>>) offsets(%dma_start3A_279 : memref<80xi32, #tpu.memory_space<vmem>>) semaphore(%arg15 : memref<!tpu.dma_semaphore, #tpu.memory_space<semaphore_mem>>)
      %dma_wait3A_283 = arith.constant 6 : i32
      %dma_wait3A_284 = arith.constant 0 : i32
      %dma_wait3A_285 = tpu.memref_slice %arg8[%dma_wait3A_283, %dma_wait3A_284] : memref<25x80xi32, #tpu.memory_space<vmem>> -> memref<1x80xi32, #tpu.memory_space<vmem>>
      %dma_wait3A_286 = tpu.memref_squeeze %dma_wait3A_285 : memref<1x80xi32, #tpu.memory_space<vmem>> -> memref<80xi32, #tpu.memory_space<vmem>>
      %dma_wait3A_287 = arith.constant 0 : i32
      %dma_wait3A_288 = arith.constant 0 : i32
      %dma_wait3A_289 = tpu.memref_slice %arg2[%dma_wait3A_287, %dma_wait3A_288] : memref<10000x128xf32, #tpu.memory_space<hbm>> -> memref<10000x128xf32, #tpu.memory_space<hbm>>
      tpu.wait_indirect_dma semaphore(%arg14 : memref<!tpu.dma_semaphore, #tpu.memory_space<semaphore_mem>>) src(%dma_wait3A_289 : memref<10000x128xf32, #tpu.memory_space<hbm>>) dst(%arg10 : memref<80x128xf32, #tpu.memory_space<vmem>>)
      %dma_start3A_290 = arith.constant 6 : i32
      %dma_start3A_291 = arith.constant 0 : i32
      %dma_start3A_292 = tpu.memref_slice %arg9[%dma_start3A_290, %dma_start3A_291] : memref<25x80xi32, #tpu.memory_space<vmem>> -> memref<1x80xi32, #tpu.memory_space<vmem>>
      %dma_start3A_293 = tpu.memref_squeeze %dma_start3A_292 : memref<1x80xi32, #tpu.memory_space<vmem>> -> memref<80xi32, #tpu.memory_space<vmem>>
      %dma_start3A_294 = arith.constant 0 : i32
      %dma_start3A_295 = arith.constant 0 : i32
      %dma_start3A_296 = tpu.memref_slice %arg6[%dma_start3A_294, %dma_start3A_295] : memref<10240x128xf32, #tpu.memory_space<vmem_shared>> -> memref<10240x128xf32, #tpu.memory_space<vmem_shared>>
      tpu.enqueue_indirect_dma source(%arg10 : memref<80x128xf32, #tpu.memory_space<vmem>>) target(%dma_start3A_296 : memref<10240x128xf32, #tpu.memory_space<vmem_shared>>) offsets(%dma_start3A_293 : memref<80xi32, #tpu.memory_space<vmem>>) semaphore(%arg16 : memref<!tpu.dma_semaphore, #tpu.memory_space<semaphore_mem>>) {add = true}
      %run_scoped3A_297 = arith.constant 6 : i32
      "tpu.region"() ({
        %run_scoped3A_821 = tpu.sem_alloc : memref<!tpu.dma_semaphore, #tpu.memory_space<semaphore_mem>>
        %dma_start3A_822 = arith.constant 0 : i32
        %dma_start3A_823 = tpu.memref_slice %arg9[%run_scoped3A_297, %dma_start3A_822] : memref<25x80xi32, #tpu.memory_space<vmem>> -> memref<1x80xi32, #tpu.memory_space<vmem>>
        %dma_start3A_824 = tpu.memref_squeeze %dma_start3A_823 : memref<1x80xi32, #tpu.memory_space<vmem>> -> memref<80xi32, #tpu.memory_space<vmem>>
        %dma_start3A_825 = arith.constant 0 : i32
        %dma_start3A_826 = tpu.memref_slice %arg7[%dma_start3A_825] : memref<10240xf32, #tpu.memory_space<vmem_shared>> -> memref<10240xf32, #tpu.memory_space<vmem_shared>>
        tpu.enqueue_indirect_dma source(%arg12 : memref<80xf32, #tpu.memory_space<vmem>>) target(%dma_start3A_826 : memref<10240xf32, #tpu.memory_space<vmem_shared>>) offsets(%dma_start3A_824 : memref<80xi32, #tpu.memory_space<vmem>>) semaphore(%run_scoped3A_821 : memref<!tpu.dma_semaphore, #tpu.memory_space<semaphore_mem>>) {add = true}
        %dma_wait3A_827 = arith.constant 0 : i32
        %dma_wait3A_828 = tpu.memref_slice %arg9[%run_scoped3A_297, %dma_wait3A_827] : memref<25x80xi32, #tpu.memory_space<vmem>> -> memref<1x80xi32, #tpu.memory_space<vmem>>
        %dma_wait3A_829 = tpu.memref_squeeze %dma_wait3A_828 : memref<1x80xi32, #tpu.memory_space<vmem>> -> memref<80xi32, #tpu.memory_space<vmem>>
        %dma_wait3A_830 = arith.constant 0 : i32
        %dma_wait3A_831 = tpu.memref_slice %arg7[%dma_wait3A_830] : memref<10240xf32, #tpu.memory_space<vmem_shared>> -> memref<10240xf32, #tpu.memory_space<vmem_shared>>
        tpu.wait_indirect_dma semaphore(%run_scoped3A_821 : memref<!tpu.dma_semaphore, #tpu.memory_space<semaphore_mem>>) src(%arg12 : memref<80xf32, #tpu.memory_space<vmem>>) dst(%dma_wait3A_831 : memref<10240xf32, #tpu.memory_space<vmem_shared>>)
        tpu.yield
      }) : () -> ()
      %dma_wait3A_298 = arith.constant 6 : i32
      %dma_wait3A_299 = arith.constant 0 : i32
      %dma_wait3A_300 = tpu.memref_slice %arg9[%dma_wait3A_298, %dma_wait3A_299] : memref<25x80xi32, #tpu.memory_space<vmem>> -> memref<1x80xi32, #tpu.memory_space<vmem>>
      %dma_wait3A_301 = tpu.memref_squeeze %dma_wait3A_300 : memref<1x80xi32, #tpu.memory_space<vmem>> -> memref<80xi32, #tpu.memory_space<vmem>>
      %dma_wait3A_302 = arith.constant 0 : i32
      %dma_wait3A_303 = arith.constant 0 : i32
      %dma_wait3A_304 = tpu.memref_slice %arg6[%dma_wait3A_302, %dma_wait3A_303] : memref<10240x128xf32, #tpu.memory_space<vmem_shared>> -> memref<10240x128xf32, #tpu.memory_space<vmem_shared>>
      tpu.wait_indirect_dma semaphore(%arg16 : memref<!tpu.dma_semaphore, #tpu.memory_space<semaphore_mem>>) src(%arg10 : memref<80x128xf32, #tpu.memory_space<vmem>>) dst(%dma_wait3A_304 : memref<10240x128xf32, #tpu.memory_space<vmem_shared>>)
      %dma_start3A_305 = arith.constant 8 : i32
      %dma_start3A_306 = arith.constant 0 : i32
      %dma_start3A_307 = tpu.memref_slice %arg8[%dma_start3A_305, %dma_start3A_306] : memref<25x80xi32, #tpu.memory_space<vmem>> -> memref<1x80xi32, #tpu.memory_space<vmem>>
      %dma_start3A_308 = tpu.memref_squeeze %dma_start3A_307 : memref<1x80xi32, #tpu.memory_space<vmem>> -> memref<80xi32, #tpu.memory_space<vmem>>
      %dma_start3A_309 = arith.constant 0 : i32
      %dma_start3A_310 = arith.constant 0 : i32
      %dma_start3A_311 = tpu.memref_slice %arg2[%dma_start3A_309, %dma_start3A_310] : memref<10000x128xf32, #tpu.memory_space<hbm>> -> memref<10000x128xf32, #tpu.memory_space<hbm>>
      tpu.enqueue_indirect_dma source(%dma_start3A_311 : memref<10000x128xf32, #tpu.memory_space<hbm>>) target(%arg10 : memref<80x128xf32, #tpu.memory_space<vmem>>) offsets(%dma_start3A_308 : memref<80xi32, #tpu.memory_space<vmem>>) semaphore(%arg14 : memref<!tpu.dma_semaphore, #tpu.memory_space<semaphore_mem>>)
      %dma_wait3A_312 = arith.constant 7 : i32
      %dma_wait3A_313 = arith.constant 0 : i32
      %dma_wait3A_314 = tpu.memref_slice %arg8[%dma_wait3A_312, %dma_wait3A_313] : memref<25x80xi32, #tpu.memory_space<vmem>> -> memref<1x80xi32, #tpu.memory_space<vmem>>
      %dma_wait3A_315 = tpu.memref_squeeze %dma_wait3A_314 : memref<1x80xi32, #tpu.memory_space<vmem>> -> memref<80xi32, #tpu.memory_space<vmem>>
      %dma_wait3A_316 = arith.constant 0 : i32
      %dma_wait3A_317 = arith.constant 0 : i32
      %dma_wait3A_318 = tpu.memref_slice %arg2[%dma_wait3A_316, %dma_wait3A_317] : memref<10000x128xf32, #tpu.memory_space<hbm>> -> memref<10000x128xf32, #tpu.memory_space<hbm>>
      tpu.wait_indirect_dma semaphore(%arg15 : memref<!tpu.dma_semaphore, #tpu.memory_space<semaphore_mem>>) src(%dma_wait3A_318 : memref<10000x128xf32, #tpu.memory_space<hbm>>) dst(%arg11 : memref<80x128xf32, #tpu.memory_space<vmem>>)
      %dma_start3A_319 = arith.constant 7 : i32
      %dma_start3A_320 = arith.constant 0 : i32
      %dma_start3A_321 = tpu.memref_slice %arg9[%dma_start3A_319, %dma_start3A_320] : memref<25x80xi32, #tpu.memory_space<vmem>> -> memref<1x80xi32, #tpu.memory_space<vmem>>
      %dma_start3A_322 = tpu.memref_squeeze %dma_start3A_321 : memref<1x80xi32, #tpu.memory_space<vmem>> -> memref<80xi32, #tpu.memory_space<vmem>>
      %dma_start3A_323 = arith.constant 0 : i32
      %dma_start3A_324 = arith.constant 0 : i32
      %dma_start3A_325 = tpu.memref_slice %arg6[%dma_start3A_323, %dma_start3A_324] : memref<10240x128xf32, #tpu.memory_space<vmem_shared>> -> memref<10240x128xf32, #tpu.memory_space<vmem_shared>>
      tpu.enqueue_indirect_dma source(%arg11 : memref<80x128xf32, #tpu.memory_space<vmem>>) target(%dma_start3A_325 : memref<10240x128xf32, #tpu.memory_space<vmem_shared>>) offsets(%dma_start3A_322 : memref<80xi32, #tpu.memory_space<vmem>>) semaphore(%arg16 : memref<!tpu.dma_semaphore, #tpu.memory_space<semaphore_mem>>) {add = true}
      %run_scoped3A_326 = arith.constant 7 : i32
      "tpu.region"() ({
        %run_scoped3A_821 = tpu.sem_alloc : memref<!tpu.dma_semaphore, #tpu.memory_space<semaphore_mem>>
        %dma_start3A_822 = arith.constant 0 : i32
        %dma_start3A_823 = tpu.memref_slice %arg9[%run_scoped3A_326, %dma_start3A_822] : memref<25x80xi32, #tpu.memory_space<vmem>> -> memref<1x80xi32, #tpu.memory_space<vmem>>
        %dma_start3A_824 = tpu.memref_squeeze %dma_start3A_823 : memref<1x80xi32, #tpu.memory_space<vmem>> -> memref<80xi32, #tpu.memory_space<vmem>>
        %dma_start3A_825 = arith.constant 0 : i32
        %dma_start3A_826 = tpu.memref_slice %arg7[%dma_start3A_825] : memref<10240xf32, #tpu.memory_space<vmem_shared>> -> memref<10240xf32, #tpu.memory_space<vmem_shared>>
        tpu.enqueue_indirect_dma source(%arg12 : memref<80xf32, #tpu.memory_space<vmem>>) target(%dma_start3A_826 : memref<10240xf32, #tpu.memory_space<vmem_shared>>) offsets(%dma_start3A_824 : memref<80xi32, #tpu.memory_space<vmem>>) semaphore(%run_scoped3A_821 : memref<!tpu.dma_semaphore, #tpu.memory_space<semaphore_mem>>) {add = true}
        %dma_wait3A_827 = arith.constant 0 : i32
        %dma_wait3A_828 = tpu.memref_slice %arg9[%run_scoped3A_326, %dma_wait3A_827] : memref<25x80xi32, #tpu.memory_space<vmem>> -> memref<1x80xi32, #tpu.memory_space<vmem>>
        %dma_wait3A_829 = tpu.memref_squeeze %dma_wait3A_828 : memref<1x80xi32, #tpu.memory_space<vmem>> -> memref<80xi32, #tpu.memory_space<vmem>>
        %dma_wait3A_830 = arith.constant 0 : i32
        %dma_wait3A_831 = tpu.memref_slice %arg7[%dma_wait3A_830] : memref<10240xf32, #tpu.memory_space<vmem_shared>> -> memref<10240xf32, #tpu.memory_space<vmem_shared>>
        tpu.wait_indirect_dma semaphore(%run_scoped3A_821 : memref<!tpu.dma_semaphore, #tpu.memory_space<semaphore_mem>>) src(%arg12 : memref<80xf32, #tpu.memory_space<vmem>>) dst(%dma_wait3A_831 : memref<10240xf32, #tpu.memory_space<vmem_shared>>)
        tpu.yield
      }) : () -> ()
      %dma_wait3A_327 = arith.constant 7 : i32
      %dma_wait3A_328 = arith.constant 0 : i32
      %dma_wait3A_329 = tpu.memref_slice %arg9[%dma_wait3A_327, %dma_wait3A_328] : memref<25x80xi32, #tpu.memory_space<vmem>> -> memref<1x80xi32, #tpu.memory_space<vmem>>
      %dma_wait3A_330 = tpu.memref_squeeze %dma_wait3A_329 : memref<1x80xi32, #tpu.memory_space<vmem>> -> memref<80xi32, #tpu.memory_space<vmem>>
      %dma_wait3A_331 = arith.constant 0 : i32
      %dma_wait3A_332 = arith.constant 0 : i32
      %dma_wait3A_333 = tpu.memref_slice %arg6[%dma_wait3A_331, %dma_wait3A_332] : memref<10240x128xf32, #tpu.memory_space<vmem_shared>> -> memref<10240x128xf32, #tpu.memory_space<vmem_shared>>
      tpu.wait_indirect_dma semaphore(%arg16 : memref<!tpu.dma_semaphore, #tpu.memory_space<semaphore_mem>>) src(%arg11 : memref<80x128xf32, #tpu.memory_space<vmem>>) dst(%dma_wait3A_333 : memref<10240x128xf32, #tpu.memory_space<vmem_shared>>)
      %dma_start3A_334 = arith.constant 9 : i32
      %dma_start3A_335 = arith.constant 0 : i32
      %dma_start3A_336 = tpu.memref_slice %arg8[%dma_start3A_334, %dma_start3A_335] : memref<25x80xi32, #tpu.memory_space<vmem>> -> memref<1x80xi32, #tpu.memory_space<vmem>>
      %dma_start3A_337 = tpu.memref_squeeze %dma_start3A_336 : memref<1x80xi32, #tpu.memory_space<vmem>> -> memref<80xi32, #tpu.memory_space<vmem>>
      %dma_start3A_338 = arith.constant 0 : i32
      %dma_start3A_339 = arith.constant 0 : i32
      %dma_start3A_340 = tpu.memref_slice %arg2[%dma_start3A_338, %dma_start3A_339] : memref<10000x128xf32, #tpu.memory_space<hbm>> -> memref<10000x128xf32, #tpu.memory_space<hbm>>
      tpu.enqueue_indirect_dma source(%dma_start3A_340 : memref<10000x128xf32, #tpu.memory_space<hbm>>) target(%arg11 : memref<80x128xf32, #tpu.memory_space<vmem>>) offsets(%dma_start3A_337 : memref<80xi32, #tpu.memory_space<vmem>>) semaphore(%arg15 : memref<!tpu.dma_semaphore, #tpu.memory_space<semaphore_mem>>)
      %dma_wait3A_341 = arith.constant 8 : i32
      %dma_wait3A_342 = arith.constant 0 : i32
      %dma_wait3A_343 = tpu.memref_slice %arg8[%dma_wait3A_341, %dma_wait3A_342] : memref<25x80xi32, #tpu.memory_space<vmem>> -> memref<1x80xi32, #tpu.memory_space<vmem>>
      %dma_wait3A_344 = tpu.memref_squeeze %dma_wait3A_343 : memref<1x80xi32, #tpu.memory_space<vmem>> -> memref<80xi32, #tpu.memory_space<vmem>>
      %dma_wait3A_345 = arith.constant 0 : i32
      %dma_wait3A_346 = arith.constant 0 : i32
      %dma_wait3A_347 = tpu.memref_slice %arg2[%dma_wait3A_345, %dma_wait3A_346] : memref<10000x128xf32, #tpu.memory_space<hbm>> -> memref<10000x128xf32, #tpu.memory_space<hbm>>
      tpu.wait_indirect_dma semaphore(%arg14 : memref<!tpu.dma_semaphore, #tpu.memory_space<semaphore_mem>>) src(%dma_wait3A_347 : memref<10000x128xf32, #tpu.memory_space<hbm>>) dst(%arg10 : memref<80x128xf32, #tpu.memory_space<vmem>>)
      %dma_start3A_348 = arith.constant 8 : i32
      %dma_start3A_349 = arith.constant 0 : i32
      %dma_start3A_350 = tpu.memref_slice %arg9[%dma_start3A_348, %dma_start3A_349] : memref<25x80xi32, #tpu.memory_space<vmem>> -> memref<1x80xi32, #tpu.memory_space<vmem>>
      %dma_start3A_351 = tpu.memref_squeeze %dma_start3A_350 : memref<1x80xi32, #tpu.memory_space<vmem>> -> memref<80xi32, #tpu.memory_space<vmem>>
      %dma_start3A_352 = arith.constant 0 : i32
      %dma_start3A_353 = arith.constant 0 : i32
      %dma_start3A_354 = tpu.memref_slice %arg6[%dma_start3A_352, %dma_start3A_353] : memref<10240x128xf32, #tpu.memory_space<vmem_shared>> -> memref<10240x128xf32, #tpu.memory_space<vmem_shared>>
      tpu.enqueue_indirect_dma source(%arg10 : memref<80x128xf32, #tpu.memory_space<vmem>>) target(%dma_start3A_354 : memref<10240x128xf32, #tpu.memory_space<vmem_shared>>) offsets(%dma_start3A_351 : memref<80xi32, #tpu.memory_space<vmem>>) semaphore(%arg16 : memref<!tpu.dma_semaphore, #tpu.memory_space<semaphore_mem>>) {add = true}
      %run_scoped3A_355 = arith.constant 8 : i32
      "tpu.region"() ({
        %run_scoped3A_821 = tpu.sem_alloc : memref<!tpu.dma_semaphore, #tpu.memory_space<semaphore_mem>>
        %dma_start3A_822 = arith.constant 0 : i32
        %dma_start3A_823 = tpu.memref_slice %arg9[%run_scoped3A_355, %dma_start3A_822] : memref<25x80xi32, #tpu.memory_space<vmem>> -> memref<1x80xi32, #tpu.memory_space<vmem>>
        %dma_start3A_824 = tpu.memref_squeeze %dma_start3A_823 : memref<1x80xi32, #tpu.memory_space<vmem>> -> memref<80xi32, #tpu.memory_space<vmem>>
        %dma_start3A_825 = arith.constant 0 : i32
        %dma_start3A_826 = tpu.memref_slice %arg7[%dma_start3A_825] : memref<10240xf32, #tpu.memory_space<vmem_shared>> -> memref<10240xf32, #tpu.memory_space<vmem_shared>>
        tpu.enqueue_indirect_dma source(%arg12 : memref<80xf32, #tpu.memory_space<vmem>>) target(%dma_start3A_826 : memref<10240xf32, #tpu.memory_space<vmem_shared>>) offsets(%dma_start3A_824 : memref<80xi32, #tpu.memory_space<vmem>>) semaphore(%run_scoped3A_821 : memref<!tpu.dma_semaphore, #tpu.memory_space<semaphore_mem>>) {add = true}
        %dma_wait3A_827 = arith.constant 0 : i32
        %dma_wait3A_828 = tpu.memref_slice %arg9[%run_scoped3A_355, %dma_wait3A_827] : memref<25x80xi32, #tpu.memory_space<vmem>> -> memref<1x80xi32, #tpu.memory_space<vmem>>
        %dma_wait3A_829 = tpu.memref_squeeze %dma_wait3A_828 : memref<1x80xi32, #tpu.memory_space<vmem>> -> memref<80xi32, #tpu.memory_space<vmem>>
        %dma_wait3A_830 = arith.constant 0 : i32
        %dma_wait3A_831 = tpu.memref_slice %arg7[%dma_wait3A_830] : memref<10240xf32, #tpu.memory_space<vmem_shared>> -> memref<10240xf32, #tpu.memory_space<vmem_shared>>
        tpu.wait_indirect_dma semaphore(%run_scoped3A_821 : memref<!tpu.dma_semaphore, #tpu.memory_space<semaphore_mem>>) src(%arg12 : memref<80xf32, #tpu.memory_space<vmem>>) dst(%dma_wait3A_831 : memref<10240xf32, #tpu.memory_space<vmem_shared>>)
        tpu.yield
      }) : () -> ()
      %dma_wait3A_356 = arith.constant 8 : i32
      %dma_wait3A_357 = arith.constant 0 : i32
      %dma_wait3A_358 = tpu.memref_slice %arg9[%dma_wait3A_356, %dma_wait3A_357] : memref<25x80xi32, #tpu.memory_space<vmem>> -> memref<1x80xi32, #tpu.memory_space<vmem>>
      %dma_wait3A_359 = tpu.memref_squeeze %dma_wait3A_358 : memref<1x80xi32, #tpu.memory_space<vmem>> -> memref<80xi32, #tpu.memory_space<vmem>>
      %dma_wait3A_360 = arith.constant 0 : i32
      %dma_wait3A_361 = arith.constant 0 : i32
      %dma_wait3A_362 = tpu.memref_slice %arg6[%dma_wait3A_360, %dma_wait3A_361] : memref<10240x128xf32, #tpu.memory_space<vmem_shared>> -> memref<10240x128xf32, #tpu.memory_space<vmem_shared>>
      tpu.wait_indirect_dma semaphore(%arg16 : memref<!tpu.dma_semaphore, #tpu.memory_space<semaphore_mem>>) src(%arg10 : memref<80x128xf32, #tpu.memory_space<vmem>>) dst(%dma_wait3A_362 : memref<10240x128xf32, #tpu.memory_space<vmem_shared>>)
      %dma_start3A_363 = arith.constant 10 : i32
      %dma_start3A_364 = arith.constant 0 : i32
      %dma_start3A_365 = tpu.memref_slice %arg8[%dma_start3A_363, %dma_start3A_364] : memref<25x80xi32, #tpu.memory_space<vmem>> -> memref<1x80xi32, #tpu.memory_space<vmem>>
      %dma_start3A_366 = tpu.memref_squeeze %dma_start3A_365 : memref<1x80xi32, #tpu.memory_space<vmem>> -> memref<80xi32, #tpu.memory_space<vmem>>
      %dma_start3A_367 = arith.constant 0 : i32
      %dma_start3A_368 = arith.constant 0 : i32
      %dma_start3A_369 = tpu.memref_slice %arg2[%dma_start3A_367, %dma_start3A_368] : memref<10000x128xf32, #tpu.memory_space<hbm>> -> memref<10000x128xf32, #tpu.memory_space<hbm>>
      tpu.enqueue_indirect_dma source(%dma_start3A_369 : memref<10000x128xf32, #tpu.memory_space<hbm>>) target(%arg10 : memref<80x128xf32, #tpu.memory_space<vmem>>) offsets(%dma_start3A_366 : memref<80xi32, #tpu.memory_space<vmem>>) semaphore(%arg14 : memref<!tpu.dma_semaphore, #tpu.memory_space<semaphore_mem>>)
      %dma_wait3A_370 = arith.constant 9 : i32
      %dma_wait3A_371 = arith.constant 0 : i32
      %dma_wait3A_372 = tpu.memref_slice %arg8[%dma_wait3A_370, %dma_wait3A_371] : memref<25x80xi32, #tpu.memory_space<vmem>> -> memref<1x80xi32, #tpu.memory_space<vmem>>
      %dma_wait3A_373 = tpu.memref_squeeze %dma_wait3A_372 : memref<1x80xi32, #tpu.memory_space<vmem>> -> memref<80xi32, #tpu.memory_space<vmem>>
      %dma_wait3A_374 = arith.constant 0 : i32
      %dma_wait3A_375 = arith.constant 0 : i32
      %dma_wait3A_376 = tpu.memref_slice %arg2[%dma_wait3A_374, %dma_wait3A_375] : memref<10000x128xf32, #tpu.memory_space<hbm>> -> memref<10000x128xf32, #tpu.memory_space<hbm>>
      tpu.wait_indirect_dma semaphore(%arg15 : memref<!tpu.dma_semaphore, #tpu.memory_space<semaphore_mem>>) src(%dma_wait3A_376 : memref<10000x128xf32, #tpu.memory_space<hbm>>) dst(%arg11 : memref<80x128xf32, #tpu.memory_space<vmem>>)
      %dma_start3A_377 = arith.constant 9 : i32
      %dma_start3A_378 = arith.constant 0 : i32
      %dma_start3A_379 = tpu.memref_slice %arg9[%dma_start3A_377, %dma_start3A_378] : memref<25x80xi32, #tpu.memory_space<vmem>> -> memref<1x80xi32, #tpu.memory_space<vmem>>
      %dma_start3A_380 = tpu.memref_squeeze %dma_start3A_379 : memref<1x80xi32, #tpu.memory_space<vmem>> -> memref<80xi32, #tpu.memory_space<vmem>>
      %dma_start3A_381 = arith.constant 0 : i32
      %dma_start3A_382 = arith.constant 0 : i32
      %dma_start3A_383 = tpu.memref_slice %arg6[%dma_start3A_381, %dma_start3A_382] : memref<10240x128xf32, #tpu.memory_space<vmem_shared>> -> memref<10240x128xf32, #tpu.memory_space<vmem_shared>>
      tpu.enqueue_indirect_dma source(%arg11 : memref<80x128xf32, #tpu.memory_space<vmem>>) target(%dma_start3A_383 : memref<10240x128xf32, #tpu.memory_space<vmem_shared>>) offsets(%dma_start3A_380 : memref<80xi32, #tpu.memory_space<vmem>>) semaphore(%arg16 : memref<!tpu.dma_semaphore, #tpu.memory_space<semaphore_mem>>) {add = true}
      %run_scoped3A_384 = arith.constant 9 : i32
      "tpu.region"() ({
        %run_scoped3A_821 = tpu.sem_alloc : memref<!tpu.dma_semaphore, #tpu.memory_space<semaphore_mem>>
        %dma_start3A_822 = arith.constant 0 : i32
        %dma_start3A_823 = tpu.memref_slice %arg9[%run_scoped3A_384, %dma_start3A_822] : memref<25x80xi32, #tpu.memory_space<vmem>> -> memref<1x80xi32, #tpu.memory_space<vmem>>
        %dma_start3A_824 = tpu.memref_squeeze %dma_start3A_823 : memref<1x80xi32, #tpu.memory_space<vmem>> -> memref<80xi32, #tpu.memory_space<vmem>>
        %dma_start3A_825 = arith.constant 0 : i32
        %dma_start3A_826 = tpu.memref_slice %arg7[%dma_start3A_825] : memref<10240xf32, #tpu.memory_space<vmem_shared>> -> memref<10240xf32, #tpu.memory_space<vmem_shared>>
        tpu.enqueue_indirect_dma source(%arg12 : memref<80xf32, #tpu.memory_space<vmem>>) target(%dma_start3A_826 : memref<10240xf32, #tpu.memory_space<vmem_shared>>) offsets(%dma_start3A_824 : memref<80xi32, #tpu.memory_space<vmem>>) semaphore(%run_scoped3A_821 : memref<!tpu.dma_semaphore, #tpu.memory_space<semaphore_mem>>) {add = true}
        %dma_wait3A_827 = arith.constant 0 : i32
        %dma_wait3A_828 = tpu.memref_slice %arg9[%run_scoped3A_384, %dma_wait3A_827] : memref<25x80xi32, #tpu.memory_space<vmem>> -> memref<1x80xi32, #tpu.memory_space<vmem>>
        %dma_wait3A_829 = tpu.memref_squeeze %dma_wait3A_828 : memref<1x80xi32, #tpu.memory_space<vmem>> -> memref<80xi32, #tpu.memory_space<vmem>>
        %dma_wait3A_830 = arith.constant 0 : i32
        %dma_wait3A_831 = tpu.memref_slice %arg7[%dma_wait3A_830] : memref<10240xf32, #tpu.memory_space<vmem_shared>> -> memref<10240xf32, #tpu.memory_space<vmem_shared>>
        tpu.wait_indirect_dma semaphore(%run_scoped3A_821 : memref<!tpu.dma_semaphore, #tpu.memory_space<semaphore_mem>>) src(%arg12 : memref<80xf32, #tpu.memory_space<vmem>>) dst(%dma_wait3A_831 : memref<10240xf32, #tpu.memory_space<vmem_shared>>)
        tpu.yield
      }) : () -> ()
      %dma_wait3A_385 = arith.constant 9 : i32
      %dma_wait3A_386 = arith.constant 0 : i32
      %dma_wait3A_387 = tpu.memref_slice %arg9[%dma_wait3A_385, %dma_wait3A_386] : memref<25x80xi32, #tpu.memory_space<vmem>> -> memref<1x80xi32, #tpu.memory_space<vmem>>
      %dma_wait3A_388 = tpu.memref_squeeze %dma_wait3A_387 : memref<1x80xi32, #tpu.memory_space<vmem>> -> memref<80xi32, #tpu.memory_space<vmem>>
      %dma_wait3A_389 = arith.constant 0 : i32
      %dma_wait3A_390 = arith.constant 0 : i32
      %dma_wait3A_391 = tpu.memref_slice %arg6[%dma_wait3A_389, %dma_wait3A_390] : memref<10240x128xf32, #tpu.memory_space<vmem_shared>> -> memref<10240x128xf32, #tpu.memory_space<vmem_shared>>
      tpu.wait_indirect_dma semaphore(%arg16 : memref<!tpu.dma_semaphore, #tpu.memory_space<semaphore_mem>>) src(%arg11 : memref<80x128xf32, #tpu.memory_space<vmem>>) dst(%dma_wait3A_391 : memref<10240x128xf32, #tpu.memory_space<vmem_shared>>)
      %dma_start3A_392 = arith.constant 11 : i32
      %dma_start3A_393 = arith.constant 0 : i32
      %dma_start3A_394 = tpu.memref_slice %arg8[%dma_start3A_392, %dma_start3A_393] : memref<25x80xi32, #tpu.memory_space<vmem>> -> memref<1x80xi32, #tpu.memory_space<vmem>>
      %dma_start3A_395 = tpu.memref_squeeze %dma_start3A_394 : memref<1x80xi32, #tpu.memory_space<vmem>> -> memref<80xi32, #tpu.memory_space<vmem>>
      %dma_start3A_396 = arith.constant 0 : i32
      %dma_start3A_397 = arith.constant 0 : i32
      %dma_start3A_398 = tpu.memref_slice %arg2[%dma_start3A_396, %dma_start3A_397] : memref<10000x128xf32, #tpu.memory_space<hbm>> -> memref<10000x128xf32, #tpu.memory_space<hbm>>
      tpu.enqueue_indirect_dma source(%dma_start3A_398 : memref<10000x128xf32, #tpu.memory_space<hbm>>) target(%arg11 : memref<80x128xf32, #tpu.memory_space<vmem>>) offsets(%dma_start3A_395 : memref<80xi32, #tpu.memory_space<vmem>>) semaphore(%arg15 : memref<!tpu.dma_semaphore, #tpu.memory_space<semaphore_mem>>)
      %dma_wait3A_399 = arith.constant 10 : i32
      %dma_wait3A_400 = arith.constant 0 : i32
      %dma_wait3A_401 = tpu.memref_slice %arg8[%dma_wait3A_399, %dma_wait3A_400] : memref<25x80xi32, #tpu.memory_space<vmem>> -> memref<1x80xi32, #tpu.memory_space<vmem>>
      %dma_wait3A_402 = tpu.memref_squeeze %dma_wait3A_401 : memref<1x80xi32, #tpu.memory_space<vmem>> -> memref<80xi32, #tpu.memory_space<vmem>>
      %dma_wait3A_403 = arith.constant 0 : i32
      %dma_wait3A_404 = arith.constant 0 : i32
      %dma_wait3A_405 = tpu.memref_slice %arg2[%dma_wait3A_403, %dma_wait3A_404] : memref<10000x128xf32, #tpu.memory_space<hbm>> -> memref<10000x128xf32, #tpu.memory_space<hbm>>
      tpu.wait_indirect_dma semaphore(%arg14 : memref<!tpu.dma_semaphore, #tpu.memory_space<semaphore_mem>>) src(%dma_wait3A_405 : memref<10000x128xf32, #tpu.memory_space<hbm>>) dst(%arg10 : memref<80x128xf32, #tpu.memory_space<vmem>>)
      %dma_start3A_406 = arith.constant 10 : i32
      %dma_start3A_407 = arith.constant 0 : i32
      %dma_start3A_408 = tpu.memref_slice %arg9[%dma_start3A_406, %dma_start3A_407] : memref<25x80xi32, #tpu.memory_space<vmem>> -> memref<1x80xi32, #tpu.memory_space<vmem>>
      %dma_start3A_409 = tpu.memref_squeeze %dma_start3A_408 : memref<1x80xi32, #tpu.memory_space<vmem>> -> memref<80xi32, #tpu.memory_space<vmem>>
      %dma_start3A_410 = arith.constant 0 : i32
      %dma_start3A_411 = arith.constant 0 : i32
      %dma_start3A_412 = tpu.memref_slice %arg6[%dma_start3A_410, %dma_start3A_411] : memref<10240x128xf32, #tpu.memory_space<vmem_shared>> -> memref<10240x128xf32, #tpu.memory_space<vmem_shared>>
      tpu.enqueue_indirect_dma source(%arg10 : memref<80x128xf32, #tpu.memory_space<vmem>>) target(%dma_start3A_412 : memref<10240x128xf32, #tpu.memory_space<vmem_shared>>) offsets(%dma_start3A_409 : memref<80xi32, #tpu.memory_space<vmem>>) semaphore(%arg16 : memref<!tpu.dma_semaphore, #tpu.memory_space<semaphore_mem>>) {add = true}
      %run_scoped3A_413 = arith.constant 10 : i32
      "tpu.region"() ({
        %run_scoped3A_821 = tpu.sem_alloc : memref<!tpu.dma_semaphore, #tpu.memory_space<semaphore_mem>>
        %dma_start3A_822 = arith.constant 0 : i32
        %dma_start3A_823 = tpu.memref_slice %arg9[%run_scoped3A_413, %dma_start3A_822] : memref<25x80xi32, #tpu.memory_space<vmem>> -> memref<1x80xi32, #tpu.memory_space<vmem>>
        %dma_start3A_824 = tpu.memref_squeeze %dma_start3A_823 : memref<1x80xi32, #tpu.memory_space<vmem>> -> memref<80xi32, #tpu.memory_space<vmem>>
        %dma_start3A_825 = arith.constant 0 : i32
        %dma_start3A_826 = tpu.memref_slice %arg7[%dma_start3A_825] : memref<10240xf32, #tpu.memory_space<vmem_shared>> -> memref<10240xf32, #tpu.memory_space<vmem_shared>>
        tpu.enqueue_indirect_dma source(%arg12 : memref<80xf32, #tpu.memory_space<vmem>>) target(%dma_start3A_826 : memref<10240xf32, #tpu.memory_space<vmem_shared>>) offsets(%dma_start3A_824 : memref<80xi32, #tpu.memory_space<vmem>>) semaphore(%run_scoped3A_821 : memref<!tpu.dma_semaphore, #tpu.memory_space<semaphore_mem>>) {add = true}
        %dma_wait3A_827 = arith.constant 0 : i32
        %dma_wait3A_828 = tpu.memref_slice %arg9[%run_scoped3A_413, %dma_wait3A_827] : memref<25x80xi32, #tpu.memory_space<vmem>> -> memref<1x80xi32, #tpu.memory_space<vmem>>
        %dma_wait3A_829 = tpu.memref_squeeze %dma_wait3A_828 : memref<1x80xi32, #tpu.memory_space<vmem>> -> memref<80xi32, #tpu.memory_space<vmem>>
        %dma_wait3A_830 = arith.constant 0 : i32
        %dma_wait3A_831 = tpu.memref_slice %arg7[%dma_wait3A_830] : memref<10240xf32, #tpu.memory_space<vmem_shared>> -> memref<10240xf32, #tpu.memory_space<vmem_shared>>
        tpu.wait_indirect_dma semaphore(%run_scoped3A_821 : memref<!tpu.dma_semaphore, #tpu.memory_space<semaphore_mem>>) src(%arg12 : memref<80xf32, #tpu.memory_space<vmem>>) dst(%dma_wait3A_831 : memref<10240xf32, #tpu.memory_space<vmem_shared>>)
        tpu.yield
      }) : () -> ()
      %dma_wait3A_414 = arith.constant 10 : i32
      %dma_wait3A_415 = arith.constant 0 : i32
      %dma_wait3A_416 = tpu.memref_slice %arg9[%dma_wait3A_414, %dma_wait3A_415] : memref<25x80xi32, #tpu.memory_space<vmem>> -> memref<1x80xi32, #tpu.memory_space<vmem>>
      %dma_wait3A_417 = tpu.memref_squeeze %dma_wait3A_416 : memref<1x80xi32, #tpu.memory_space<vmem>> -> memref<80xi32, #tpu.memory_space<vmem>>
      %dma_wait3A_418 = arith.constant 0 : i32
      %dma_wait3A_419 = arith.constant 0 : i32
      %dma_wait3A_420 = tpu.memref_slice %arg6[%dma_wait3A_418, %dma_wait3A_419] : memref<10240x128xf32, #tpu.memory_space<vmem_shared>> -> memref<10240x128xf32, #tpu.memory_space<vmem_shared>>
      tpu.wait_indirect_dma semaphore(%arg16 : memref<!tpu.dma_semaphore, #tpu.memory_space<semaphore_mem>>) src(%arg10 : memref<80x128xf32, #tpu.memory_space<vmem>>) dst(%dma_wait3A_420 : memref<10240x128xf32, #tpu.memory_space<vmem_shared>>)
      %dma_start3A_421 = arith.constant 12 : i32
      %dma_start3A_422 = arith.constant 0 : i32
      %dma_start3A_423 = tpu.memref_slice %arg8[%dma_start3A_421, %dma_start3A_422] : memref<25x80xi32, #tpu.memory_space<vmem>> -> memref<1x80xi32, #tpu.memory_space<vmem>>
      %dma_start3A_424 = tpu.memref_squeeze %dma_start3A_423 : memref<1x80xi32, #tpu.memory_space<vmem>> -> memref<80xi32, #tpu.memory_space<vmem>>
      %dma_start3A_425 = arith.constant 0 : i32
      %dma_start3A_426 = arith.constant 0 : i32
      %dma_start3A_427 = tpu.memref_slice %arg2[%dma_start3A_425, %dma_start3A_426] : memref<10000x128xf32, #tpu.memory_space<hbm>> -> memref<10000x128xf32, #tpu.memory_space<hbm>>
      tpu.enqueue_indirect_dma source(%dma_start3A_427 : memref<10000x128xf32, #tpu.memory_space<hbm>>) target(%arg10 : memref<80x128xf32, #tpu.memory_space<vmem>>) offsets(%dma_start3A_424 : memref<80xi32, #tpu.memory_space<vmem>>) semaphore(%arg14 : memref<!tpu.dma_semaphore, #tpu.memory_space<semaphore_mem>>)
      %dma_wait3A_428 = arith.constant 11 : i32
      %dma_wait3A_429 = arith.constant 0 : i32
      %dma_wait3A_430 = tpu.memref_slice %arg8[%dma_wait3A_428, %dma_wait3A_429] : memref<25x80xi32, #tpu.memory_space<vmem>> -> memref<1x80xi32, #tpu.memory_space<vmem>>
      %dma_wait3A_431 = tpu.memref_squeeze %dma_wait3A_430 : memref<1x80xi32, #tpu.memory_space<vmem>> -> memref<80xi32, #tpu.memory_space<vmem>>
      %dma_wait3A_432 = arith.constant 0 : i32
      %dma_wait3A_433 = arith.constant 0 : i32
      %dma_wait3A_434 = tpu.memref_slice %arg2[%dma_wait3A_432, %dma_wait3A_433] : memref<10000x128xf32, #tpu.memory_space<hbm>> -> memref<10000x128xf32, #tpu.memory_space<hbm>>
      tpu.wait_indirect_dma semaphore(%arg15 : memref<!tpu.dma_semaphore, #tpu.memory_space<semaphore_mem>>) src(%dma_wait3A_434 : memref<10000x128xf32, #tpu.memory_space<hbm>>) dst(%arg11 : memref<80x128xf32, #tpu.memory_space<vmem>>)
      %dma_start3A_435 = arith.constant 11 : i32
      %dma_start3A_436 = arith.constant 0 : i32
      %dma_start3A_437 = tpu.memref_slice %arg9[%dma_start3A_435, %dma_start3A_436] : memref<25x80xi32, #tpu.memory_space<vmem>> -> memref<1x80xi32, #tpu.memory_space<vmem>>
      %dma_start3A_438 = tpu.memref_squeeze %dma_start3A_437 : memref<1x80xi32, #tpu.memory_space<vmem>> -> memref<80xi32, #tpu.memory_space<vmem>>
      %dma_start3A_439 = arith.constant 0 : i32
      %dma_start3A_440 = arith.constant 0 : i32
      %dma_start3A_441 = tpu.memref_slice %arg6[%dma_start3A_439, %dma_start3A_440] : memref<10240x128xf32, #tpu.memory_space<vmem_shared>> -> memref<10240x128xf32, #tpu.memory_space<vmem_shared>>
      tpu.enqueue_indirect_dma source(%arg11 : memref<80x128xf32, #tpu.memory_space<vmem>>) target(%dma_start3A_441 : memref<10240x128xf32, #tpu.memory_space<vmem_shared>>) offsets(%dma_start3A_438 : memref<80xi32, #tpu.memory_space<vmem>>) semaphore(%arg16 : memref<!tpu.dma_semaphore, #tpu.memory_space<semaphore_mem>>) {add = true}
      %run_scoped3A_442 = arith.constant 11 : i32
      "tpu.region"() ({
        %run_scoped3A_821 = tpu.sem_alloc : memref<!tpu.dma_semaphore, #tpu.memory_space<semaphore_mem>>
        %dma_start3A_822 = arith.constant 0 : i32
        %dma_start3A_823 = tpu.memref_slice %arg9[%run_scoped3A_442, %dma_start3A_822] : memref<25x80xi32, #tpu.memory_space<vmem>> -> memref<1x80xi32, #tpu.memory_space<vmem>>
        %dma_start3A_824 = tpu.memref_squeeze %dma_start3A_823 : memref<1x80xi32, #tpu.memory_space<vmem>> -> memref<80xi32, #tpu.memory_space<vmem>>
        %dma_start3A_825 = arith.constant 0 : i32
        %dma_start3A_826 = tpu.memref_slice %arg7[%dma_start3A_825] : memref<10240xf32, #tpu.memory_space<vmem_shared>> -> memref<10240xf32, #tpu.memory_space<vmem_shared>>
        tpu.enqueue_indirect_dma source(%arg12 : memref<80xf32, #tpu.memory_space<vmem>>) target(%dma_start3A_826 : memref<10240xf32, #tpu.memory_space<vmem_shared>>) offsets(%dma_start3A_824 : memref<80xi32, #tpu.memory_space<vmem>>) semaphore(%run_scoped3A_821 : memref<!tpu.dma_semaphore, #tpu.memory_space<semaphore_mem>>) {add = true}
        %dma_wait3A_827 = arith.constant 0 : i32
        %dma_wait3A_828 = tpu.memref_slice %arg9[%run_scoped3A_442, %dma_wait3A_827] : memref<25x80xi32, #tpu.memory_space<vmem>> -> memref<1x80xi32, #tpu.memory_space<vmem>>
        %dma_wait3A_829 = tpu.memref_squeeze %dma_wait3A_828 : memref<1x80xi32, #tpu.memory_space<vmem>> -> memref<80xi32, #tpu.memory_space<vmem>>
        %dma_wait3A_830 = arith.constant 0 : i32
        %dma_wait3A_831 = tpu.memref_slice %arg7[%dma_wait3A_830] : memref<10240xf32, #tpu.memory_space<vmem_shared>> -> memref<10240xf32, #tpu.memory_space<vmem_shared>>
        tpu.wait_indirect_dma semaphore(%run_scoped3A_821 : memref<!tpu.dma_semaphore, #tpu.memory_space<semaphore_mem>>) src(%arg12 : memref<80xf32, #tpu.memory_space<vmem>>) dst(%dma_wait3A_831 : memref<10240xf32, #tpu.memory_space<vmem_shared>>)
        tpu.yield
      }) : () -> ()
      %dma_wait3A_443 = arith.constant 11 : i32
      %dma_wait3A_444 = arith.constant 0 : i32
      %dma_wait3A_445 = tpu.memref_slice %arg9[%dma_wait3A_443, %dma_wait3A_444] : memref<25x80xi32, #tpu.memory_space<vmem>> -> memref<1x80xi32, #tpu.memory_space<vmem>>
      %dma_wait3A_446 = tpu.memref_squeeze %dma_wait3A_445 : memref<1x80xi32, #tpu.memory_space<vmem>> -> memref<80xi32, #tpu.memory_space<vmem>>
      %dma_wait3A_447 = arith.constant 0 : i32
      %dma_wait3A_448 = arith.constant 0 : i32
      %dma_wait3A_449 = tpu.memref_slice %arg6[%dma_wait3A_447, %dma_wait3A_448] : memref<10240x128xf32, #tpu.memory_space<vmem_shared>> -> memref<10240x128xf32, #tpu.memory_space<vmem_shared>>
      tpu.wait_indirect_dma semaphore(%arg16 : memref<!tpu.dma_semaphore, #tpu.memory_space<semaphore_mem>>) src(%arg11 : memref<80x128xf32, #tpu.memory_space<vmem>>) dst(%dma_wait3A_449 : memref<10240x128xf32, #tpu.memory_space<vmem_shared>>)
      %dma_start3A_450 = arith.constant 13 : i32
      %dma_start3A_451 = arith.constant 0 : i32
      %dma_start3A_452 = tpu.memref_slice %arg8[%dma_start3A_450, %dma_start3A_451] : memref<25x80xi32, #tpu.memory_space<vmem>> -> memref<1x80xi32, #tpu.memory_space<vmem>>
      %dma_start3A_453 = tpu.memref_squeeze %dma_start3A_452 : memref<1x80xi32, #tpu.memory_space<vmem>> -> memref<80xi32, #tpu.memory_space<vmem>>
      %dma_start3A_454 = arith.constant 0 : i32
      %dma_start3A_455 = arith.constant 0 : i32
      %dma_start3A_456 = tpu.memref_slice %arg2[%dma_start3A_454, %dma_start3A_455] : memref<10000x128xf32, #tpu.memory_space<hbm>> -> memref<10000x128xf32, #tpu.memory_space<hbm>>
      tpu.enqueue_indirect_dma source(%dma_start3A_456 : memref<10000x128xf32, #tpu.memory_space<hbm>>) target(%arg11 : memref<80x128xf32, #tpu.memory_space<vmem>>) offsets(%dma_start3A_453 : memref<80xi32, #tpu.memory_space<vmem>>) semaphore(%arg15 : memref<!tpu.dma_semaphore, #tpu.memory_space<semaphore_mem>>)
      %dma_wait3A_457 = arith.constant 12 : i32
      %dma_wait3A_458 = arith.constant 0 : i32
      %dma_wait3A_459 = tpu.memref_slice %arg8[%dma_wait3A_457, %dma_wait3A_458] : memref<25x80xi32, #tpu.memory_space<vmem>> -> memref<1x80xi32, #tpu.memory_space<vmem>>
      %dma_wait3A_460 = tpu.memref_squeeze %dma_wait3A_459 : memref<1x80xi32, #tpu.memory_space<vmem>> -> memref<80xi32, #tpu.memory_space<vmem>>
      %dma_wait3A_461 = arith.constant 0 : i32
      %dma_wait3A_462 = arith.constant 0 : i32
      %dma_wait3A_463 = tpu.memref_slice %arg2[%dma_wait3A_461, %dma_wait3A_462] : memref<10000x128xf32, #tpu.memory_space<hbm>> -> memref<10000x128xf32, #tpu.memory_space<hbm>>
      tpu.wait_indirect_dma semaphore(%arg14 : memref<!tpu.dma_semaphore, #tpu.memory_space<semaphore_mem>>) src(%dma_wait3A_463 : memref<10000x128xf32, #tpu.memory_space<hbm>>) dst(%arg10 : memref<80x128xf32, #tpu.memory_space<vmem>>)
      %dma_start3A_464 = arith.constant 12 : i32
      %dma_start3A_465 = arith.constant 0 : i32
      %dma_start3A_466 = tpu.memref_slice %arg9[%dma_start3A_464, %dma_start3A_465] : memref<25x80xi32, #tpu.memory_space<vmem>> -> memref<1x80xi32, #tpu.memory_space<vmem>>
      %dma_start3A_467 = tpu.memref_squeeze %dma_start3A_466 : memref<1x80xi32, #tpu.memory_space<vmem>> -> memref<80xi32, #tpu.memory_space<vmem>>
      %dma_start3A_468 = arith.constant 0 : i32
      %dma_start3A_469 = arith.constant 0 : i32
      %dma_start3A_470 = tpu.memref_slice %arg6[%dma_start3A_468, %dma_start3A_469] : memref<10240x128xf32, #tpu.memory_space<vmem_shared>> -> memref<10240x128xf32, #tpu.memory_space<vmem_shared>>
      tpu.enqueue_indirect_dma source(%arg10 : memref<80x128xf32, #tpu.memory_space<vmem>>) target(%dma_start3A_470 : memref<10240x128xf32, #tpu.memory_space<vmem_shared>>) offsets(%dma_start3A_467 : memref<80xi32, #tpu.memory_space<vmem>>) semaphore(%arg16 : memref<!tpu.dma_semaphore, #tpu.memory_space<semaphore_mem>>) {add = true}
      %run_scoped3A_471 = arith.constant 12 : i32
      "tpu.region"() ({
        %run_scoped3A_821 = tpu.sem_alloc : memref<!tpu.dma_semaphore, #tpu.memory_space<semaphore_mem>>
        %dma_start3A_822 = arith.constant 0 : i32
        %dma_start3A_823 = tpu.memref_slice %arg9[%run_scoped3A_471, %dma_start3A_822] : memref<25x80xi32, #tpu.memory_space<vmem>> -> memref<1x80xi32, #tpu.memory_space<vmem>>
        %dma_start3A_824 = tpu.memref_squeeze %dma_start3A_823 : memref<1x80xi32, #tpu.memory_space<vmem>> -> memref<80xi32, #tpu.memory_space<vmem>>
        %dma_start3A_825 = arith.constant 0 : i32
        %dma_start3A_826 = tpu.memref_slice %arg7[%dma_start3A_825] : memref<10240xf32, #tpu.memory_space<vmem_shared>> -> memref<10240xf32, #tpu.memory_space<vmem_shared>>
        tpu.enqueue_indirect_dma source(%arg12 : memref<80xf32, #tpu.memory_space<vmem>>) target(%dma_start3A_826 : memref<10240xf32, #tpu.memory_space<vmem_shared>>) offsets(%dma_start3A_824 : memref<80xi32, #tpu.memory_space<vmem>>) semaphore(%run_scoped3A_821 : memref<!tpu.dma_semaphore, #tpu.memory_space<semaphore_mem>>) {add = true}
        %dma_wait3A_827 = arith.constant 0 : i32
        %dma_wait3A_828 = tpu.memref_slice %arg9[%run_scoped3A_471, %dma_wait3A_827] : memref<25x80xi32, #tpu.memory_space<vmem>> -> memref<1x80xi32, #tpu.memory_space<vmem>>
        %dma_wait3A_829 = tpu.memref_squeeze %dma_wait3A_828 : memref<1x80xi32, #tpu.memory_space<vmem>> -> memref<80xi32, #tpu.memory_space<vmem>>
        %dma_wait3A_830 = arith.constant 0 : i32
        %dma_wait3A_831 = tpu.memref_slice %arg7[%dma_wait3A_830] : memref<10240xf32, #tpu.memory_space<vmem_shared>> -> memref<10240xf32, #tpu.memory_space<vmem_shared>>
        tpu.wait_indirect_dma semaphore(%run_scoped3A_821 : memref<!tpu.dma_semaphore, #tpu.memory_space<semaphore_mem>>) src(%arg12 : memref<80xf32, #tpu.memory_space<vmem>>) dst(%dma_wait3A_831 : memref<10240xf32, #tpu.memory_space<vmem_shared>>)
        tpu.yield
      }) : () -> ()
      %dma_wait3A_472 = arith.constant 12 : i32
      %dma_wait3A_473 = arith.constant 0 : i32
      %dma_wait3A_474 = tpu.memref_slice %arg9[%dma_wait3A_472, %dma_wait3A_473] : memref<25x80xi32, #tpu.memory_space<vmem>> -> memref<1x80xi32, #tpu.memory_space<vmem>>
      %dma_wait3A_475 = tpu.memref_squeeze %dma_wait3A_474 : memref<1x80xi32, #tpu.memory_space<vmem>> -> memref<80xi32, #tpu.memory_space<vmem>>
      %dma_wait3A_476 = arith.constant 0 : i32
      %dma_wait3A_477 = arith.constant 0 : i32
      %dma_wait3A_478 = tpu.memref_slice %arg6[%dma_wait3A_476, %dma_wait3A_477] : memref<10240x128xf32, #tpu.memory_space<vmem_shared>> -> memref<10240x128xf32, #tpu.memory_space<vmem_shared>>
      tpu.wait_indirect_dma semaphore(%arg16 : memref<!tpu.dma_semaphore, #tpu.memory_space<semaphore_mem>>) src(%arg10 : memref<80x128xf32, #tpu.memory_space<vmem>>) dst(%dma_wait3A_478 : memref<10240x128xf32, #tpu.memory_space<vmem_shared>>)
      %dma_start3A_479 = arith.constant 14 : i32
      %dma_start3A_480 = arith.constant 0 : i32
      %dma_start3A_481 = tpu.memref_slice %arg8[%dma_start3A_479, %dma_start3A_480] : memref<25x80xi32, #tpu.memory_space<vmem>> -> memref<1x80xi32, #tpu.memory_space<vmem>>
      %dma_start3A_482 = tpu.memref_squeeze %dma_start3A_481 : memref<1x80xi32, #tpu.memory_space<vmem>> -> memref<80xi32, #tpu.memory_space<vmem>>
      %dma_start3A_483 = arith.constant 0 : i32
      %dma_start3A_484 = arith.constant 0 : i32
      %dma_start3A_485 = tpu.memref_slice %arg2[%dma_start3A_483, %dma_start3A_484] : memref<10000x128xf32, #tpu.memory_space<hbm>> -> memref<10000x128xf32, #tpu.memory_space<hbm>>
      tpu.enqueue_indirect_dma source(%dma_start3A_485 : memref<10000x128xf32, #tpu.memory_space<hbm>>) target(%arg10 : memref<80x128xf32, #tpu.memory_space<vmem>>) offsets(%dma_start3A_482 : memref<80xi32, #tpu.memory_space<vmem>>) semaphore(%arg14 : memref<!tpu.dma_semaphore, #tpu.memory_space<semaphore_mem>>)
      %dma_wait3A_486 = arith.constant 13 : i32
      %dma_wait3A_487 = arith.constant 0 : i32
      %dma_wait3A_488 = tpu.memref_slice %arg8[%dma_wait3A_486, %dma_wait3A_487] : memref<25x80xi32, #tpu.memory_space<vmem>> -> memref<1x80xi32, #tpu.memory_space<vmem>>
      %dma_wait3A_489 = tpu.memref_squeeze %dma_wait3A_488 : memref<1x80xi32, #tpu.memory_space<vmem>> -> memref<80xi32, #tpu.memory_space<vmem>>
      %dma_wait3A_490 = arith.constant 0 : i32
      %dma_wait3A_491 = arith.constant 0 : i32
      %dma_wait3A_492 = tpu.memref_slice %arg2[%dma_wait3A_490, %dma_wait3A_491] : memref<10000x128xf32, #tpu.memory_space<hbm>> -> memref<10000x128xf32, #tpu.memory_space<hbm>>
      tpu.wait_indirect_dma semaphore(%arg15 : memref<!tpu.dma_semaphore, #tpu.memory_space<semaphore_mem>>) src(%dma_wait3A_492 : memref<10000x128xf32, #tpu.memory_space<hbm>>) dst(%arg11 : memref<80x128xf32, #tpu.memory_space<vmem>>)
      %dma_start3A_493 = arith.constant 13 : i32
      %dma_start3A_494 = arith.constant 0 : i32
      %dma_start3A_495 = tpu.memref_slice %arg9[%dma_start3A_493, %dma_start3A_494] : memref<25x80xi32, #tpu.memory_space<vmem>> -> memref<1x80xi32, #tpu.memory_space<vmem>>
      %dma_start3A_496 = tpu.memref_squeeze %dma_start3A_495 : memref<1x80xi32, #tpu.memory_space<vmem>> -> memref<80xi32, #tpu.memory_space<vmem>>
      %dma_start3A_497 = arith.constant 0 : i32
      %dma_start3A_498 = arith.constant 0 : i32
      %dma_start3A_499 = tpu.memref_slice %arg6[%dma_start3A_497, %dma_start3A_498] : memref<10240x128xf32, #tpu.memory_space<vmem_shared>> -> memref<10240x128xf32, #tpu.memory_space<vmem_shared>>
      tpu.enqueue_indirect_dma source(%arg11 : memref<80x128xf32, #tpu.memory_space<vmem>>) target(%dma_start3A_499 : memref<10240x128xf32, #tpu.memory_space<vmem_shared>>) offsets(%dma_start3A_496 : memref<80xi32, #tpu.memory_space<vmem>>) semaphore(%arg16 : memref<!tpu.dma_semaphore, #tpu.memory_space<semaphore_mem>>) {add = true}
      %run_scoped3A_500 = arith.constant 13 : i32
      "tpu.region"() ({
        %run_scoped3A_821 = tpu.sem_alloc : memref<!tpu.dma_semaphore, #tpu.memory_space<semaphore_mem>>
        %dma_start3A_822 = arith.constant 0 : i32
        %dma_start3A_823 = tpu.memref_slice %arg9[%run_scoped3A_500, %dma_start3A_822] : memref<25x80xi32, #tpu.memory_space<vmem>> -> memref<1x80xi32, #tpu.memory_space<vmem>>
        %dma_start3A_824 = tpu.memref_squeeze %dma_start3A_823 : memref<1x80xi32, #tpu.memory_space<vmem>> -> memref<80xi32, #tpu.memory_space<vmem>>
        %dma_start3A_825 = arith.constant 0 : i32
        %dma_start3A_826 = tpu.memref_slice %arg7[%dma_start3A_825] : memref<10240xf32, #tpu.memory_space<vmem_shared>> -> memref<10240xf32, #tpu.memory_space<vmem_shared>>
        tpu.enqueue_indirect_dma source(%arg12 : memref<80xf32, #tpu.memory_space<vmem>>) target(%dma_start3A_826 : memref<10240xf32, #tpu.memory_space<vmem_shared>>) offsets(%dma_start3A_824 : memref<80xi32, #tpu.memory_space<vmem>>) semaphore(%run_scoped3A_821 : memref<!tpu.dma_semaphore, #tpu.memory_space<semaphore_mem>>) {add = true}
        %dma_wait3A_827 = arith.constant 0 : i32
        %dma_wait3A_828 = tpu.memref_slice %arg9[%run_scoped3A_500, %dma_wait3A_827] : memref<25x80xi32, #tpu.memory_space<vmem>> -> memref<1x80xi32, #tpu.memory_space<vmem>>
        %dma_wait3A_829 = tpu.memref_squeeze %dma_wait3A_828 : memref<1x80xi32, #tpu.memory_space<vmem>> -> memref<80xi32, #tpu.memory_space<vmem>>
        %dma_wait3A_830 = arith.constant 0 : i32
        %dma_wait3A_831 = tpu.memref_slice %arg7[%dma_wait3A_830] : memref<10240xf32, #tpu.memory_space<vmem_shared>> -> memref<10240xf32, #tpu.memory_space<vmem_shared>>
        tpu.wait_indirect_dma semaphore(%run_scoped3A_821 : memref<!tpu.dma_semaphore, #tpu.memory_space<semaphore_mem>>) src(%arg12 : memref<80xf32, #tpu.memory_space<vmem>>) dst(%dma_wait3A_831 : memref<10240xf32, #tpu.memory_space<vmem_shared>>)
        tpu.yield
      }) : () -> ()
      %dma_wait3A_501 = arith.constant 13 : i32
      %dma_wait3A_502 = arith.constant 0 : i32
      %dma_wait3A_503 = tpu.memref_slice %arg9[%dma_wait3A_501, %dma_wait3A_502] : memref<25x80xi32, #tpu.memory_space<vmem>> -> memref<1x80xi32, #tpu.memory_space<vmem>>
      %dma_wait3A_504 = tpu.memref_squeeze %dma_wait3A_503 : memref<1x80xi32, #tpu.memory_space<vmem>> -> memref<80xi32, #tpu.memory_space<vmem>>
      %dma_wait3A_505 = arith.constant 0 : i32
      %dma_wait3A_506 = arith.constant 0 : i32
      %dma_wait3A_507 = tpu.memref_slice %arg6[%dma_wait3A_505, %dma_wait3A_506] : memref<10240x128xf32, #tpu.memory_space<vmem_shared>> -> memref<10240x128xf32, #tpu.memory_space<vmem_shared>>
      tpu.wait_indirect_dma semaphore(%arg16 : memref<!tpu.dma_semaphore, #tpu.memory_space<semaphore_mem>>) src(%arg11 : memref<80x128xf32, #tpu.memory_space<vmem>>) dst(%dma_wait3A_507 : memref<10240x128xf32, #tpu.memory_space<vmem_shared>>)
      %dma_start3A_508 = arith.constant 15 : i32
      %dma_start3A_509 = arith.constant 0 : i32
      %dma_start3A_510 = tpu.memref_slice %arg8[%dma_start3A_508, %dma_start3A_509] : memref<25x80xi32, #tpu.memory_space<vmem>> -> memref<1x80xi32, #tpu.memory_space<vmem>>
      %dma_start3A_511 = tpu.memref_squeeze %dma_start3A_510 : memref<1x80xi32, #tpu.memory_space<vmem>> -> memref<80xi32, #tpu.memory_space<vmem>>
      %dma_start3A_512 = arith.constant 0 : i32
      %dma_start3A_513 = arith.constant 0 : i32
      %dma_start3A_514 = tpu.memref_slice %arg2[%dma_start3A_512, %dma_start3A_513] : memref<10000x128xf32, #tpu.memory_space<hbm>> -> memref<10000x128xf32, #tpu.memory_space<hbm>>
      tpu.enqueue_indirect_dma source(%dma_start3A_514 : memref<10000x128xf32, #tpu.memory_space<hbm>>) target(%arg11 : memref<80x128xf32, #tpu.memory_space<vmem>>) offsets(%dma_start3A_511 : memref<80xi32, #tpu.memory_space<vmem>>) semaphore(%arg15 : memref<!tpu.dma_semaphore, #tpu.memory_space<semaphore_mem>>)
      %dma_wait3A_515 = arith.constant 14 : i32
      %dma_wait3A_516 = arith.constant 0 : i32
      %dma_wait3A_517 = tpu.memref_slice %arg8[%dma_wait3A_515, %dma_wait3A_516] : memref<25x80xi32, #tpu.memory_space<vmem>> -> memref<1x80xi32, #tpu.memory_space<vmem>>
      %dma_wait3A_518 = tpu.memref_squeeze %dma_wait3A_517 : memref<1x80xi32, #tpu.memory_space<vmem>> -> memref<80xi32, #tpu.memory_space<vmem>>
      %dma_wait3A_519 = arith.constant 0 : i32
      %dma_wait3A_520 = arith.constant 0 : i32
      %dma_wait3A_521 = tpu.memref_slice %arg2[%dma_wait3A_519, %dma_wait3A_520] : memref<10000x128xf32, #tpu.memory_space<hbm>> -> memref<10000x128xf32, #tpu.memory_space<hbm>>
      tpu.wait_indirect_dma semaphore(%arg14 : memref<!tpu.dma_semaphore, #tpu.memory_space<semaphore_mem>>) src(%dma_wait3A_521 : memref<10000x128xf32, #tpu.memory_space<hbm>>) dst(%arg10 : memref<80x128xf32, #tpu.memory_space<vmem>>)
      %dma_start3A_522 = arith.constant 14 : i32
      %dma_start3A_523 = arith.constant 0 : i32
      %dma_start3A_524 = tpu.memref_slice %arg9[%dma_start3A_522, %dma_start3A_523] : memref<25x80xi32, #tpu.memory_space<vmem>> -> memref<1x80xi32, #tpu.memory_space<vmem>>
      %dma_start3A_525 = tpu.memref_squeeze %dma_start3A_524 : memref<1x80xi32, #tpu.memory_space<vmem>> -> memref<80xi32, #tpu.memory_space<vmem>>
      %dma_start3A_526 = arith.constant 0 : i32
      %dma_start3A_527 = arith.constant 0 : i32
      %dma_start3A_528 = tpu.memref_slice %arg6[%dma_start3A_526, %dma_start3A_527] : memref<10240x128xf32, #tpu.memory_space<vmem_shared>> -> memref<10240x128xf32, #tpu.memory_space<vmem_shared>>
      tpu.enqueue_indirect_dma source(%arg10 : memref<80x128xf32, #tpu.memory_space<vmem>>) target(%dma_start3A_528 : memref<10240x128xf32, #tpu.memory_space<vmem_shared>>) offsets(%dma_start3A_525 : memref<80xi32, #tpu.memory_space<vmem>>) semaphore(%arg16 : memref<!tpu.dma_semaphore, #tpu.memory_space<semaphore_mem>>) {add = true}
      %run_scoped3A_529 = arith.constant 14 : i32
      "tpu.region"() ({
        %run_scoped3A_821 = tpu.sem_alloc : memref<!tpu.dma_semaphore, #tpu.memory_space<semaphore_mem>>
        %dma_start3A_822 = arith.constant 0 : i32
        %dma_start3A_823 = tpu.memref_slice %arg9[%run_scoped3A_529, %dma_start3A_822] : memref<25x80xi32, #tpu.memory_space<vmem>> -> memref<1x80xi32, #tpu.memory_space<vmem>>
        %dma_start3A_824 = tpu.memref_squeeze %dma_start3A_823 : memref<1x80xi32, #tpu.memory_space<vmem>> -> memref<80xi32, #tpu.memory_space<vmem>>
        %dma_start3A_825 = arith.constant 0 : i32
        %dma_start3A_826 = tpu.memref_slice %arg7[%dma_start3A_825] : memref<10240xf32, #tpu.memory_space<vmem_shared>> -> memref<10240xf32, #tpu.memory_space<vmem_shared>>
        tpu.enqueue_indirect_dma source(%arg12 : memref<80xf32, #tpu.memory_space<vmem>>) target(%dma_start3A_826 : memref<10240xf32, #tpu.memory_space<vmem_shared>>) offsets(%dma_start3A_824 : memref<80xi32, #tpu.memory_space<vmem>>) semaphore(%run_scoped3A_821 : memref<!tpu.dma_semaphore, #tpu.memory_space<semaphore_mem>>) {add = true}
        %dma_wait3A_827 = arith.constant 0 : i32
        %dma_wait3A_828 = tpu.memref_slice %arg9[%run_scoped3A_529, %dma_wait3A_827] : memref<25x80xi32, #tpu.memory_space<vmem>> -> memref<1x80xi32, #tpu.memory_space<vmem>>
        %dma_wait3A_829 = tpu.memref_squeeze %dma_wait3A_828 : memref<1x80xi32, #tpu.memory_space<vmem>> -> memref<80xi32, #tpu.memory_space<vmem>>
        %dma_wait3A_830 = arith.constant 0 : i32
        %dma_wait3A_831 = tpu.memref_slice %arg7[%dma_wait3A_830] : memref<10240xf32, #tpu.memory_space<vmem_shared>> -> memref<10240xf32, #tpu.memory_space<vmem_shared>>
        tpu.wait_indirect_dma semaphore(%run_scoped3A_821 : memref<!tpu.dma_semaphore, #tpu.memory_space<semaphore_mem>>) src(%arg12 : memref<80xf32, #tpu.memory_space<vmem>>) dst(%dma_wait3A_831 : memref<10240xf32, #tpu.memory_space<vmem_shared>>)
        tpu.yield
      }) : () -> ()
      %dma_wait3A_530 = arith.constant 14 : i32
      %dma_wait3A_531 = arith.constant 0 : i32
      %dma_wait3A_532 = tpu.memref_slice %arg9[%dma_wait3A_530, %dma_wait3A_531] : memref<25x80xi32, #tpu.memory_space<vmem>> -> memref<1x80xi32, #tpu.memory_space<vmem>>
      %dma_wait3A_533 = tpu.memref_squeeze %dma_wait3A_532 : memref<1x80xi32, #tpu.memory_space<vmem>> -> memref<80xi32, #tpu.memory_space<vmem>>
      %dma_wait3A_534 = arith.constant 0 : i32
      %dma_wait3A_535 = arith.constant 0 : i32
      %dma_wait3A_536 = tpu.memref_slice %arg6[%dma_wait3A_534, %dma_wait3A_535] : memref<10240x128xf32, #tpu.memory_space<vmem_shared>> -> memref<10240x128xf32, #tpu.memory_space<vmem_shared>>
      tpu.wait_indirect_dma semaphore(%arg16 : memref<!tpu.dma_semaphore, #tpu.memory_space<semaphore_mem>>) src(%arg10 : memref<80x128xf32, #tpu.memory_space<vmem>>) dst(%dma_wait3A_536 : memref<10240x128xf32, #tpu.memory_space<vmem_shared>>)
      %dma_start3A_537 = arith.constant 16 : i32
      %dma_start3A_538 = arith.constant 0 : i32
      %dma_start3A_539 = tpu.memref_slice %arg8[%dma_start3A_537, %dma_start3A_538] : memref<25x80xi32, #tpu.memory_space<vmem>> -> memref<1x80xi32, #tpu.memory_space<vmem>>
      %dma_start3A_540 = tpu.memref_squeeze %dma_start3A_539 : memref<1x80xi32, #tpu.memory_space<vmem>> -> memref<80xi32, #tpu.memory_space<vmem>>
      %dma_start3A_541 = arith.constant 0 : i32
      %dma_start3A_542 = arith.constant 0 : i32
      %dma_start3A_543 = tpu.memref_slice %arg2[%dma_start3A_541, %dma_start3A_542] : memref<10000x128xf32, #tpu.memory_space<hbm>> -> memref<10000x128xf32, #tpu.memory_space<hbm>>
      tpu.enqueue_indirect_dma source(%dma_start3A_543 : memref<10000x128xf32, #tpu.memory_space<hbm>>) target(%arg10 : memref<80x128xf32, #tpu.memory_space<vmem>>) offsets(%dma_start3A_540 : memref<80xi32, #tpu.memory_space<vmem>>) semaphore(%arg14 : memref<!tpu.dma_semaphore, #tpu.memory_space<semaphore_mem>>)
      %dma_wait3A_544 = arith.constant 15 : i32
      %dma_wait3A_545 = arith.constant 0 : i32
      %dma_wait3A_546 = tpu.memref_slice %arg8[%dma_wait3A_544, %dma_wait3A_545] : memref<25x80xi32, #tpu.memory_space<vmem>> -> memref<1x80xi32, #tpu.memory_space<vmem>>
      %dma_wait3A_547 = tpu.memref_squeeze %dma_wait3A_546 : memref<1x80xi32, #tpu.memory_space<vmem>> -> memref<80xi32, #tpu.memory_space<vmem>>
      %dma_wait3A_548 = arith.constant 0 : i32
      %dma_wait3A_549 = arith.constant 0 : i32
      %dma_wait3A_550 = tpu.memref_slice %arg2[%dma_wait3A_548, %dma_wait3A_549] : memref<10000x128xf32, #tpu.memory_space<hbm>> -> memref<10000x128xf32, #tpu.memory_space<hbm>>
      tpu.wait_indirect_dma semaphore(%arg15 : memref<!tpu.dma_semaphore, #tpu.memory_space<semaphore_mem>>) src(%dma_wait3A_550 : memref<10000x128xf32, #tpu.memory_space<hbm>>) dst(%arg11 : memref<80x128xf32, #tpu.memory_space<vmem>>)
      %dma_start3A_551 = arith.constant 15 : i32
      %dma_start3A_552 = arith.constant 0 : i32
      %dma_start3A_553 = tpu.memref_slice %arg9[%dma_start3A_551, %dma_start3A_552] : memref<25x80xi32, #tpu.memory_space<vmem>> -> memref<1x80xi32, #tpu.memory_space<vmem>>
      %dma_start3A_554 = tpu.memref_squeeze %dma_start3A_553 : memref<1x80xi32, #tpu.memory_space<vmem>> -> memref<80xi32, #tpu.memory_space<vmem>>
      %dma_start3A_555 = arith.constant 0 : i32
      %dma_start3A_556 = arith.constant 0 : i32
      %dma_start3A_557 = tpu.memref_slice %arg6[%dma_start3A_555, %dma_start3A_556] : memref<10240x128xf32, #tpu.memory_space<vmem_shared>> -> memref<10240x128xf32, #tpu.memory_space<vmem_shared>>
      tpu.enqueue_indirect_dma source(%arg11 : memref<80x128xf32, #tpu.memory_space<vmem>>) target(%dma_start3A_557 : memref<10240x128xf32, #tpu.memory_space<vmem_shared>>) offsets(%dma_start3A_554 : memref<80xi32, #tpu.memory_space<vmem>>) semaphore(%arg16 : memref<!tpu.dma_semaphore, #tpu.memory_space<semaphore_mem>>) {add = true}
      %run_scoped3A_558 = arith.constant 15 : i32
      "tpu.region"() ({
        %run_scoped3A_821 = tpu.sem_alloc : memref<!tpu.dma_semaphore, #tpu.memory_space<semaphore_mem>>
        %dma_start3A_822 = arith.constant 0 : i32
        %dma_start3A_823 = tpu.memref_slice %arg9[%run_scoped3A_558, %dma_start3A_822] : memref<25x80xi32, #tpu.memory_space<vmem>> -> memref<1x80xi32, #tpu.memory_space<vmem>>
        %dma_start3A_824 = tpu.memref_squeeze %dma_start3A_823 : memref<1x80xi32, #tpu.memory_space<vmem>> -> memref<80xi32, #tpu.memory_space<vmem>>
        %dma_start3A_825 = arith.constant 0 : i32
        %dma_start3A_826 = tpu.memref_slice %arg7[%dma_start3A_825] : memref<10240xf32, #tpu.memory_space<vmem_shared>> -> memref<10240xf32, #tpu.memory_space<vmem_shared>>
        tpu.enqueue_indirect_dma source(%arg12 : memref<80xf32, #tpu.memory_space<vmem>>) target(%dma_start3A_826 : memref<10240xf32, #tpu.memory_space<vmem_shared>>) offsets(%dma_start3A_824 : memref<80xi32, #tpu.memory_space<vmem>>) semaphore(%run_scoped3A_821 : memref<!tpu.dma_semaphore, #tpu.memory_space<semaphore_mem>>) {add = true}
        %dma_wait3A_827 = arith.constant 0 : i32
        %dma_wait3A_828 = tpu.memref_slice %arg9[%run_scoped3A_558, %dma_wait3A_827] : memref<25x80xi32, #tpu.memory_space<vmem>> -> memref<1x80xi32, #tpu.memory_space<vmem>>
        %dma_wait3A_829 = tpu.memref_squeeze %dma_wait3A_828 : memref<1x80xi32, #tpu.memory_space<vmem>> -> memref<80xi32, #tpu.memory_space<vmem>>
        %dma_wait3A_830 = arith.constant 0 : i32
        %dma_wait3A_831 = tpu.memref_slice %arg7[%dma_wait3A_830] : memref<10240xf32, #tpu.memory_space<vmem_shared>> -> memref<10240xf32, #tpu.memory_space<vmem_shared>>
        tpu.wait_indirect_dma semaphore(%run_scoped3A_821 : memref<!tpu.dma_semaphore, #tpu.memory_space<semaphore_mem>>) src(%arg12 : memref<80xf32, #tpu.memory_space<vmem>>) dst(%dma_wait3A_831 : memref<10240xf32, #tpu.memory_space<vmem_shared>>)
        tpu.yield
      }) : () -> ()
      %dma_wait3A_559 = arith.constant 15 : i32
      %dma_wait3A_560 = arith.constant 0 : i32
      %dma_wait3A_561 = tpu.memref_slice %arg9[%dma_wait3A_559, %dma_wait3A_560] : memref<25x80xi32, #tpu.memory_space<vmem>> -> memref<1x80xi32, #tpu.memory_space<vmem>>
      %dma_wait3A_562 = tpu.memref_squeeze %dma_wait3A_561 : memref<1x80xi32, #tpu.memory_space<vmem>> -> memref<80xi32, #tpu.memory_space<vmem>>
      %dma_wait3A_563 = arith.constant 0 : i32
      %dma_wait3A_564 = arith.constant 0 : i32
      %dma_wait3A_565 = tpu.memref_slice %arg6[%dma_wait3A_563, %dma_wait3A_564] : memref<10240x128xf32, #tpu.memory_space<vmem_shared>> -> memref<10240x128xf32, #tpu.memory_space<vmem_shared>>
      tpu.wait_indirect_dma semaphore(%arg16 : memref<!tpu.dma_semaphore, #tpu.memory_space<semaphore_mem>>) src(%arg11 : memref<80x128xf32, #tpu.memory_space<vmem>>) dst(%dma_wait3A_565 : memref<10240x128xf32, #tpu.memory_space<vmem_shared>>)
      %dma_start3A_566 = arith.constant 17 : i32
      %dma_start3A_567 = arith.constant 0 : i32
      %dma_start3A_568 = tpu.memref_slice %arg8[%dma_start3A_566, %dma_start3A_567] : memref<25x80xi32, #tpu.memory_space<vmem>> -> memref<1x80xi32, #tpu.memory_space<vmem>>
      %dma_start3A_569 = tpu.memref_squeeze %dma_start3A_568 : memref<1x80xi32, #tpu.memory_space<vmem>> -> memref<80xi32, #tpu.memory_space<vmem>>
      %dma_start3A_570 = arith.constant 0 : i32
      %dma_start3A_571 = arith.constant 0 : i32
      %dma_start3A_572 = tpu.memref_slice %arg2[%dma_start3A_570, %dma_start3A_571] : memref<10000x128xf32, #tpu.memory_space<hbm>> -> memref<10000x128xf32, #tpu.memory_space<hbm>>
      tpu.enqueue_indirect_dma source(%dma_start3A_572 : memref<10000x128xf32, #tpu.memory_space<hbm>>) target(%arg11 : memref<80x128xf32, #tpu.memory_space<vmem>>) offsets(%dma_start3A_569 : memref<80xi32, #tpu.memory_space<vmem>>) semaphore(%arg15 : memref<!tpu.dma_semaphore, #tpu.memory_space<semaphore_mem>>)
      %dma_wait3A_573 = arith.constant 16 : i32
      %dma_wait3A_574 = arith.constant 0 : i32
      %dma_wait3A_575 = tpu.memref_slice %arg8[%dma_wait3A_573, %dma_wait3A_574] : memref<25x80xi32, #tpu.memory_space<vmem>> -> memref<1x80xi32, #tpu.memory_space<vmem>>
      %dma_wait3A_576 = tpu.memref_squeeze %dma_wait3A_575 : memref<1x80xi32, #tpu.memory_space<vmem>> -> memref<80xi32, #tpu.memory_space<vmem>>
      %dma_wait3A_577 = arith.constant 0 : i32
      %dma_wait3A_578 = arith.constant 0 : i32
      %dma_wait3A_579 = tpu.memref_slice %arg2[%dma_wait3A_577, %dma_wait3A_578] : memref<10000x128xf32, #tpu.memory_space<hbm>> -> memref<10000x128xf32, #tpu.memory_space<hbm>>
      tpu.wait_indirect_dma semaphore(%arg14 : memref<!tpu.dma_semaphore, #tpu.memory_space<semaphore_mem>>) src(%dma_wait3A_579 : memref<10000x128xf32, #tpu.memory_space<hbm>>) dst(%arg10 : memref<80x128xf32, #tpu.memory_space<vmem>>)
      %dma_start3A_580 = arith.constant 16 : i32
      %dma_start3A_581 = arith.constant 0 : i32
      %dma_start3A_582 = tpu.memref_slice %arg9[%dma_start3A_580, %dma_start3A_581] : memref<25x80xi32, #tpu.memory_space<vmem>> -> memref<1x80xi32, #tpu.memory_space<vmem>>
      %dma_start3A_583 = tpu.memref_squeeze %dma_start3A_582 : memref<1x80xi32, #tpu.memory_space<vmem>> -> memref<80xi32, #tpu.memory_space<vmem>>
      %dma_start3A_584 = arith.constant 0 : i32
      %dma_start3A_585 = arith.constant 0 : i32
      %dma_start3A_586 = tpu.memref_slice %arg6[%dma_start3A_584, %dma_start3A_585] : memref<10240x128xf32, #tpu.memory_space<vmem_shared>> -> memref<10240x128xf32, #tpu.memory_space<vmem_shared>>
      tpu.enqueue_indirect_dma source(%arg10 : memref<80x128xf32, #tpu.memory_space<vmem>>) target(%dma_start3A_586 : memref<10240x128xf32, #tpu.memory_space<vmem_shared>>) offsets(%dma_start3A_583 : memref<80xi32, #tpu.memory_space<vmem>>) semaphore(%arg16 : memref<!tpu.dma_semaphore, #tpu.memory_space<semaphore_mem>>) {add = true}
      %run_scoped3A_587 = arith.constant 16 : i32
      "tpu.region"() ({
        %run_scoped3A_821 = tpu.sem_alloc : memref<!tpu.dma_semaphore, #tpu.memory_space<semaphore_mem>>
        %dma_start3A_822 = arith.constant 0 : i32
        %dma_start3A_823 = tpu.memref_slice %arg9[%run_scoped3A_587, %dma_start3A_822] : memref<25x80xi32, #tpu.memory_space<vmem>> -> memref<1x80xi32, #tpu.memory_space<vmem>>
        %dma_start3A_824 = tpu.memref_squeeze %dma_start3A_823 : memref<1x80xi32, #tpu.memory_space<vmem>> -> memref<80xi32, #tpu.memory_space<vmem>>
        %dma_start3A_825 = arith.constant 0 : i32
        %dma_start3A_826 = tpu.memref_slice %arg7[%dma_start3A_825] : memref<10240xf32, #tpu.memory_space<vmem_shared>> -> memref<10240xf32, #tpu.memory_space<vmem_shared>>
        tpu.enqueue_indirect_dma source(%arg12 : memref<80xf32, #tpu.memory_space<vmem>>) target(%dma_start3A_826 : memref<10240xf32, #tpu.memory_space<vmem_shared>>) offsets(%dma_start3A_824 : memref<80xi32, #tpu.memory_space<vmem>>) semaphore(%run_scoped3A_821 : memref<!tpu.dma_semaphore, #tpu.memory_space<semaphore_mem>>) {add = true}
        %dma_wait3A_827 = arith.constant 0 : i32
        %dma_wait3A_828 = tpu.memref_slice %arg9[%run_scoped3A_587, %dma_wait3A_827] : memref<25x80xi32, #tpu.memory_space<vmem>> -> memref<1x80xi32, #tpu.memory_space<vmem>>
        %dma_wait3A_829 = tpu.memref_squeeze %dma_wait3A_828 : memref<1x80xi32, #tpu.memory_space<vmem>> -> memref<80xi32, #tpu.memory_space<vmem>>
        %dma_wait3A_830 = arith.constant 0 : i32
        %dma_wait3A_831 = tpu.memref_slice %arg7[%dma_wait3A_830] : memref<10240xf32, #tpu.memory_space<vmem_shared>> -> memref<10240xf32, #tpu.memory_space<vmem_shared>>
        tpu.wait_indirect_dma semaphore(%run_scoped3A_821 : memref<!tpu.dma_semaphore, #tpu.memory_space<semaphore_mem>>) src(%arg12 : memref<80xf32, #tpu.memory_space<vmem>>) dst(%dma_wait3A_831 : memref<10240xf32, #tpu.memory_space<vmem_shared>>)
        tpu.yield
      }) : () -> ()
      %dma_wait3A_588 = arith.constant 16 : i32
      %dma_wait3A_589 = arith.constant 0 : i32
      %dma_wait3A_590 = tpu.memref_slice %arg9[%dma_wait3A_588, %dma_wait3A_589] : memref<25x80xi32, #tpu.memory_space<vmem>> -> memref<1x80xi32, #tpu.memory_space<vmem>>
      %dma_wait3A_591 = tpu.memref_squeeze %dma_wait3A_590 : memref<1x80xi32, #tpu.memory_space<vmem>> -> memref<80xi32, #tpu.memory_space<vmem>>
      %dma_wait3A_592 = arith.constant 0 : i32
      %dma_wait3A_593 = arith.constant 0 : i32
      %dma_wait3A_594 = tpu.memref_slice %arg6[%dma_wait3A_592, %dma_wait3A_593] : memref<10240x128xf32, #tpu.memory_space<vmem_shared>> -> memref<10240x128xf32, #tpu.memory_space<vmem_shared>>
      tpu.wait_indirect_dma semaphore(%arg16 : memref<!tpu.dma_semaphore, #tpu.memory_space<semaphore_mem>>) src(%arg10 : memref<80x128xf32, #tpu.memory_space<vmem>>) dst(%dma_wait3A_594 : memref<10240x128xf32, #tpu.memory_space<vmem_shared>>)
      %dma_start3A_595 = arith.constant 18 : i32
      %dma_start3A_596 = arith.constant 0 : i32
      %dma_start3A_597 = tpu.memref_slice %arg8[%dma_start3A_595, %dma_start3A_596] : memref<25x80xi32, #tpu.memory_space<vmem>> -> memref<1x80xi32, #tpu.memory_space<vmem>>
      %dma_start3A_598 = tpu.memref_squeeze %dma_start3A_597 : memref<1x80xi32, #tpu.memory_space<vmem>> -> memref<80xi32, #tpu.memory_space<vmem>>
      %dma_start3A_599 = arith.constant 0 : i32
      %dma_start3A_600 = arith.constant 0 : i32
      %dma_start3A_601 = tpu.memref_slice %arg2[%dma_start3A_599, %dma_start3A_600] : memref<10000x128xf32, #tpu.memory_space<hbm>> -> memref<10000x128xf32, #tpu.memory_space<hbm>>
      tpu.enqueue_indirect_dma source(%dma_start3A_601 : memref<10000x128xf32, #tpu.memory_space<hbm>>) target(%arg10 : memref<80x128xf32, #tpu.memory_space<vmem>>) offsets(%dma_start3A_598 : memref<80xi32, #tpu.memory_space<vmem>>) semaphore(%arg14 : memref<!tpu.dma_semaphore, #tpu.memory_space<semaphore_mem>>)
      %dma_wait3A_602 = arith.constant 17 : i32
      %dma_wait3A_603 = arith.constant 0 : i32
      %dma_wait3A_604 = tpu.memref_slice %arg8[%dma_wait3A_602, %dma_wait3A_603] : memref<25x80xi32, #tpu.memory_space<vmem>> -> memref<1x80xi32, #tpu.memory_space<vmem>>
      %dma_wait3A_605 = tpu.memref_squeeze %dma_wait3A_604 : memref<1x80xi32, #tpu.memory_space<vmem>> -> memref<80xi32, #tpu.memory_space<vmem>>
      %dma_wait3A_606 = arith.constant 0 : i32
      %dma_wait3A_607 = arith.constant 0 : i32
      %dma_wait3A_608 = tpu.memref_slice %arg2[%dma_wait3A_606, %dma_wait3A_607] : memref<10000x128xf32, #tpu.memory_space<hbm>> -> memref<10000x128xf32, #tpu.memory_space<hbm>>
      tpu.wait_indirect_dma semaphore(%arg15 : memref<!tpu.dma_semaphore, #tpu.memory_space<semaphore_mem>>) src(%dma_wait3A_608 : memref<10000x128xf32, #tpu.memory_space<hbm>>) dst(%arg11 : memref<80x128xf32, #tpu.memory_space<vmem>>)
      %dma_start3A_609 = arith.constant 17 : i32
      %dma_start3A_610 = arith.constant 0 : i32
      %dma_start3A_611 = tpu.memref_slice %arg9[%dma_start3A_609, %dma_start3A_610] : memref<25x80xi32, #tpu.memory_space<vmem>> -> memref<1x80xi32, #tpu.memory_space<vmem>>
      %dma_start3A_612 = tpu.memref_squeeze %dma_start3A_611 : memref<1x80xi32, #tpu.memory_space<vmem>> -> memref<80xi32, #tpu.memory_space<vmem>>
      %dma_start3A_613 = arith.constant 0 : i32
      %dma_start3A_614 = arith.constant 0 : i32
      %dma_start3A_615 = tpu.memref_slice %arg6[%dma_start3A_613, %dma_start3A_614] : memref<10240x128xf32, #tpu.memory_space<vmem_shared>> -> memref<10240x128xf32, #tpu.memory_space<vmem_shared>>
      tpu.enqueue_indirect_dma source(%arg11 : memref<80x128xf32, #tpu.memory_space<vmem>>) target(%dma_start3A_615 : memref<10240x128xf32, #tpu.memory_space<vmem_shared>>) offsets(%dma_start3A_612 : memref<80xi32, #tpu.memory_space<vmem>>) semaphore(%arg16 : memref<!tpu.dma_semaphore, #tpu.memory_space<semaphore_mem>>) {add = true}
      %run_scoped3A_616 = arith.constant 17 : i32
      "tpu.region"() ({
        %run_scoped3A_821 = tpu.sem_alloc : memref<!tpu.dma_semaphore, #tpu.memory_space<semaphore_mem>>
        %dma_start3A_822 = arith.constant 0 : i32
        %dma_start3A_823 = tpu.memref_slice %arg9[%run_scoped3A_616, %dma_start3A_822] : memref<25x80xi32, #tpu.memory_space<vmem>> -> memref<1x80xi32, #tpu.memory_space<vmem>>
        %dma_start3A_824 = tpu.memref_squeeze %dma_start3A_823 : memref<1x80xi32, #tpu.memory_space<vmem>> -> memref<80xi32, #tpu.memory_space<vmem>>
        %dma_start3A_825 = arith.constant 0 : i32
        %dma_start3A_826 = tpu.memref_slice %arg7[%dma_start3A_825] : memref<10240xf32, #tpu.memory_space<vmem_shared>> -> memref<10240xf32, #tpu.memory_space<vmem_shared>>
        tpu.enqueue_indirect_dma source(%arg12 : memref<80xf32, #tpu.memory_space<vmem>>) target(%dma_start3A_826 : memref<10240xf32, #tpu.memory_space<vmem_shared>>) offsets(%dma_start3A_824 : memref<80xi32, #tpu.memory_space<vmem>>) semaphore(%run_scoped3A_821 : memref<!tpu.dma_semaphore, #tpu.memory_space<semaphore_mem>>) {add = true}
        %dma_wait3A_827 = arith.constant 0 : i32
        %dma_wait3A_828 = tpu.memref_slice %arg9[%run_scoped3A_616, %dma_wait3A_827] : memref<25x80xi32, #tpu.memory_space<vmem>> -> memref<1x80xi32, #tpu.memory_space<vmem>>
        %dma_wait3A_829 = tpu.memref_squeeze %dma_wait3A_828 : memref<1x80xi32, #tpu.memory_space<vmem>> -> memref<80xi32, #tpu.memory_space<vmem>>
        %dma_wait3A_830 = arith.constant 0 : i32
        %dma_wait3A_831 = tpu.memref_slice %arg7[%dma_wait3A_830] : memref<10240xf32, #tpu.memory_space<vmem_shared>> -> memref<10240xf32, #tpu.memory_space<vmem_shared>>
        tpu.wait_indirect_dma semaphore(%run_scoped3A_821 : memref<!tpu.dma_semaphore, #tpu.memory_space<semaphore_mem>>) src(%arg12 : memref<80xf32, #tpu.memory_space<vmem>>) dst(%dma_wait3A_831 : memref<10240xf32, #tpu.memory_space<vmem_shared>>)
        tpu.yield
      }) : () -> ()
      %dma_wait3A_617 = arith.constant 17 : i32
      %dma_wait3A_618 = arith.constant 0 : i32
      %dma_wait3A_619 = tpu.memref_slice %arg9[%dma_wait3A_617, %dma_wait3A_618] : memref<25x80xi32, #tpu.memory_space<vmem>> -> memref<1x80xi32, #tpu.memory_space<vmem>>
      %dma_wait3A_620 = tpu.memref_squeeze %dma_wait3A_619 : memref<1x80xi32, #tpu.memory_space<vmem>> -> memref<80xi32, #tpu.memory_space<vmem>>
      %dma_wait3A_621 = arith.constant 0 : i32
      %dma_wait3A_622 = arith.constant 0 : i32
      %dma_wait3A_623 = tpu.memref_slice %arg6[%dma_wait3A_621, %dma_wait3A_622] : memref<10240x128xf32, #tpu.memory_space<vmem_shared>> -> memref<10240x128xf32, #tpu.memory_space<vmem_shared>>
      tpu.wait_indirect_dma semaphore(%arg16 : memref<!tpu.dma_semaphore, #tpu.memory_space<semaphore_mem>>) src(%arg11 : memref<80x128xf32, #tpu.memory_space<vmem>>) dst(%dma_wait3A_623 : memref<10240x128xf32, #tpu.memory_space<vmem_shared>>)
      %dma_start3A_624 = arith.constant 19 : i32
      %dma_start3A_625 = arith.constant 0 : i32
      %dma_start3A_626 = tpu.memref_slice %arg8[%dma_start3A_624, %dma_start3A_625] : memref<25x80xi32, #tpu.memory_space<vmem>> -> memref<1x80xi32, #tpu.memory_space<vmem>>
      %dma_start3A_627 = tpu.memref_squeeze %dma_start3A_626 : memref<1x80xi32, #tpu.memory_space<vmem>> -> memref<80xi32, #tpu.memory_space<vmem>>
      %dma_start3A_628 = arith.constant 0 : i32
      %dma_start3A_629 = arith.constant 0 : i32
      %dma_start3A_630 = tpu.memref_slice %arg2[%dma_start3A_628, %dma_start3A_629] : memref<10000x128xf32, #tpu.memory_space<hbm>> -> memref<10000x128xf32, #tpu.memory_space<hbm>>
      tpu.enqueue_indirect_dma source(%dma_start3A_630 : memref<10000x128xf32, #tpu.memory_space<hbm>>) target(%arg11 : memref<80x128xf32, #tpu.memory_space<vmem>>) offsets(%dma_start3A_627 : memref<80xi32, #tpu.memory_space<vmem>>) semaphore(%arg15 : memref<!tpu.dma_semaphore, #tpu.memory_space<semaphore_mem>>)
      %dma_wait3A_631 = arith.constant 18 : i32
      %dma_wait3A_632 = arith.constant 0 : i32
      %dma_wait3A_633 = tpu.memref_slice %arg8[%dma_wait3A_631, %dma_wait3A_632] : memref<25x80xi32, #tpu.memory_space<vmem>> -> memref<1x80xi32, #tpu.memory_space<vmem>>
      %dma_wait3A_634 = tpu.memref_squeeze %dma_wait3A_633 : memref<1x80xi32, #tpu.memory_space<vmem>> -> memref<80xi32, #tpu.memory_space<vmem>>
      %dma_wait3A_635 = arith.constant 0 : i32
      %dma_wait3A_636 = arith.constant 0 : i32
      %dma_wait3A_637 = tpu.memref_slice %arg2[%dma_wait3A_635, %dma_wait3A_636] : memref<10000x128xf32, #tpu.memory_space<hbm>> -> memref<10000x128xf32, #tpu.memory_space<hbm>>
      tpu.wait_indirect_dma semaphore(%arg14 : memref<!tpu.dma_semaphore, #tpu.memory_space<semaphore_mem>>) src(%dma_wait3A_637 : memref<10000x128xf32, #tpu.memory_space<hbm>>) dst(%arg10 : memref<80x128xf32, #tpu.memory_space<vmem>>)
      %dma_start3A_638 = arith.constant 18 : i32
      %dma_start3A_639 = arith.constant 0 : i32
      %dma_start3A_640 = tpu.memref_slice %arg9[%dma_start3A_638, %dma_start3A_639] : memref<25x80xi32, #tpu.memory_space<vmem>> -> memref<1x80xi32, #tpu.memory_space<vmem>>
      %dma_start3A_641 = tpu.memref_squeeze %dma_start3A_640 : memref<1x80xi32, #tpu.memory_space<vmem>> -> memref<80xi32, #tpu.memory_space<vmem>>
      %dma_start3A_642 = arith.constant 0 : i32
      %dma_start3A_643 = arith.constant 0 : i32
      %dma_start3A_644 = tpu.memref_slice %arg6[%dma_start3A_642, %dma_start3A_643] : memref<10240x128xf32, #tpu.memory_space<vmem_shared>> -> memref<10240x128xf32, #tpu.memory_space<vmem_shared>>
      tpu.enqueue_indirect_dma source(%arg10 : memref<80x128xf32, #tpu.memory_space<vmem>>) target(%dma_start3A_644 : memref<10240x128xf32, #tpu.memory_space<vmem_shared>>) offsets(%dma_start3A_641 : memref<80xi32, #tpu.memory_space<vmem>>) semaphore(%arg16 : memref<!tpu.dma_semaphore, #tpu.memory_space<semaphore_mem>>) {add = true}
      %run_scoped3A_645 = arith.constant 18 : i32
      "tpu.region"() ({
        %run_scoped3A_821 = tpu.sem_alloc : memref<!tpu.dma_semaphore, #tpu.memory_space<semaphore_mem>>
        %dma_start3A_822 = arith.constant 0 : i32
        %dma_start3A_823 = tpu.memref_slice %arg9[%run_scoped3A_645, %dma_start3A_822] : memref<25x80xi32, #tpu.memory_space<vmem>> -> memref<1x80xi32, #tpu.memory_space<vmem>>
        %dma_start3A_824 = tpu.memref_squeeze %dma_start3A_823 : memref<1x80xi32, #tpu.memory_space<vmem>> -> memref<80xi32, #tpu.memory_space<vmem>>
        %dma_start3A_825 = arith.constant 0 : i32
        %dma_start3A_826 = tpu.memref_slice %arg7[%dma_start3A_825] : memref<10240xf32, #tpu.memory_space<vmem_shared>> -> memref<10240xf32, #tpu.memory_space<vmem_shared>>
        tpu.enqueue_indirect_dma source(%arg12 : memref<80xf32, #tpu.memory_space<vmem>>) target(%dma_start3A_826 : memref<10240xf32, #tpu.memory_space<vmem_shared>>) offsets(%dma_start3A_824 : memref<80xi32, #tpu.memory_space<vmem>>) semaphore(%run_scoped3A_821 : memref<!tpu.dma_semaphore, #tpu.memory_space<semaphore_mem>>) {add = true}
        %dma_wait3A_827 = arith.constant 0 : i32
        %dma_wait3A_828 = tpu.memref_slice %arg9[%run_scoped3A_645, %dma_wait3A_827] : memref<25x80xi32, #tpu.memory_space<vmem>> -> memref<1x80xi32, #tpu.memory_space<vmem>>
        %dma_wait3A_829 = tpu.memref_squeeze %dma_wait3A_828 : memref<1x80xi32, #tpu.memory_space<vmem>> -> memref<80xi32, #tpu.memory_space<vmem>>
        %dma_wait3A_830 = arith.constant 0 : i32
        %dma_wait3A_831 = tpu.memref_slice %arg7[%dma_wait3A_830] : memref<10240xf32, #tpu.memory_space<vmem_shared>> -> memref<10240xf32, #tpu.memory_space<vmem_shared>>
        tpu.wait_indirect_dma semaphore(%run_scoped3A_821 : memref<!tpu.dma_semaphore, #tpu.memory_space<semaphore_mem>>) src(%arg12 : memref<80xf32, #tpu.memory_space<vmem>>) dst(%dma_wait3A_831 : memref<10240xf32, #tpu.memory_space<vmem_shared>>)
        tpu.yield
      }) : () -> ()
      %dma_wait3A_646 = arith.constant 18 : i32
      %dma_wait3A_647 = arith.constant 0 : i32
      %dma_wait3A_648 = tpu.memref_slice %arg9[%dma_wait3A_646, %dma_wait3A_647] : memref<25x80xi32, #tpu.memory_space<vmem>> -> memref<1x80xi32, #tpu.memory_space<vmem>>
      %dma_wait3A_649 = tpu.memref_squeeze %dma_wait3A_648 : memref<1x80xi32, #tpu.memory_space<vmem>> -> memref<80xi32, #tpu.memory_space<vmem>>
      %dma_wait3A_650 = arith.constant 0 : i32
      %dma_wait3A_651 = arith.constant 0 : i32
      %dma_wait3A_652 = tpu.memref_slice %arg6[%dma_wait3A_650, %dma_wait3A_651] : memref<10240x128xf32, #tpu.memory_space<vmem_shared>> -> memref<10240x128xf32, #tpu.memory_space<vmem_shared>>
      tpu.wait_indirect_dma semaphore(%arg16 : memref<!tpu.dma_semaphore, #tpu.memory_space<semaphore_mem>>) src(%arg10 : memref<80x128xf32, #tpu.memory_space<vmem>>) dst(%dma_wait3A_652 : memref<10240x128xf32, #tpu.memory_space<vmem_shared>>)
      %dma_start3A_653 = arith.constant 20 : i32
      %dma_start3A_654 = arith.constant 0 : i32
      %dma_start3A_655 = tpu.memref_slice %arg8[%dma_start3A_653, %dma_start3A_654] : memref<25x80xi32, #tpu.memory_space<vmem>> -> memref<1x80xi32, #tpu.memory_space<vmem>>
      %dma_start3A_656 = tpu.memref_squeeze %dma_start3A_655 : memref<1x80xi32, #tpu.memory_space<vmem>> -> memref<80xi32, #tpu.memory_space<vmem>>
      %dma_start3A_657 = arith.constant 0 : i32
      %dma_start3A_658 = arith.constant 0 : i32
      %dma_start3A_659 = tpu.memref_slice %arg2[%dma_start3A_657, %dma_start3A_658] : memref<10000x128xf32, #tpu.memory_space<hbm>> -> memref<10000x128xf32, #tpu.memory_space<hbm>>
      tpu.enqueue_indirect_dma source(%dma_start3A_659 : memref<10000x128xf32, #tpu.memory_space<hbm>>) target(%arg10 : memref<80x128xf32, #tpu.memory_space<vmem>>) offsets(%dma_start3A_656 : memref<80xi32, #tpu.memory_space<vmem>>) semaphore(%arg14 : memref<!tpu.dma_semaphore, #tpu.memory_space<semaphore_mem>>)
      %dma_wait3A_660 = arith.constant 19 : i32
      %dma_wait3A_661 = arith.constant 0 : i32
      %dma_wait3A_662 = tpu.memref_slice %arg8[%dma_wait3A_660, %dma_wait3A_661] : memref<25x80xi32, #tpu.memory_space<vmem>> -> memref<1x80xi32, #tpu.memory_space<vmem>>
      %dma_wait3A_663 = tpu.memref_squeeze %dma_wait3A_662 : memref<1x80xi32, #tpu.memory_space<vmem>> -> memref<80xi32, #tpu.memory_space<vmem>>
      %dma_wait3A_664 = arith.constant 0 : i32
      %dma_wait3A_665 = arith.constant 0 : i32
      %dma_wait3A_666 = tpu.memref_slice %arg2[%dma_wait3A_664, %dma_wait3A_665] : memref<10000x128xf32, #tpu.memory_space<hbm>> -> memref<10000x128xf32, #tpu.memory_space<hbm>>
      tpu.wait_indirect_dma semaphore(%arg15 : memref<!tpu.dma_semaphore, #tpu.memory_space<semaphore_mem>>) src(%dma_wait3A_666 : memref<10000x128xf32, #tpu.memory_space<hbm>>) dst(%arg11 : memref<80x128xf32, #tpu.memory_space<vmem>>)
      %dma_start3A_667 = arith.constant 19 : i32
      %dma_start3A_668 = arith.constant 0 : i32
      %dma_start3A_669 = tpu.memref_slice %arg9[%dma_start3A_667, %dma_start3A_668] : memref<25x80xi32, #tpu.memory_space<vmem>> -> memref<1x80xi32, #tpu.memory_space<vmem>>
      %dma_start3A_670 = tpu.memref_squeeze %dma_start3A_669 : memref<1x80xi32, #tpu.memory_space<vmem>> -> memref<80xi32, #tpu.memory_space<vmem>>
      %dma_start3A_671 = arith.constant 0 : i32
      %dma_start3A_672 = arith.constant 0 : i32
      %dma_start3A_673 = tpu.memref_slice %arg6[%dma_start3A_671, %dma_start3A_672] : memref<10240x128xf32, #tpu.memory_space<vmem_shared>> -> memref<10240x128xf32, #tpu.memory_space<vmem_shared>>
      tpu.enqueue_indirect_dma source(%arg11 : memref<80x128xf32, #tpu.memory_space<vmem>>) target(%dma_start3A_673 : memref<10240x128xf32, #tpu.memory_space<vmem_shared>>) offsets(%dma_start3A_670 : memref<80xi32, #tpu.memory_space<vmem>>) semaphore(%arg16 : memref<!tpu.dma_semaphore, #tpu.memory_space<semaphore_mem>>) {add = true}
      %run_scoped3A_674 = arith.constant 19 : i32
      "tpu.region"() ({
        %run_scoped3A_821 = tpu.sem_alloc : memref<!tpu.dma_semaphore, #tpu.memory_space<semaphore_mem>>
        %dma_start3A_822 = arith.constant 0 : i32
        %dma_start3A_823 = tpu.memref_slice %arg9[%run_scoped3A_674, %dma_start3A_822] : memref<25x80xi32, #tpu.memory_space<vmem>> -> memref<1x80xi32, #tpu.memory_space<vmem>>
        %dma_start3A_824 = tpu.memref_squeeze %dma_start3A_823 : memref<1x80xi32, #tpu.memory_space<vmem>> -> memref<80xi32, #tpu.memory_space<vmem>>
        %dma_start3A_825 = arith.constant 0 : i32
        %dma_start3A_826 = tpu.memref_slice %arg7[%dma_start3A_825] : memref<10240xf32, #tpu.memory_space<vmem_shared>> -> memref<10240xf32, #tpu.memory_space<vmem_shared>>
        tpu.enqueue_indirect_dma source(%arg12 : memref<80xf32, #tpu.memory_space<vmem>>) target(%dma_start3A_826 : memref<10240xf32, #tpu.memory_space<vmem_shared>>) offsets(%dma_start3A_824 : memref<80xi32, #tpu.memory_space<vmem>>) semaphore(%run_scoped3A_821 : memref<!tpu.dma_semaphore, #tpu.memory_space<semaphore_mem>>) {add = true}
        %dma_wait3A_827 = arith.constant 0 : i32
        %dma_wait3A_828 = tpu.memref_slice %arg9[%run_scoped3A_674, %dma_wait3A_827] : memref<25x80xi32, #tpu.memory_space<vmem>> -> memref<1x80xi32, #tpu.memory_space<vmem>>
        %dma_wait3A_829 = tpu.memref_squeeze %dma_wait3A_828 : memref<1x80xi32, #tpu.memory_space<vmem>> -> memref<80xi32, #tpu.memory_space<vmem>>
        %dma_wait3A_830 = arith.constant 0 : i32
        %dma_wait3A_831 = tpu.memref_slice %arg7[%dma_wait3A_830] : memref<10240xf32, #tpu.memory_space<vmem_shared>> -> memref<10240xf32, #tpu.memory_space<vmem_shared>>
        tpu.wait_indirect_dma semaphore(%run_scoped3A_821 : memref<!tpu.dma_semaphore, #tpu.memory_space<semaphore_mem>>) src(%arg12 : memref<80xf32, #tpu.memory_space<vmem>>) dst(%dma_wait3A_831 : memref<10240xf32, #tpu.memory_space<vmem_shared>>)
        tpu.yield
      }) : () -> ()
      %dma_wait3A_675 = arith.constant 19 : i32
      %dma_wait3A_676 = arith.constant 0 : i32
      %dma_wait3A_677 = tpu.memref_slice %arg9[%dma_wait3A_675, %dma_wait3A_676] : memref<25x80xi32, #tpu.memory_space<vmem>> -> memref<1x80xi32, #tpu.memory_space<vmem>>
      %dma_wait3A_678 = tpu.memref_squeeze %dma_wait3A_677 : memref<1x80xi32, #tpu.memory_space<vmem>> -> memref<80xi32, #tpu.memory_space<vmem>>
      %dma_wait3A_679 = arith.constant 0 : i32
      %dma_wait3A_680 = arith.constant 0 : i32
      %dma_wait3A_681 = tpu.memref_slice %arg6[%dma_wait3A_679, %dma_wait3A_680] : memref<10240x128xf32, #tpu.memory_space<vmem_shared>> -> memref<10240x128xf32, #tpu.memory_space<vmem_shared>>
      tpu.wait_indirect_dma semaphore(%arg16 : memref<!tpu.dma_semaphore, #tpu.memory_space<semaphore_mem>>) src(%arg11 : memref<80x128xf32, #tpu.memory_space<vmem>>) dst(%dma_wait3A_681 : memref<10240x128xf32, #tpu.memory_space<vmem_shared>>)
      %dma_start3A_682 = arith.constant 21 : i32
      %dma_start3A_683 = arith.constant 0 : i32
      %dma_start3A_684 = tpu.memref_slice %arg8[%dma_start3A_682, %dma_start3A_683] : memref<25x80xi32, #tpu.memory_space<vmem>> -> memref<1x80xi32, #tpu.memory_space<vmem>>
      %dma_start3A_685 = tpu.memref_squeeze %dma_start3A_684 : memref<1x80xi32, #tpu.memory_space<vmem>> -> memref<80xi32, #tpu.memory_space<vmem>>
      %dma_start3A_686 = arith.constant 0 : i32
      %dma_start3A_687 = arith.constant 0 : i32
      %dma_start3A_688 = tpu.memref_slice %arg2[%dma_start3A_686, %dma_start3A_687] : memref<10000x128xf32, #tpu.memory_space<hbm>> -> memref<10000x128xf32, #tpu.memory_space<hbm>>
      tpu.enqueue_indirect_dma source(%dma_start3A_688 : memref<10000x128xf32, #tpu.memory_space<hbm>>) target(%arg11 : memref<80x128xf32, #tpu.memory_space<vmem>>) offsets(%dma_start3A_685 : memref<80xi32, #tpu.memory_space<vmem>>) semaphore(%arg15 : memref<!tpu.dma_semaphore, #tpu.memory_space<semaphore_mem>>)
      %dma_wait3A_689 = arith.constant 20 : i32
      %dma_wait3A_690 = arith.constant 0 : i32
      %dma_wait3A_691 = tpu.memref_slice %arg8[%dma_wait3A_689, %dma_wait3A_690] : memref<25x80xi32, #tpu.memory_space<vmem>> -> memref<1x80xi32, #tpu.memory_space<vmem>>
      %dma_wait3A_692 = tpu.memref_squeeze %dma_wait3A_691 : memref<1x80xi32, #tpu.memory_space<vmem>> -> memref<80xi32, #tpu.memory_space<vmem>>
      %dma_wait3A_693 = arith.constant 0 : i32
      %dma_wait3A_694 = arith.constant 0 : i32
      %dma_wait3A_695 = tpu.memref_slice %arg2[%dma_wait3A_693, %dma_wait3A_694] : memref<10000x128xf32, #tpu.memory_space<hbm>> -> memref<10000x128xf32, #tpu.memory_space<hbm>>
      tpu.wait_indirect_dma semaphore(%arg14 : memref<!tpu.dma_semaphore, #tpu.memory_space<semaphore_mem>>) src(%dma_wait3A_695 : memref<10000x128xf32, #tpu.memory_space<hbm>>) dst(%arg10 : memref<80x128xf32, #tpu.memory_space<vmem>>)
      %dma_start3A_696 = arith.constant 20 : i32
      %dma_start3A_697 = arith.constant 0 : i32
      %dma_start3A_698 = tpu.memref_slice %arg9[%dma_start3A_696, %dma_start3A_697] : memref<25x80xi32, #tpu.memory_space<vmem>> -> memref<1x80xi32, #tpu.memory_space<vmem>>
      %dma_start3A_699 = tpu.memref_squeeze %dma_start3A_698 : memref<1x80xi32, #tpu.memory_space<vmem>> -> memref<80xi32, #tpu.memory_space<vmem>>
      %dma_start3A_700 = arith.constant 0 : i32
      %dma_start3A_701 = arith.constant 0 : i32
      %dma_start3A_702 = tpu.memref_slice %arg6[%dma_start3A_700, %dma_start3A_701] : memref<10240x128xf32, #tpu.memory_space<vmem_shared>> -> memref<10240x128xf32, #tpu.memory_space<vmem_shared>>
      tpu.enqueue_indirect_dma source(%arg10 : memref<80x128xf32, #tpu.memory_space<vmem>>) target(%dma_start3A_702 : memref<10240x128xf32, #tpu.memory_space<vmem_shared>>) offsets(%dma_start3A_699 : memref<80xi32, #tpu.memory_space<vmem>>) semaphore(%arg16 : memref<!tpu.dma_semaphore, #tpu.memory_space<semaphore_mem>>) {add = true}
      %run_scoped3A_703 = arith.constant 20 : i32
      "tpu.region"() ({
        %run_scoped3A_821 = tpu.sem_alloc : memref<!tpu.dma_semaphore, #tpu.memory_space<semaphore_mem>>
        %dma_start3A_822 = arith.constant 0 : i32
        %dma_start3A_823 = tpu.memref_slice %arg9[%run_scoped3A_703, %dma_start3A_822] : memref<25x80xi32, #tpu.memory_space<vmem>> -> memref<1x80xi32, #tpu.memory_space<vmem>>
        %dma_start3A_824 = tpu.memref_squeeze %dma_start3A_823 : memref<1x80xi32, #tpu.memory_space<vmem>> -> memref<80xi32, #tpu.memory_space<vmem>>
        %dma_start3A_825 = arith.constant 0 : i32
        %dma_start3A_826 = tpu.memref_slice %arg7[%dma_start3A_825] : memref<10240xf32, #tpu.memory_space<vmem_shared>> -> memref<10240xf32, #tpu.memory_space<vmem_shared>>
        tpu.enqueue_indirect_dma source(%arg12 : memref<80xf32, #tpu.memory_space<vmem>>) target(%dma_start3A_826 : memref<10240xf32, #tpu.memory_space<vmem_shared>>) offsets(%dma_start3A_824 : memref<80xi32, #tpu.memory_space<vmem>>) semaphore(%run_scoped3A_821 : memref<!tpu.dma_semaphore, #tpu.memory_space<semaphore_mem>>) {add = true}
        %dma_wait3A_827 = arith.constant 0 : i32
        %dma_wait3A_828 = tpu.memref_slice %arg9[%run_scoped3A_703, %dma_wait3A_827] : memref<25x80xi32, #tpu.memory_space<vmem>> -> memref<1x80xi32, #tpu.memory_space<vmem>>
        %dma_wait3A_829 = tpu.memref_squeeze %dma_wait3A_828 : memref<1x80xi32, #tpu.memory_space<vmem>> -> memref<80xi32, #tpu.memory_space<vmem>>
        %dma_wait3A_830 = arith.constant 0 : i32
        %dma_wait3A_831 = tpu.memref_slice %arg7[%dma_wait3A_830] : memref<10240xf32, #tpu.memory_space<vmem_shared>> -> memref<10240xf32, #tpu.memory_space<vmem_shared>>
        tpu.wait_indirect_dma semaphore(%run_scoped3A_821 : memref<!tpu.dma_semaphore, #tpu.memory_space<semaphore_mem>>) src(%arg12 : memref<80xf32, #tpu.memory_space<vmem>>) dst(%dma_wait3A_831 : memref<10240xf32, #tpu.memory_space<vmem_shared>>)
        tpu.yield
      }) : () -> ()
      %dma_wait3A_704 = arith.constant 20 : i32
      %dma_wait3A_705 = arith.constant 0 : i32
      %dma_wait3A_706 = tpu.memref_slice %arg9[%dma_wait3A_704, %dma_wait3A_705] : memref<25x80xi32, #tpu.memory_space<vmem>> -> memref<1x80xi32, #tpu.memory_space<vmem>>
      %dma_wait3A_707 = tpu.memref_squeeze %dma_wait3A_706 : memref<1x80xi32, #tpu.memory_space<vmem>> -> memref<80xi32, #tpu.memory_space<vmem>>
      %dma_wait3A_708 = arith.constant 0 : i32
      %dma_wait3A_709 = arith.constant 0 : i32
      %dma_wait3A_710 = tpu.memref_slice %arg6[%dma_wait3A_708, %dma_wait3A_709] : memref<10240x128xf32, #tpu.memory_space<vmem_shared>> -> memref<10240x128xf32, #tpu.memory_space<vmem_shared>>
      tpu.wait_indirect_dma semaphore(%arg16 : memref<!tpu.dma_semaphore, #tpu.memory_space<semaphore_mem>>) src(%arg10 : memref<80x128xf32, #tpu.memory_space<vmem>>) dst(%dma_wait3A_710 : memref<10240x128xf32, #tpu.memory_space<vmem_shared>>)
      %dma_start3A_711 = arith.constant 22 : i32
      %dma_start3A_712 = arith.constant 0 : i32
      %dma_start3A_713 = tpu.memref_slice %arg8[%dma_start3A_711, %dma_start3A_712] : memref<25x80xi32, #tpu.memory_space<vmem>> -> memref<1x80xi32, #tpu.memory_space<vmem>>
      %dma_start3A_714 = tpu.memref_squeeze %dma_start3A_713 : memref<1x80xi32, #tpu.memory_space<vmem>> -> memref<80xi32, #tpu.memory_space<vmem>>
      %dma_start3A_715 = arith.constant 0 : i32
      %dma_start3A_716 = arith.constant 0 : i32
      %dma_start3A_717 = tpu.memref_slice %arg2[%dma_start3A_715, %dma_start3A_716] : memref<10000x128xf32, #tpu.memory_space<hbm>> -> memref<10000x128xf32, #tpu.memory_space<hbm>>
      tpu.enqueue_indirect_dma source(%dma_start3A_717 : memref<10000x128xf32, #tpu.memory_space<hbm>>) target(%arg10 : memref<80x128xf32, #tpu.memory_space<vmem>>) offsets(%dma_start3A_714 : memref<80xi32, #tpu.memory_space<vmem>>) semaphore(%arg14 : memref<!tpu.dma_semaphore, #tpu.memory_space<semaphore_mem>>)
      %dma_wait3A_718 = arith.constant 21 : i32
      %dma_wait3A_719 = arith.constant 0 : i32
      %dma_wait3A_720 = tpu.memref_slice %arg8[%dma_wait3A_718, %dma_wait3A_719] : memref<25x80xi32, #tpu.memory_space<vmem>> -> memref<1x80xi32, #tpu.memory_space<vmem>>
      %dma_wait3A_721 = tpu.memref_squeeze %dma_wait3A_720 : memref<1x80xi32, #tpu.memory_space<vmem>> -> memref<80xi32, #tpu.memory_space<vmem>>
      %dma_wait3A_722 = arith.constant 0 : i32
      %dma_wait3A_723 = arith.constant 0 : i32
      %dma_wait3A_724 = tpu.memref_slice %arg2[%dma_wait3A_722, %dma_wait3A_723] : memref<10000x128xf32, #tpu.memory_space<hbm>> -> memref<10000x128xf32, #tpu.memory_space<hbm>>
      tpu.wait_indirect_dma semaphore(%arg15 : memref<!tpu.dma_semaphore, #tpu.memory_space<semaphore_mem>>) src(%dma_wait3A_724 : memref<10000x128xf32, #tpu.memory_space<hbm>>) dst(%arg11 : memref<80x128xf32, #tpu.memory_space<vmem>>)
      %dma_start3A_725 = arith.constant 21 : i32
      %dma_start3A_726 = arith.constant 0 : i32
      %dma_start3A_727 = tpu.memref_slice %arg9[%dma_start3A_725, %dma_start3A_726] : memref<25x80xi32, #tpu.memory_space<vmem>> -> memref<1x80xi32, #tpu.memory_space<vmem>>
      %dma_start3A_728 = tpu.memref_squeeze %dma_start3A_727 : memref<1x80xi32, #tpu.memory_space<vmem>> -> memref<80xi32, #tpu.memory_space<vmem>>
      %dma_start3A_729 = arith.constant 0 : i32
      %dma_start3A_730 = arith.constant 0 : i32
      %dma_start3A_731 = tpu.memref_slice %arg6[%dma_start3A_729, %dma_start3A_730] : memref<10240x128xf32, #tpu.memory_space<vmem_shared>> -> memref<10240x128xf32, #tpu.memory_space<vmem_shared>>
      tpu.enqueue_indirect_dma source(%arg11 : memref<80x128xf32, #tpu.memory_space<vmem>>) target(%dma_start3A_731 : memref<10240x128xf32, #tpu.memory_space<vmem_shared>>) offsets(%dma_start3A_728 : memref<80xi32, #tpu.memory_space<vmem>>) semaphore(%arg16 : memref<!tpu.dma_semaphore, #tpu.memory_space<semaphore_mem>>) {add = true}
      %run_scoped3A_732 = arith.constant 21 : i32
      "tpu.region"() ({
        %run_scoped3A_821 = tpu.sem_alloc : memref<!tpu.dma_semaphore, #tpu.memory_space<semaphore_mem>>
        %dma_start3A_822 = arith.constant 0 : i32
        %dma_start3A_823 = tpu.memref_slice %arg9[%run_scoped3A_732, %dma_start3A_822] : memref<25x80xi32, #tpu.memory_space<vmem>> -> memref<1x80xi32, #tpu.memory_space<vmem>>
        %dma_start3A_824 = tpu.memref_squeeze %dma_start3A_823 : memref<1x80xi32, #tpu.memory_space<vmem>> -> memref<80xi32, #tpu.memory_space<vmem>>
        %dma_start3A_825 = arith.constant 0 : i32
        %dma_start3A_826 = tpu.memref_slice %arg7[%dma_start3A_825] : memref<10240xf32, #tpu.memory_space<vmem_shared>> -> memref<10240xf32, #tpu.memory_space<vmem_shared>>
        tpu.enqueue_indirect_dma source(%arg12 : memref<80xf32, #tpu.memory_space<vmem>>) target(%dma_start3A_826 : memref<10240xf32, #tpu.memory_space<vmem_shared>>) offsets(%dma_start3A_824 : memref<80xi32, #tpu.memory_space<vmem>>) semaphore(%run_scoped3A_821 : memref<!tpu.dma_semaphore, #tpu.memory_space<semaphore_mem>>) {add = true}
        %dma_wait3A_827 = arith.constant 0 : i32
        %dma_wait3A_828 = tpu.memref_slice %arg9[%run_scoped3A_732, %dma_wait3A_827] : memref<25x80xi32, #tpu.memory_space<vmem>> -> memref<1x80xi32, #tpu.memory_space<vmem>>
        %dma_wait3A_829 = tpu.memref_squeeze %dma_wait3A_828 : memref<1x80xi32, #tpu.memory_space<vmem>> -> memref<80xi32, #tpu.memory_space<vmem>>
        %dma_wait3A_830 = arith.constant 0 : i32
        %dma_wait3A_831 = tpu.memref_slice %arg7[%dma_wait3A_830] : memref<10240xf32, #tpu.memory_space<vmem_shared>> -> memref<10240xf32, #tpu.memory_space<vmem_shared>>
        tpu.wait_indirect_dma semaphore(%run_scoped3A_821 : memref<!tpu.dma_semaphore, #tpu.memory_space<semaphore_mem>>) src(%arg12 : memref<80xf32, #tpu.memory_space<vmem>>) dst(%dma_wait3A_831 : memref<10240xf32, #tpu.memory_space<vmem_shared>>)
        tpu.yield
      }) : () -> ()
      %dma_wait3A_733 = arith.constant 21 : i32
      %dma_wait3A_734 = arith.constant 0 : i32
      %dma_wait3A_735 = tpu.memref_slice %arg9[%dma_wait3A_733, %dma_wait3A_734] : memref<25x80xi32, #tpu.memory_space<vmem>> -> memref<1x80xi32, #tpu.memory_space<vmem>>
      %dma_wait3A_736 = tpu.memref_squeeze %dma_wait3A_735 : memref<1x80xi32, #tpu.memory_space<vmem>> -> memref<80xi32, #tpu.memory_space<vmem>>
      %dma_wait3A_737 = arith.constant 0 : i32
      %dma_wait3A_738 = arith.constant 0 : i32
      %dma_wait3A_739 = tpu.memref_slice %arg6[%dma_wait3A_737, %dma_wait3A_738] : memref<10240x128xf32, #tpu.memory_space<vmem_shared>> -> memref<10240x128xf32, #tpu.memory_space<vmem_shared>>
      tpu.wait_indirect_dma semaphore(%arg16 : memref<!tpu.dma_semaphore, #tpu.memory_space<semaphore_mem>>) src(%arg11 : memref<80x128xf32, #tpu.memory_space<vmem>>) dst(%dma_wait3A_739 : memref<10240x128xf32, #tpu.memory_space<vmem_shared>>)
      %dma_start3A_740 = arith.constant 23 : i32
      %dma_start3A_741 = arith.constant 0 : i32
      %dma_start3A_742 = tpu.memref_slice %arg8[%dma_start3A_740, %dma_start3A_741] : memref<25x80xi32, #tpu.memory_space<vmem>> -> memref<1x80xi32, #tpu.memory_space<vmem>>
      %dma_start3A_743 = tpu.memref_squeeze %dma_start3A_742 : memref<1x80xi32, #tpu.memory_space<vmem>> -> memref<80xi32, #tpu.memory_space<vmem>>
      %dma_start3A_744 = arith.constant 0 : i32
      %dma_start3A_745 = arith.constant 0 : i32
      %dma_start3A_746 = tpu.memref_slice %arg2[%dma_start3A_744, %dma_start3A_745] : memref<10000x128xf32, #tpu.memory_space<hbm>> -> memref<10000x128xf32, #tpu.memory_space<hbm>>
      tpu.enqueue_indirect_dma source(%dma_start3A_746 : memref<10000x128xf32, #tpu.memory_space<hbm>>) target(%arg11 : memref<80x128xf32, #tpu.memory_space<vmem>>) offsets(%dma_start3A_743 : memref<80xi32, #tpu.memory_space<vmem>>) semaphore(%arg15 : memref<!tpu.dma_semaphore, #tpu.memory_space<semaphore_mem>>)
      %dma_wait3A_747 = arith.constant 22 : i32
      %dma_wait3A_748 = arith.constant 0 : i32
      %dma_wait3A_749 = tpu.memref_slice %arg8[%dma_wait3A_747, %dma_wait3A_748] : memref<25x80xi32, #tpu.memory_space<vmem>> -> memref<1x80xi32, #tpu.memory_space<vmem>>
      %dma_wait3A_750 = tpu.memref_squeeze %dma_wait3A_749 : memref<1x80xi32, #tpu.memory_space<vmem>> -> memref<80xi32, #tpu.memory_space<vmem>>
      %dma_wait3A_751 = arith.constant 0 : i32
      %dma_wait3A_752 = arith.constant 0 : i32
      %dma_wait3A_753 = tpu.memref_slice %arg2[%dma_wait3A_751, %dma_wait3A_752] : memref<10000x128xf32, #tpu.memory_space<hbm>> -> memref<10000x128xf32, #tpu.memory_space<hbm>>
      tpu.wait_indirect_dma semaphore(%arg14 : memref<!tpu.dma_semaphore, #tpu.memory_space<semaphore_mem>>) src(%dma_wait3A_753 : memref<10000x128xf32, #tpu.memory_space<hbm>>) dst(%arg10 : memref<80x128xf32, #tpu.memory_space<vmem>>)
      %dma_start3A_754 = arith.constant 22 : i32
      %dma_start3A_755 = arith.constant 0 : i32
      %dma_start3A_756 = tpu.memref_slice %arg9[%dma_start3A_754, %dma_start3A_755] : memref<25x80xi32, #tpu.memory_space<vmem>> -> memref<1x80xi32, #tpu.memory_space<vmem>>
      %dma_start3A_757 = tpu.memref_squeeze %dma_start3A_756 : memref<1x80xi32, #tpu.memory_space<vmem>> -> memref<80xi32, #tpu.memory_space<vmem>>
      %dma_start3A_758 = arith.constant 0 : i32
      %dma_start3A_759 = arith.constant 0 : i32
      %dma_start3A_760 = tpu.memref_slice %arg6[%dma_start3A_758, %dma_start3A_759] : memref<10240x128xf32, #tpu.memory_space<vmem_shared>> -> memref<10240x128xf32, #tpu.memory_space<vmem_shared>>
      tpu.enqueue_indirect_dma source(%arg10 : memref<80x128xf32, #tpu.memory_space<vmem>>) target(%dma_start3A_760 : memref<10240x128xf32, #tpu.memory_space<vmem_shared>>) offsets(%dma_start3A_757 : memref<80xi32, #tpu.memory_space<vmem>>) semaphore(%arg16 : memref<!tpu.dma_semaphore, #tpu.memory_space<semaphore_mem>>) {add = true}
      %run_scoped3A_761 = arith.constant 22 : i32
      "tpu.region"() ({
        %run_scoped3A_821 = tpu.sem_alloc : memref<!tpu.dma_semaphore, #tpu.memory_space<semaphore_mem>>
        %dma_start3A_822 = arith.constant 0 : i32
        %dma_start3A_823 = tpu.memref_slice %arg9[%run_scoped3A_761, %dma_start3A_822] : memref<25x80xi32, #tpu.memory_space<vmem>> -> memref<1x80xi32, #tpu.memory_space<vmem>>
        %dma_start3A_824 = tpu.memref_squeeze %dma_start3A_823 : memref<1x80xi32, #tpu.memory_space<vmem>> -> memref<80xi32, #tpu.memory_space<vmem>>
        %dma_start3A_825 = arith.constant 0 : i32
        %dma_start3A_826 = tpu.memref_slice %arg7[%dma_start3A_825] : memref<10240xf32, #tpu.memory_space<vmem_shared>> -> memref<10240xf32, #tpu.memory_space<vmem_shared>>
        tpu.enqueue_indirect_dma source(%arg12 : memref<80xf32, #tpu.memory_space<vmem>>) target(%dma_start3A_826 : memref<10240xf32, #tpu.memory_space<vmem_shared>>) offsets(%dma_start3A_824 : memref<80xi32, #tpu.memory_space<vmem>>) semaphore(%run_scoped3A_821 : memref<!tpu.dma_semaphore, #tpu.memory_space<semaphore_mem>>) {add = true}
        %dma_wait3A_827 = arith.constant 0 : i32
        %dma_wait3A_828 = tpu.memref_slice %arg9[%run_scoped3A_761, %dma_wait3A_827] : memref<25x80xi32, #tpu.memory_space<vmem>> -> memref<1x80xi32, #tpu.memory_space<vmem>>
        %dma_wait3A_829 = tpu.memref_squeeze %dma_wait3A_828 : memref<1x80xi32, #tpu.memory_space<vmem>> -> memref<80xi32, #tpu.memory_space<vmem>>
        %dma_wait3A_830 = arith.constant 0 : i32
        %dma_wait3A_831 = tpu.memref_slice %arg7[%dma_wait3A_830] : memref<10240xf32, #tpu.memory_space<vmem_shared>> -> memref<10240xf32, #tpu.memory_space<vmem_shared>>
        tpu.wait_indirect_dma semaphore(%run_scoped3A_821 : memref<!tpu.dma_semaphore, #tpu.memory_space<semaphore_mem>>) src(%arg12 : memref<80xf32, #tpu.memory_space<vmem>>) dst(%dma_wait3A_831 : memref<10240xf32, #tpu.memory_space<vmem_shared>>)
        tpu.yield
      }) : () -> ()
      %dma_wait3A_762 = arith.constant 22 : i32
      %dma_wait3A_763 = arith.constant 0 : i32
      %dma_wait3A_764 = tpu.memref_slice %arg9[%dma_wait3A_762, %dma_wait3A_763] : memref<25x80xi32, #tpu.memory_space<vmem>> -> memref<1x80xi32, #tpu.memory_space<vmem>>
      %dma_wait3A_765 = tpu.memref_squeeze %dma_wait3A_764 : memref<1x80xi32, #tpu.memory_space<vmem>> -> memref<80xi32, #tpu.memory_space<vmem>>
      %dma_wait3A_766 = arith.constant 0 : i32
      %dma_wait3A_767 = arith.constant 0 : i32
      %dma_wait3A_768 = tpu.memref_slice %arg6[%dma_wait3A_766, %dma_wait3A_767] : memref<10240x128xf32, #tpu.memory_space<vmem_shared>> -> memref<10240x128xf32, #tpu.memory_space<vmem_shared>>
      tpu.wait_indirect_dma semaphore(%arg16 : memref<!tpu.dma_semaphore, #tpu.memory_space<semaphore_mem>>) src(%arg10 : memref<80x128xf32, #tpu.memory_space<vmem>>) dst(%dma_wait3A_768 : memref<10240x128xf32, #tpu.memory_space<vmem_shared>>)
      %dma_start3A_769 = arith.constant 24 : i32
      %dma_start3A_770 = arith.constant 0 : i32
      %dma_start3A_771 = tpu.memref_slice %arg8[%dma_start3A_769, %dma_start3A_770] : memref<25x80xi32, #tpu.memory_space<vmem>> -> memref<1x80xi32, #tpu.memory_space<vmem>>
      %dma_start3A_772 = tpu.memref_squeeze %dma_start3A_771 : memref<1x80xi32, #tpu.memory_space<vmem>> -> memref<80xi32, #tpu.memory_space<vmem>>
      %dma_start3A_773 = arith.constant 0 : i32
      %dma_start3A_774 = arith.constant 0 : i32
      %dma_start3A_775 = tpu.memref_slice %arg2[%dma_start3A_773, %dma_start3A_774] : memref<10000x128xf32, #tpu.memory_space<hbm>> -> memref<10000x128xf32, #tpu.memory_space<hbm>>
      tpu.enqueue_indirect_dma source(%dma_start3A_775 : memref<10000x128xf32, #tpu.memory_space<hbm>>) target(%arg10 : memref<80x128xf32, #tpu.memory_space<vmem>>) offsets(%dma_start3A_772 : memref<80xi32, #tpu.memory_space<vmem>>) semaphore(%arg14 : memref<!tpu.dma_semaphore, #tpu.memory_space<semaphore_mem>>)
      %dma_wait3A_776 = arith.constant 23 : i32
      %dma_wait3A_777 = arith.constant 0 : i32
      %dma_wait3A_778 = tpu.memref_slice %arg8[%dma_wait3A_776, %dma_wait3A_777] : memref<25x80xi32, #tpu.memory_space<vmem>> -> memref<1x80xi32, #tpu.memory_space<vmem>>
      %dma_wait3A_779 = tpu.memref_squeeze %dma_wait3A_778 : memref<1x80xi32, #tpu.memory_space<vmem>> -> memref<80xi32, #tpu.memory_space<vmem>>
      %dma_wait3A_780 = arith.constant 0 : i32
      %dma_wait3A_781 = arith.constant 0 : i32
      %dma_wait3A_782 = tpu.memref_slice %arg2[%dma_wait3A_780, %dma_wait3A_781] : memref<10000x128xf32, #tpu.memory_space<hbm>> -> memref<10000x128xf32, #tpu.memory_space<hbm>>
      tpu.wait_indirect_dma semaphore(%arg15 : memref<!tpu.dma_semaphore, #tpu.memory_space<semaphore_mem>>) src(%dma_wait3A_782 : memref<10000x128xf32, #tpu.memory_space<hbm>>) dst(%arg11 : memref<80x128xf32, #tpu.memory_space<vmem>>)
      %dma_start3A_783 = arith.constant 23 : i32
      %dma_start3A_784 = arith.constant 0 : i32
      %dma_start3A_785 = tpu.memref_slice %arg9[%dma_start3A_783, %dma_start3A_784] : memref<25x80xi32, #tpu.memory_space<vmem>> -> memref<1x80xi32, #tpu.memory_space<vmem>>
      %dma_start3A_786 = tpu.memref_squeeze %dma_start3A_785 : memref<1x80xi32, #tpu.memory_space<vmem>> -> memref<80xi32, #tpu.memory_space<vmem>>
      %dma_start3A_787 = arith.constant 0 : i32
      %dma_start3A_788 = arith.constant 0 : i32
      %dma_start3A_789 = tpu.memref_slice %arg6[%dma_start3A_787, %dma_start3A_788] : memref<10240x128xf32, #tpu.memory_space<vmem_shared>> -> memref<10240x128xf32, #tpu.memory_space<vmem_shared>>
      tpu.enqueue_indirect_dma source(%arg11 : memref<80x128xf32, #tpu.memory_space<vmem>>) target(%dma_start3A_789 : memref<10240x128xf32, #tpu.memory_space<vmem_shared>>) offsets(%dma_start3A_786 : memref<80xi32, #tpu.memory_space<vmem>>) semaphore(%arg16 : memref<!tpu.dma_semaphore, #tpu.memory_space<semaphore_mem>>) {add = true}
      %run_scoped3A_790 = arith.constant 23 : i32
      "tpu.region"() ({
        %run_scoped3A_821 = tpu.sem_alloc : memref<!tpu.dma_semaphore, #tpu.memory_space<semaphore_mem>>
        %dma_start3A_822 = arith.constant 0 : i32
        %dma_start3A_823 = tpu.memref_slice %arg9[%run_scoped3A_790, %dma_start3A_822] : memref<25x80xi32, #tpu.memory_space<vmem>> -> memref<1x80xi32, #tpu.memory_space<vmem>>
        %dma_start3A_824 = tpu.memref_squeeze %dma_start3A_823 : memref<1x80xi32, #tpu.memory_space<vmem>> -> memref<80xi32, #tpu.memory_space<vmem>>
        %dma_start3A_825 = arith.constant 0 : i32
        %dma_start3A_826 = tpu.memref_slice %arg7[%dma_start3A_825] : memref<10240xf32, #tpu.memory_space<vmem_shared>> -> memref<10240xf32, #tpu.memory_space<vmem_shared>>
        tpu.enqueue_indirect_dma source(%arg12 : memref<80xf32, #tpu.memory_space<vmem>>) target(%dma_start3A_826 : memref<10240xf32, #tpu.memory_space<vmem_shared>>) offsets(%dma_start3A_824 : memref<80xi32, #tpu.memory_space<vmem>>) semaphore(%run_scoped3A_821 : memref<!tpu.dma_semaphore, #tpu.memory_space<semaphore_mem>>) {add = true}
        %dma_wait3A_827 = arith.constant 0 : i32
        %dma_wait3A_828 = tpu.memref_slice %arg9[%run_scoped3A_790, %dma_wait3A_827] : memref<25x80xi32, #tpu.memory_space<vmem>> -> memref<1x80xi32, #tpu.memory_space<vmem>>
        %dma_wait3A_829 = tpu.memref_squeeze %dma_wait3A_828 : memref<1x80xi32, #tpu.memory_space<vmem>> -> memref<80xi32, #tpu.memory_space<vmem>>
        %dma_wait3A_830 = arith.constant 0 : i32
        %dma_wait3A_831 = tpu.memref_slice %arg7[%dma_wait3A_830] : memref<10240xf32, #tpu.memory_space<vmem_shared>> -> memref<10240xf32, #tpu.memory_space<vmem_shared>>
        tpu.wait_indirect_dma semaphore(%run_scoped3A_821 : memref<!tpu.dma_semaphore, #tpu.memory_space<semaphore_mem>>) src(%arg12 : memref<80xf32, #tpu.memory_space<vmem>>) dst(%dma_wait3A_831 : memref<10240xf32, #tpu.memory_space<vmem_shared>>)
        tpu.yield
      }) : () -> ()
      %dma_wait3A_791 = arith.constant 23 : i32
      %dma_wait3A_792 = arith.constant 0 : i32
      %dma_wait3A_793 = tpu.memref_slice %arg9[%dma_wait3A_791, %dma_wait3A_792] : memref<25x80xi32, #tpu.memory_space<vmem>> -> memref<1x80xi32, #tpu.memory_space<vmem>>
      %dma_wait3A_794 = tpu.memref_squeeze %dma_wait3A_793 : memref<1x80xi32, #tpu.memory_space<vmem>> -> memref<80xi32, #tpu.memory_space<vmem>>
      %dma_wait3A_795 = arith.constant 0 : i32
      %dma_wait3A_796 = arith.constant 0 : i32
      %dma_wait3A_797 = tpu.memref_slice %arg6[%dma_wait3A_795, %dma_wait3A_796] : memref<10240x128xf32, #tpu.memory_space<vmem_shared>> -> memref<10240x128xf32, #tpu.memory_space<vmem_shared>>
      tpu.wait_indirect_dma semaphore(%arg16 : memref<!tpu.dma_semaphore, #tpu.memory_space<semaphore_mem>>) src(%arg11 : memref<80x128xf32, #tpu.memory_space<vmem>>) dst(%dma_wait3A_797 : memref<10240x128xf32, #tpu.memory_space<vmem_shared>>)
      %dma_wait3A_798 = arith.constant 24 : i32
      %dma_wait3A_799 = arith.constant 0 : i32
      %dma_wait3A_800 = tpu.memref_slice %arg8[%dma_wait3A_798, %dma_wait3A_799] : memref<25x80xi32, #tpu.memory_space<vmem>> -> memref<1x80xi32, #tpu.memory_space<vmem>>
      %dma_wait3A_801 = tpu.memref_squeeze %dma_wait3A_800 : memref<1x80xi32, #tpu.memory_space<vmem>> -> memref<80xi32, #tpu.memory_space<vmem>>
      %dma_wait3A_802 = arith.constant 0 : i32
      %dma_wait3A_803 = arith.constant 0 : i32
      %dma_wait3A_804 = tpu.memref_slice %arg2[%dma_wait3A_802, %dma_wait3A_803] : memref<10000x128xf32, #tpu.memory_space<hbm>> -> memref<10000x128xf32, #tpu.memory_space<hbm>>
      tpu.wait_indirect_dma semaphore(%arg14 : memref<!tpu.dma_semaphore, #tpu.memory_space<semaphore_mem>>) src(%dma_wait3A_804 : memref<10000x128xf32, #tpu.memory_space<hbm>>) dst(%arg10 : memref<80x128xf32, #tpu.memory_space<vmem>>)
      %dma_start3A_805 = arith.constant 24 : i32
      %dma_start3A_806 = arith.constant 0 : i32
      %dma_start3A_807 = tpu.memref_slice %arg9[%dma_start3A_805, %dma_start3A_806] : memref<25x80xi32, #tpu.memory_space<vmem>> -> memref<1x80xi32, #tpu.memory_space<vmem>>
      %dma_start3A_808 = tpu.memref_squeeze %dma_start3A_807 : memref<1x80xi32, #tpu.memory_space<vmem>> -> memref<80xi32, #tpu.memory_space<vmem>>
      %dma_start3A_809 = arith.constant 0 : i32
      %dma_start3A_810 = arith.constant 0 : i32
      %dma_start3A_811 = tpu.memref_slice %arg6[%dma_start3A_809, %dma_start3A_810] : memref<10240x128xf32, #tpu.memory_space<vmem_shared>> -> memref<10240x128xf32, #tpu.memory_space<vmem_shared>>
      tpu.enqueue_indirect_dma source(%arg10 : memref<80x128xf32, #tpu.memory_space<vmem>>) target(%dma_start3A_811 : memref<10240x128xf32, #tpu.memory_space<vmem_shared>>) offsets(%dma_start3A_808 : memref<80xi32, #tpu.memory_space<vmem>>) semaphore(%arg16 : memref<!tpu.dma_semaphore, #tpu.memory_space<semaphore_mem>>) {add = true}
      %run_scoped3A_812 = arith.constant 24 : i32
      "tpu.region"() ({
        %run_scoped3A_821 = tpu.sem_alloc : memref<!tpu.dma_semaphore, #tpu.memory_space<semaphore_mem>>
        %dma_start3A_822 = arith.constant 0 : i32
        %dma_start3A_823 = tpu.memref_slice %arg9[%run_scoped3A_812, %dma_start3A_822] : memref<25x80xi32, #tpu.memory_space<vmem>> -> memref<1x80xi32, #tpu.memory_space<vmem>>
        %dma_start3A_824 = tpu.memref_squeeze %dma_start3A_823 : memref<1x80xi32, #tpu.memory_space<vmem>> -> memref<80xi32, #tpu.memory_space<vmem>>
        %dma_start3A_825 = arith.constant 0 : i32
        %dma_start3A_826 = tpu.memref_slice %arg7[%dma_start3A_825] : memref<10240xf32, #tpu.memory_space<vmem_shared>> -> memref<10240xf32, #tpu.memory_space<vmem_shared>>
        tpu.enqueue_indirect_dma source(%arg12 : memref<80xf32, #tpu.memory_space<vmem>>) target(%dma_start3A_826 : memref<10240xf32, #tpu.memory_space<vmem_shared>>) offsets(%dma_start3A_824 : memref<80xi32, #tpu.memory_space<vmem>>) semaphore(%run_scoped3A_821 : memref<!tpu.dma_semaphore, #tpu.memory_space<semaphore_mem>>) {add = true}
        %dma_wait3A_827 = arith.constant 0 : i32
        %dma_wait3A_828 = tpu.memref_slice %arg9[%run_scoped3A_812, %dma_wait3A_827] : memref<25x80xi32, #tpu.memory_space<vmem>> -> memref<1x80xi32, #tpu.memory_space<vmem>>
        %dma_wait3A_829 = tpu.memref_squeeze %dma_wait3A_828 : memref<1x80xi32, #tpu.memory_space<vmem>> -> memref<80xi32, #tpu.memory_space<vmem>>
        %dma_wait3A_830 = arith.constant 0 : i32
        %dma_wait3A_831 = tpu.memref_slice %arg7[%dma_wait3A_830] : memref<10240xf32, #tpu.memory_space<vmem_shared>> -> memref<10240xf32, #tpu.memory_space<vmem_shared>>
        tpu.wait_indirect_dma semaphore(%run_scoped3A_821 : memref<!tpu.dma_semaphore, #tpu.memory_space<semaphore_mem>>) src(%arg12 : memref<80xf32, #tpu.memory_space<vmem>>) dst(%dma_wait3A_831 : memref<10240xf32, #tpu.memory_space<vmem_shared>>)
        tpu.yield
      }) : () -> ()
      %dma_wait3A_813 = arith.constant 24 : i32
      %dma_wait3A_814 = arith.constant 0 : i32
      %dma_wait3A_815 = tpu.memref_slice %arg9[%dma_wait3A_813, %dma_wait3A_814] : memref<25x80xi32, #tpu.memory_space<vmem>> -> memref<1x80xi32, #tpu.memory_space<vmem>>
      %dma_wait3A_816 = tpu.memref_squeeze %dma_wait3A_815 : memref<1x80xi32, #tpu.memory_space<vmem>> -> memref<80xi32, #tpu.memory_space<vmem>>
      %dma_wait3A_817 = arith.constant 0 : i32
      %dma_wait3A_818 = arith.constant 0 : i32
      %dma_wait3A_819 = tpu.memref_slice %arg6[%dma_wait3A_817, %dma_wait3A_818] : memref<10240x128xf32, #tpu.memory_space<vmem_shared>> -> memref<10240x128xf32, #tpu.memory_space<vmem_shared>>
      tpu.wait_indirect_dma semaphore(%arg16 : memref<!tpu.dma_semaphore, #tpu.memory_space<semaphore_mem>>) src(%arg10 : memref<80x128xf32, #tpu.memory_space<vmem>>) dst(%dma_wait3A_819 : memref<10240x128xf32, #tpu.memory_space<vmem_shared>>)
      %scan3A_820 = arith.constant 0 : i32
      scf.yield %scan3A_820 : i32
    }
    %scan3A_84 = arith.constant 5 : i32
    %barrier3A_85 = arith.constant 0 : index
    tpu.barrier barrier_id(%barrier3A_85)
    %mul3A_86 = arith.constant 640 : i32
    %mul3A_87 = arith.muli %arg1, %mul3A_86 : i32
    %mul3A_88 = arith.constant 640 : i32
    %mul3A_89 = arith.muli %arg1, %mul3A_88 : i32
    "tpu.region"() ({
      %run_scoped3A = tpu.sem_alloc : memref<!tpu.dma_semaphore, #tpu.memory_space<semaphore_mem>>
      %dma_start3A = arith.constant 0 : i32
      %dma_start3A_94 = tpu.memref_slice %arg4[%arg0, %mul3A_89, %dma_start3A] : memref<2x10240x128xf32, #tpu.memory_space<hbm>> -> memref<1x640x128xf32, #tpu.memory_space<hbm>>
      %dma_start3A_95 = tpu.memref_squeeze %dma_start3A_94 : memref<1x640x128xf32, #tpu.memory_space<hbm>> -> memref<640x128xf32, #tpu.memory_space<hbm>>
      %dma_start3A_96 = arith.constant 0 : i32
      %dma_start3A_97 = tpu.memref_slice %arg6[%mul3A_87, %dma_start3A_96] : memref<10240x128xf32, #tpu.memory_space<vmem_shared>> -> memref<640x128xf32, #tpu.memory_space<vmem_shared>>
      tpu.enqueue_dma source(%dma_start3A_97 : memref<640x128xf32, #tpu.memory_space<vmem_shared>>) target(%dma_start3A_95 : memref<640x128xf32, #tpu.memory_space<hbm>>) target_semaphore(%run_scoped3A : memref<!tpu.dma_semaphore, #tpu.memory_space<semaphore_mem>>)
      %dma_wait3A = arith.constant 0 : i32
      %dma_wait3A_98 = tpu.memref_slice %arg4[%arg0, %mul3A_89, %dma_wait3A] : memref<2x10240x128xf32, #tpu.memory_space<hbm>> -> memref<1x640x128xf32, #tpu.memory_space<hbm>>
      %dma_wait3A_99 = tpu.memref_squeeze %dma_wait3A_98 : memref<1x640x128xf32, #tpu.memory_space<hbm>> -> memref<640x128xf32, #tpu.memory_space<hbm>>
      %dma_wait3A_100 = arith.constant 0 : i32
      %dma_wait3A_101 = tpu.memref_slice %arg6[%mul3A_87, %dma_wait3A_100] : memref<10240x128xf32, #tpu.memory_space<vmem_shared>> -> memref<640x128xf32, #tpu.memory_space<vmem_shared>>
      tpu.wait_dma2 semaphore(%run_scoped3A : memref<!tpu.dma_semaphore, #tpu.memory_space<semaphore_mem>>) src(%dma_wait3A_101 : memref<640x128xf32, #tpu.memory_space<vmem_shared>>) dst(%dma_wait3A_99 : memref<640x128xf32, #tpu.memory_space<hbm>>)
      tpu.yield
    }) : () -> ()
    %mul3A_90 = arith.constant 640 : i32
    %mul3A_91 = arith.muli %arg1, %mul3A_90 : i32
    %mul3A_92 = arith.constant 640 : i32
    %mul3A_93 = arith.muli %arg1, %mul3A_92 : i32
    "tpu.region"() ({
      %run_scoped3A = tpu.sem_alloc : memref<!tpu.dma_semaphore, #tpu.memory_space<semaphore_mem>>
      %dma_start3A = tpu.memref_slice %arg5[%arg0, %mul3A_93] : memref<2x10240xf32, #tpu.memory_space<hbm>> -> memref<1x640xf32, #tpu.memory_space<hbm>>
      %dma_start3A_94 = tpu.memref_squeeze %dma_start3A : memref<1x640xf32, #tpu.memory_space<hbm>> -> memref<640xf32, #tpu.memory_space<hbm>>
      %dma_start3A_95 = tpu.memref_slice %arg7[%mul3A_91] : memref<10240xf32, #tpu.memory_space<vmem_shared>> -> memref<640xf32, #tpu.memory_space<vmem_shared>>
      tpu.enqueue_dma source(%dma_start3A_95 : memref<640xf32, #tpu.memory_space<vmem_shared>>) target(%dma_start3A_94 : memref<640xf32, #tpu.memory_space<hbm>>) target_semaphore(%run_scoped3A : memref<!tpu.dma_semaphore, #tpu.memory_space<semaphore_mem>>)
      %dma_wait3A = tpu.memref_slice %arg5[%arg0, %mul3A_93] : memref<2x10240xf32, #tpu.memory_space<hbm>> -> memref<1x640xf32, #tpu.memory_space<hbm>>
      %dma_wait3A_96 = tpu.memref_squeeze %dma_wait3A : memref<1x640xf32, #tpu.memory_space<hbm>> -> memref<640xf32, #tpu.memory_space<hbm>>
      %dma_wait3A_97 = tpu.memref_slice %arg7[%mul3A_91] : memref<10240xf32, #tpu.memory_space<vmem_shared>> -> memref<640xf32, #tpu.memory_space<vmem_shared>>
      tpu.wait_dma2 semaphore(%run_scoped3A : memref<!tpu.dma_semaphore, #tpu.memory_space<semaphore_mem>>) src(%dma_wait3A_97 : memref<640xf32, #tpu.memory_space<vmem_shared>>) dst(%dma_wait3A_96 : memref<640xf32, #tpu.memory_space<hbm>>)
      tpu.yield
    }) : () -> ()
    return
  }
}

module attributes {stable_mosaic.version = 14 : i64} {
  func.func @_matmul_body(%arg0: i32, %arg1: memref<2000x128xf32, #tpu.memory_space<vmem>>, %arg2: memref<128x128xf32, #tpu.memory_space<vmem>>, %arg3: memref<2000x128xf32, #tpu.memory_space<vmem>>) attributes {dimension_semantics = [#tpu.dimension_semantics<arbitrary>], iteration_bounds = array<i64: 5>, scalar_prefetch = 0 : i64, scratch_operands = 0 : i64, tpu.core_type = #tpu.core_type<tc>, window_params = [{transform_indices = @transform_0, window_bounds = array<i64: 2000, 128>}, {pipeline_mode = #tpu.pipeline_mode<synchronous>, transform_indices = @transform_1, window_bounds = array<i64: 128, 128>}, {transform_indices = @transform_2, window_bounds = array<i64: 2000, 128>}]} {
    %get3A = arith.constant 0 : index
    %get3A_0 = arith.constant 0 : index
    %get3A_1 = vector.load %arg1[%get3A, %get3A_0] : memref<2000x128xf32, #tpu.memory_space<vmem>>, vector<2000x128xf32>
    %get3A_2 = arith.constant 0 : index
    %get3A_3 = arith.constant 0 : index
    %get3A_4 = vector.load %arg2[%get3A_2, %get3A_3] : memref<128x128xf32, #tpu.memory_space<vmem>>, vector<128x128xf32>
    %dot_general3A = arith.constant dense<0.000000e+00> : vector<2000x128xf32>
    %dot_general3A_5 = tpu.matmul %get3A_1, %get3A_4, %dot_general3A {dimension_numbers = #tpu.dot_dimension_numbers<[1], [0], [0], [1], [0, 0, 1, 1], [], []>, transpose_lhs_hint = false} : vector<2000x128xf32>, vector<128x128xf32>, vector<2000x128xf32> -> vector<2000x128xf32>
    %swap3A = arith.constant 0 : index
    %swap3A_6 = arith.constant 0 : index
    %swap3A_7 = vector.load %arg3[%swap3A, %swap3A_6] : memref<2000x128xf32, #tpu.memory_space<vmem>>, vector<2000x128xf32>
    tpu.vector_store %arg3[%swap3A, %swap3A_6], %dot_general3A_5 {strides = array<i32>} : memref<2000x128xf32, #tpu.memory_space<vmem>>, vector<2000x128xf32>,
    return
  }
  func.func @transform_0(%arg0: i32) -> (i32, i32) {
    %c0_i32 = arith.constant 0 : i32
    %c0_i32_0 = arith.constant 0 : i32
    return %arg0, %c0_i32 : i32, i32
  }
  func.func @transform_1(%arg0: i32) -> (i32, i32) {
    %c0_i32 = arith.constant 0 : i32
    %c0_i32_0 = arith.constant 0 : i32
    %c0_i32_1 = arith.constant 0 : i32
    return %c0_i32, %c0_i32_0 : i32, i32
  }
  func.func @transform_2(%arg0: i32) -> (i32, i32) {
    %c0_i32 = arith.constant 0 : i32
    %c0_i32_0 = arith.constant 0 : i32
    return %arg0, %c0_i32 : i32, i32
  }
}

module attributes {stable_mosaic.version = 14 : i64} {
  func.func @_gates_body(%arg0: i32, %arg1: memref<5120x128xf32, #tpu.memory_space<vmem>>, %arg2: memref<2x5120x128xf32, #tpu.memory_space<vmem>>, %arg3: memref<2x5120xf32, #tpu.memory_space<vmem>>, %arg4: memref<384x128xf32, #tpu.memory_space<vmem>>, %arg5: memref<384x128xf32, #tpu.memory_space<vmem>>, %arg6: memref<384xf32, #tpu.memory_space<vmem>>, %arg7: memref<384xf32, #tpu.memory_space<vmem>>, %arg8: memref<512x128xf32, #tpu.memory_space<vmem>>, %arg9: memref<512xf32, #tpu.memory_space<vmem>>, %arg10: memref<512xf32, #tpu.memory_space<vmem>>, %arg11: memref<5120x128xf32, #tpu.memory_space<vmem>>) attributes {dimension_semantics = [#tpu.dimension_semantics<arbitrary>], iteration_bounds = array<i64: 2>, scalar_prefetch = 0 : i64, scratch_operands = 0 : i64, tpu.core_type = #tpu.core_type<tc>, window_params = [{transform_indices = @transform_0, window_bounds = array<i64: 5120, 128>}, {transform_indices = @transform_1, window_bounds = array<i64: 2, 5120, 128>}, {transform_indices = @transform_2, window_bounds = array<i64: 2, 5120>}, {pipeline_mode = #tpu.pipeline_mode<synchronous>, transform_indices = @transform_3, window_bounds = array<i64: 384, 128>}, {pipeline_mode = #tpu.pipeline_mode<synchronous>, transform_indices = @transform_4, window_bounds = array<i64: 384, 128>}, {pipeline_mode = #tpu.pipeline_mode<synchronous>, transform_indices = @transform_5, window_bounds = array<i64: 384>}, {pipeline_mode = #tpu.pipeline_mode<synchronous>, transform_indices = @transform_6, window_bounds = array<i64: 384>}, {pipeline_mode = #tpu.pipeline_mode<synchronous>, transform_indices = @transform_7, window_bounds = array<i64: 512, 128>}, {pipeline_mode = #tpu.pipeline_mode<synchronous>, transform_indices = @transform_8, window_bounds = array<i64: 512>}, {pipeline_mode = #tpu.pipeline_mode<synchronous>, transform_indices = @transform_9, window_bounds = array<i64: 512>}, {transform_indices = @transform_10, window_bounds = array<i64: 5120, 128>}]} {
    %get3A = arith.constant 0 : index
    %get3A_0 = arith.constant 0 : index
    %get3A_1 = vector.load %arg1[%get3A, %get3A_0] : memref<5120x128xf32, #tpu.memory_space<vmem>>, vector<5120x128xf32>
    %get3A_2 = arith.constant 0 : index
    %get3A_3 = arith.constant 0 : index
    %get3A_4 = arith.constant 0 : index
    %get3A_5 = vector.load %arg2[%get3A_2, %get3A_3, %get3A_4] : memref<2x5120x128xf32, #tpu.memory_space<vmem>>, vector<1x5120x128xf32>
    %get3A_6 = vector.shape_cast %get3A_5 : vector<1x5120x128xf32> to vector<5120x128xf32>
    %get3A_7 = arith.constant 1 : index
    %get3A_8 = arith.constant 0 : index
    %get3A_9 = arith.constant 0 : index
    %get3A_10 = vector.load %arg2[%get3A_7, %get3A_8, %get3A_9] : memref<2x5120x128xf32, #tpu.memory_space<vmem>>, vector<1x5120x128xf32>
    %get3A_11 = vector.shape_cast %get3A_10 : vector<1x5120x128xf32> to vector<5120x128xf32>
    %add3A = arith.addf %get3A_6, %get3A_11 : vector<5120x128xf32>
    %get3A_12 = arith.constant 0 : index
    %get3A_13 = arith.constant 0 : index
    %get3A_14 = vector.load %arg3[%get3A_12, %get3A_13] : memref<2x5120xf32, #tpu.memory_space<vmem>>, vector<2x5120xf32>
    %broadcast_in_dim3A = arith.constant 1.000000e+00 : f32
    %broadcast_in_dim3A_15 = vector.broadcast %broadcast_in_dim3A : f32 to vector<2x1xf32>
    %dot_general3A = arith.constant dense<0.000000e+00> : vector<5120x1xf32>
    %dot_general3A_16 = tpu.matmul %get3A_14, %broadcast_in_dim3A_15, %dot_general3A {dimension_numbers = #tpu.dot_dimension_numbers<[0], [0], [1], [1], [0, 1, 1, 1], [], []>, transpose_lhs_hint = false} : vector<2x5120xf32>, vector<2x1xf32>, vector<5120x1xf32> -> vector<5120x1xf32>
    %max3A = arith.constant 1.000000e+00 : f32
    %max3A_17 = vector.broadcast %max3A : f32 to vector<5120x1xf32>
    %max3A_18 = arith.maximumf %dot_general3A_16, %max3A_17 : vector<5120x1xf32>
    %div3A = vector.broadcast %max3A_18 : vector<5120x1xf32> to vector<5120x128xf32>
    %div3A_19 = arith.divf %add3A, %div3A : vector<5120x128xf32>
    %get3A_20 = arith.constant 0 : index
    %get3A_21 = arith.constant 0 : index
    %get3A_22 = vector.load %arg4[%get3A_20, %get3A_21] : memref<384x128xf32, #tpu.memory_space<vmem>>, vector<384x128xf32>
    %dot_general3A_23 = arith.constant dense<0.000000e+00> : vector<5120x384xf32>
    %dot_general3A_24 = tpu.matmul %div3A_19, %get3A_22, %dot_general3A_23 {dimension_numbers = #tpu.dot_dimension_numbers<[1], [1], [0], [0], [0, 0, 1, 0], [], []>, transpose_lhs_hint = false} : vector<5120x128xf32>, vector<384x128xf32>, vector<5120x384xf32> -> vector<5120x384xf32>
    %get3A_25 = arith.constant 0 : index
    %get3A_26 = vector.load %arg6[%get3A_25] : memref<384xf32, #tpu.memory_space<vmem>>, vector<384xf32>
    %broadcast_in_dim3A_27 = vector.shape_cast %get3A_26 : vector<384xf32> to vector<1x384xf32>
    %add3A_28 = vector.broadcast %broadcast_in_dim3A_27 : vector<1x384xf32> to vector<5120x384xf32>
    %add3A_29 = arith.addf %dot_general3A_24, %add3A_28 : vector<5120x384xf32>
    %get3A_30 = arith.constant 0 : index
    %get3A_31 = arith.constant 0 : index
    %get3A_32 = vector.load %arg5[%get3A_30, %get3A_31] : memref<384x128xf32, #tpu.memory_space<vmem>>, vector<384x128xf32>
    %dot_general3A_33 = arith.constant dense<0.000000e+00> : vector<5120x384xf32>
    %dot_general3A_34 = tpu.matmul %get3A_1, %get3A_32, %dot_general3A_33 {dimension_numbers = #tpu.dot_dimension_numbers<[1], [1], [0], [0], [0, 0, 1, 0], [], []>, transpose_lhs_hint = false} : vector<5120x128xf32>, vector<384x128xf32>, vector<5120x384xf32> -> vector<5120x384xf32>
    %get3A_35 = arith.constant 0 : index
    %get3A_36 = vector.load %arg7[%get3A_35] : memref<384xf32, #tpu.memory_space<vmem>>, vector<384xf32>
    %broadcast_in_dim3A_37 = vector.shape_cast %get3A_36 : vector<384xf32> to vector<1x384xf32>
    %add3A_38 = vector.broadcast %broadcast_in_dim3A_37 : vector<1x384xf32> to vector<5120x384xf32>
    %add3A_39 = arith.addf %dot_general3A_34, %add3A_38 : vector<5120x384xf32>
    %slice3A = vector.extract_strided_slice %add3A_29 {offsets = [0, 0], sizes = [5120, 128], strides = [1, 1]} : vector<5120x384xf32> to vector<5120x128xf32>
    %slice3A_40 = vector.extract_strided_slice %add3A_39 {offsets = [0, 0], sizes = [5120, 128], strides = [1, 1]} : vector<5120x384xf32> to vector<5120x128xf32>
    %add3A_41 = arith.addf %slice3A, %slice3A_40 : vector<5120x128xf32>
    %logistic3A = arith.negf %add3A_41 : vector<5120x128xf32>
    %logistic3A_42 = math.exp %logistic3A : vector<5120x128xf32>
    %logistic3A_43 = arith.constant 1.000000e+00 : f32
    %logistic3A_44 = vector.broadcast %logistic3A_43 : f32 to vector<5120x128xf32>
    %logistic3A_45 = arith.addf %logistic3A_44, %logistic3A_42 : vector<5120x128xf32>
    %logistic3A_46 = arith.divf %logistic3A_44, %logistic3A_45 : vector<5120x128xf32>
    %slice3A_47 = vector.extract_strided_slice %add3A_29 {offsets = [0, 128], sizes = [5120, 128], strides = [1, 1]} : vector<5120x384xf32> to vector<5120x128xf32>
    %slice3A_48 = vector.extract_strided_slice %add3A_39 {offsets = [0, 128], sizes = [5120, 128], strides = [1, 1]} : vector<5120x384xf32> to vector<5120x128xf32>
    %add3A_49 = arith.addf %slice3A_47, %slice3A_48 : vector<5120x128xf32>
    %logistic3A_50 = arith.negf %add3A_49 : vector<5120x128xf32>
    %logistic3A_51 = math.exp %logistic3A_50 : vector<5120x128xf32>
    %logistic3A_52 = arith.constant 1.000000e+00 : f32
    %logistic3A_53 = vector.broadcast %logistic3A_52 : f32 to vector<5120x128xf32>
    %logistic3A_54 = arith.addf %logistic3A_53, %logistic3A_51 : vector<5120x128xf32>
    %logistic3A_55 = arith.divf %logistic3A_53, %logistic3A_54 : vector<5120x128xf32>
    %slice3A_56 = vector.extract_strided_slice %add3A_29 {offsets = [0, 256], sizes = [5120, 128], strides = [1, 1]} : vector<5120x384xf32> to vector<5120x128xf32>
    %slice3A_57 = vector.extract_strided_slice %add3A_39 {offsets = [0, 256], sizes = [5120, 128], strides = [1, 1]} : vector<5120x384xf32> to vector<5120x128xf32>
    %mul3A = arith.mulf %logistic3A_46, %slice3A_57 : vector<5120x128xf32>
    %add3A_58 = arith.addf %slice3A_56, %mul3A : vector<5120x128xf32>
    %tanh3A = math.tanh %add3A_58 : vector<5120x128xf32>
    %sub3A = arith.constant 1.000000e+00 : f32
    %sub3A_59 = vector.broadcast %sub3A : f32 to vector<5120x128xf32>
    %sub3A_60 = arith.subf %sub3A_59, %logistic3A_55 : vector<5120x128xf32>
    %mul3A_61 = arith.mulf %sub3A_60, %tanh3A : vector<5120x128xf32>
    %mul3A_62 = arith.mulf %logistic3A_55, %get3A_1 : vector<5120x128xf32>
    %add3A_63 = arith.addf %mul3A_61, %mul3A_62 : vector<5120x128xf32>
    %get3A_64 = arith.constant 0 : index
    %get3A_65 = vector.load %arg9[%get3A_64] : memref<512xf32, #tpu.memory_space<vmem>>, vector<512xf32>
    %get3A_66 = arith.constant 0 : index
    %get3A_67 = vector.load %arg10[%get3A_66] : memref<512xf32, #tpu.memory_space<vmem>>, vector<512xf32>
    %add3A_68 = arith.addf %get3A_65, %get3A_67 : vector<512xf32>
    %get3A_69 = arith.constant 0 : index
    %get3A_70 = arith.constant 0 : index
    %get3A_71 = vector.load %arg8[%get3A_69, %get3A_70] : memref<512x128xf32, #tpu.memory_space<vmem>>, vector<512x128xf32>
    %dot_general3A_72 = arith.constant dense<0.000000e+00> : vector<5120x512xf32>
    %dot_general3A_73 = tpu.matmul %add3A_63, %get3A_71, %dot_general3A_72 {dimension_numbers = #tpu.dot_dimension_numbers<[1], [1], [0], [0], [0, 0, 1, 0], [], []>, transpose_lhs_hint = false} : vector<5120x128xf32>, vector<512x128xf32>, vector<5120x512xf32> -> vector<5120x512xf32>
    %broadcast_in_dim3A_74 = vector.shape_cast %add3A_68 : vector<512xf32> to vector<1x512xf32>
    %add3A_75 = vector.broadcast %broadcast_in_dim3A_74 : vector<1x512xf32> to vector<5120x512xf32>
    %add3A_76 = arith.addf %dot_general3A_73, %add3A_75 : vector<5120x512xf32>
    %slice3A_77 = vector.extract_strided_slice %add3A_76 {offsets = [0, 0], sizes = [5120, 128], strides = [1, 1]} : vector<5120x512xf32> to vector<5120x128xf32>
    %logistic3A_78 = arith.negf %slice3A_77 : vector<5120x128xf32>
    %logistic3A_79 = math.exp %logistic3A_78 : vector<5120x128xf32>
    %logistic3A_80 = arith.constant 1.000000e+00 : f32
    %logistic3A_81 = vector.broadcast %logistic3A_80 : f32 to vector<5120x128xf32>
    %logistic3A_82 = arith.addf %logistic3A_81, %logistic3A_79 : vector<5120x128xf32>
    %logistic3A_83 = arith.divf %logistic3A_81, %logistic3A_82 : vector<5120x128xf32>
    %slice3A_84 = vector.extract_strided_slice %add3A_76 {offsets = [0, 256], sizes = [5120, 128], strides = [1, 1]} : vector<5120x512xf32> to vector<5120x128xf32>
    %tanh3A_85 = math.tanh %slice3A_84 : vector<5120x128xf32>
    %slice3A_86 = vector.extract_strided_slice %add3A_76 {offsets = [0, 384], sizes = [5120, 128], strides = [1, 1]} : vector<5120x512xf32> to vector<5120x128xf32>
    %logistic3A_87 = arith.negf %slice3A_86 : vector<5120x128xf32>
    %logistic3A_88 = math.exp %logistic3A_87 : vector<5120x128xf32>
    %logistic3A_89 = arith.constant 1.000000e+00 : f32
    %logistic3A_90 = vector.broadcast %logistic3A_89 : f32 to vector<5120x128xf32>
    %logistic3A_91 = arith.addf %logistic3A_90, %logistic3A_88 : vector<5120x128xf32>
    %logistic3A_92 = arith.divf %logistic3A_90, %logistic3A_91 : vector<5120x128xf32>
    %mul3A_93 = arith.mulf %logistic3A_83, %tanh3A_85 : vector<5120x128xf32>
    %tanh3A_94 = math.tanh %mul3A_93 : vector<5120x128xf32>
    %mul3A_95 = arith.mulf %logistic3A_92, %tanh3A_94 : vector<5120x128xf32>
    %max3A_96 = arith.constant 0.000000e+00 : f32
    %max3A_97 = vector.broadcast %max3A_96 : f32 to vector<5120x128xf32>
    %max3A_98 = arith.maximumf %mul3A_95, %max3A_97 : vector<5120x128xf32>
    %swap3A = arith.constant 0 : index
    %swap3A_99 = arith.constant 0 : index
    %swap3A_100 = vector.load %arg11[%swap3A, %swap3A_99] : memref<5120x128xf32, #tpu.memory_space<vmem>>, vector<5120x128xf32>
    tpu.vector_store %arg11[%swap3A, %swap3A_99], %max3A_98 {strides = array<i32>} : memref<5120x128xf32, #tpu.memory_space<vmem>>, vector<5120x128xf32>,
    return
  }
  func.func @transform_0(%arg0: i32) -> (i32, i32) {
    %c0_i32 = arith.constant 0 : i32
    %c0_i32_0 = arith.constant 0 : i32
    return %arg0, %c0_i32 : i32, i32
  }
  func.func @transform_1(%arg0: i32) -> (i32, i32, i32) {
    %c0_i32 = arith.constant 0 : i32
    %c0_i32_0 = arith.constant 0 : i32
    %c0_i32_1 = arith.constant 0 : i32
    return %c0_i32, %arg0, %c0_i32_0 : i32, i32, i32
  }
  func.func @transform_2(%arg0: i32) -> (i32, i32) {
    %c0_i32 = arith.constant 0 : i32
    %c0_i32_0 = arith.constant 0 : i32
    return %c0_i32, %arg0 : i32, i32
  }
  func.func @transform_3(%arg0: i32) -> (i32, i32) {
    %c0_i32 = arith.constant 0 : i32
    %c0_i32_0 = arith.constant 0 : i32
    %c0_i32_1 = arith.constant 0 : i32
    return %c0_i32, %c0_i32_0 : i32, i32
  }
  func.func @transform_4(%arg0: i32) -> (i32, i32) {
    %c0_i32 = arith.constant 0 : i32
    %c0_i32_0 = arith.constant 0 : i32
    %c0_i32_1 = arith.constant 0 : i32
    return %c0_i32, %c0_i32_0 : i32, i32
  }
  func.func @transform_5(%arg0: i32) -> i32 {
    %c0_i32 = arith.constant 0 : i32
    %c0_i32_0 = arith.constant 0 : i32
    return %c0_i32 : i32
  }
  func.func @transform_6(%arg0: i32) -> i32 {
    %c0_i32 = arith.constant 0 : i32
    %c0_i32_0 = arith.constant 0 : i32
    return %c0_i32 : i32
  }
  func.func @transform_7(%arg0: i32) -> (i32, i32) {
    %c0_i32 = arith.constant 0 : i32
    %c0_i32_0 = arith.constant 0 : i32
    %c0_i32_1 = arith.constant 0 : i32
    return %c0_i32, %c0_i32_0 : i32, i32
  }
  func.func @transform_8(%arg0: i32) -> i32 {
    %c0_i32 = arith.constant 0 : i32
    %c0_i32_0 = arith.constant 0 : i32
    return %c0_i32 : i32
  }
  func.func @transform_9(%arg0: i32) -> i32 {
    %c0_i32 = arith.constant 0 : i32
    %c0_i32_0 = arith.constant 0 : i32
    return %c0_i32 : i32
  }
  func.func @transform_10(%arg0: i32) -> (i32, i32) {
    %c0_i32 = arith.constant 0 : i32
    %c0_i32_0 = arith.constant 0 : i32
    return %arg0, %c0_i32 : i32, i32
  }
}

</mosaic_0001>

<sc_bundles>
// kernel: kernel.5.cloned.1.call-start
scs
__scs_entry_jumppad:
0x0: {  	(pc) =	sbr.rel $0x88, $3  }
0x1: {  	(tag) =	ssettag $0x0;
	lr =	simm.s32 $0x1  }
0x2: {  	[smem:$0x3F97] =	sst lr;
	_ =	strace $0xD0000000  }
0x3: {  	_ = 	snop  }
0x4: {  	_ = 	snop  }
0x5: {  	_ = 	snop  }
0x6: {  	_ = 	snop  }
0x7: {  	_ = 	snop  }
__scs_overlays_trampoline_lowered:
0x8: {  	[smem:$0x3FA6] =	sst s0  }
0x9: {  	[smem:$0x3FA7] =	sst s1  }
0xa: {  	[smem:$0x3FA8] =	sst s2  }
0xb: {  	[smem:$0x3FA9] =	sst s3  }
0xc: {  	[smem:$0x3FAA] =	sst s4  }
0xd: {  	[smem:$0x3FAB] =	sst s5  }
0xe: {  	[smem:$0x3FAC] =	sst s6  }
0xf: {  	[smem:$0x3FAD] =	sst s7  }
0x10: {  	[smem:$0x3FAE] =	sst s8  }
0x11: {  	[smem:$0x3FAF] =	sst s9;
	s0 =	simm.s32 @!p0 $0x0  }
0x12: {  	s1 =	sld [smem:$0x3F95];
	s0 =	simm.s32 @p0 $0x1  }
0x13: {  	[smem:$0x3FB0] =	sst s0;
	s0 =	simm.s32 @!p1 $0x0  }
0x14: {  	s2 =	sld [smem:$0x3F94];
	s0 =	simm.s32 @p1 $0x1  }
0x15: {  	[smem:$0x3FB1] =	sst s0;
	s0 =	simm.s32 @!p2 $0x0  }
0x16: {  	s3 =	sld [smem:$0x3FDB];
	s0 =	simm.s32 @p2 $0x1  }
0x17: {  	s4 =	simm.s32 $0x1BF5;
	[smem:$0x3FB3] =	sst s0  }
0x18: {  	s0 =	sld [smem:$0x3F96];
	_ =	swait.ge [sflag:s4], $0x0  }
0x19: {  	s7 =	sld [smem:$0x3F97]  }
0x1a: {  	s8 =	sadd.s32 $0xFFFFE003, lr  }
0x1b: {  	s9 =	sadd.s32 $0xFFFFFEF7, lr;
	s5 =	simm.s32 $0xFFFFFFFF;
	p2 =	slt.u32 s8, $0xFFFFF086  }
0x1c: {  	p1 =	slt.u32 s9, $0xF7A;
	s5 =	simm.s32 @!p2 $0x0  }
0x1d: {  	s5 =	simm.s32 @p1 $0x1;
	p0 =	seq.s32 s7, s2  }
0x1e: {  	s7 =	smul.u32 @!p0 $0xF7A, s2;
	p2 =	seq.s32 @!p0 s5, $0x0  }
0x1f: {  	s9 =	smul.u32 $0xF7A, s1;
	s8 =	simm.s32 @!p0 $0x1BF5;
	p2 =	por !p2, p0  }
0x20: {  	[sflag:s8] =	ssyncset.s32 @!p0 $0xFFFFF086;
	s6 =	sadd.s32 @!p0 s3, s7;
	s7 =	simm.s32 @!p0 $0x108  }
0x21: {  	s3 =	sadd.s32 s3, s9;
	s6 =	sadd.s32 @!p0 $0x88, s6;
	s7 =	simm.s32 @p2 $0x1082  }
0x22: {  	[simem:s7], [sflag:s8] =	dma.local @!p0 [hbm:s6], $0xF7A  }
0x23: {  	s9 =	sor.u32 $0xD0000000, s2;
	s6 =	simm.s32 $0x108;
	_ =	swait.ge @!p0 [sflag:s8], $0x0  }
0x24: {  	s3 =	sadd.s32 $0x88, s3;
	s6 =	simm.s32 @!p1 $0x1082;
	[sflag:s4] =	ssyncset.s32 $0xFFFFF086  }
0x25: {  	[simem:s6], [sflag:s4] =	dma.local [hbm:s3], $0xF7A  }
0x26: {  	[smem:$0x3F97] =	sst s1;
	(tag) =	ssettag s2;
	_ =	strace s9  }
0x27: {  	s1 =	sld [smem:$0x3FA7]  }
0x28: {  	s2 =	sld [smem:$0x3FA8]  }
0x29: {  	s4 =	sld [smem:$0x3FAA]  }
0x2a: {  	p0 =	seq.s32 s5, $0x0;
	s5 =	sld [smem:$0x3FAB]  }
0x2b: {  	s6 =	sld [smem:$0x3FAC]  }
0x2c: {  	s7 =	sld [smem:$0x3FAD]  }
0x2d: {  	s3 =	simm.s32 $0x108;
	s8 =	sld [smem:$0x3FAE]  }
0x2e: {  	s3 =	simm.s32 @!p0 $0x1082;
	s9 =	sld [smem:$0x3FAF]  }
0x2f: {  	lr =	sadd.s32 s0, s3;
	s0 =	sld [smem:$0x3FA6]  }
0x30: {  	s3 =	sld [smem:$0x3FA9]  }
0x31: {  	[smem:$0x3FB2] =	sst s10  }
0x32: {  	s10 =	sld [smem:$0x3FB0];
	_ =	sdelay $0x3  }
0x33: {  	p0 =	seq.s32 s10, $0x1;
	s10 =	sld [smem:$0x3FB2];
	_ =	sdelay $0x3  }
0x34: {  	[smem:$0x3FB2] =	sst s10  }
0x35: {  	s10 =	sld [smem:$0x3FB1];
	_ =	sdelay $0x3  }
0x36: {  	p1 =	seq.s32 s10, $0x1;
	s10 =	sld [smem:$0x3FB2];
	_ =	sdelay $0x3  }
0x37: {  	[smem:$0x3FB2] =	sst s10  }
0x38: {  	s10 =	sld [smem:$0x3FB3]  }
0x39: {  	_ = 	snop;
	(pc) =	sbr.ind lr, $3  }
0x3a: {  	_ = 	snop  }
0x3b: {  	_ = 	snop  }
0x3c: {  	p2 =	seq.s32 s10, $0x1;
	s10 =	sld [smem:$0x3FB2]  }
0x3d: {  	_ =	shalt  }
0x3e: {  	_ =	shalt  }
0x3f: {  	_ =	shalt  }
0x40: {  	_ =	shalt  }
0x41: {  	_ =	shalt  }
0x42: {  	_ =	shalt  }
0x43: {  	_ =	shalt  }
0x44: {  	_ =	shalt  }
0x45: {  	_ =	shalt  }
0x46: {  	_ =	shalt  }
0x47: {  	_ =	shalt  }
0x48: {  	_ =	shalt  }
0x49: {  	_ =	shalt  }
0x4a: {  	_ =	shalt  }
0x4b: {  	_ =	shalt  }
0x4c: {  	_ =	shalt  }
0x4d: {  	_ =	shalt  }
0x4e: {  	_ =	shalt  }
0x4f: {  	_ =	shalt  }
0x50: {  	_ =	shalt  }
0x51: {  	_ =	shalt  }
0x52: {  	_ =	shalt  }
0x53: {  	_ =	shalt  }
0x54: {  	_ =	shalt  }
0x55: {  	_ =	shalt  }
0x56: {  	_ =	shalt  }
0x57: {  	_ =	shalt  }
0x58: {  	_ =	shalt  }
0x59: {  	_ =	shalt  }
0x5a: {  	_ =	shalt  }
0x5b: {  	_ =	shalt  }
0x5c: {  	_ =	shalt  }
0x5d: {  	_ =	shalt  }
0x5e: {  	_ =	shalt  }
0x5f: {  	_ =	shalt  }
0x60: {  	_ =	shalt  }
0x61: {  	_ =	shalt  }
0x62: {  	_ =	shalt  }
0x63: {  	_ =	shalt  }
0x64: {  	_ =	shalt  }
0x65: {  	_ =	shalt  }
0x66: {  	_ =	shalt  }
0x67: {  	_ =	shalt  }
0x68: {  	_ =	shalt  }
0x69: {  	_ =	shalt  }
0x6a: {  	_ =	shalt  }
0x6b: {  	_ =	shalt  }
0x6c: {  	_ =	shalt  }
0x6d: {  	_ =	shalt  }
0x6e: {  	_ =	shalt  }
0x6f: {  	_ =	shalt  }
0x70: {  	_ =	shalt  }
0x71: {  	_ =	shalt  }
0x72: {  	_ =	shalt  }
0x73: {  	_ =	shalt  }
0x74: {  	_ =	shalt  }
0x75: {  	_ =	shalt  }
0x76: {  	_ =	shalt  }
0x77: {  	_ =	shalt  }
0x78: {  	_ =	shalt  }
0x79: {  	_ =	shalt  }
0x7a: {  	_ =	shalt  }
0x7b: {  	_ =	shalt  }
0x7c: {  	_ =	shalt  }
0x7d: {  	_ =	shalt  }
0x7e: {  	_ =	shalt  }
0x7f: {  	_ =	shalt  }
0x80: {  	_ =	shalt  }
0x81: {  	_ =	shalt  }
0x82: {  	_ =	shalt  }
0x83: {  	_ =	shalt  }
0x84: {  	_ =	shalt  }
0x85: {  	_ =	shalt  }
0x86: {  	_ =	shalt  }
0x87: {  	_ =	shalt  }
.Lfunc_end0:
.L_simem_size_0:
called_computation_lowered:
.L_overlay_start_0:
0x88: {  	s2 =	sld [smem:$0x3FD9]  }
0x89: {  	s3 =	sld [smem:$0x3FFE];
	_ =	sdelay $0x1  }
0x8a: {  	s1 =	srdreg.scid  }
0x8b: {  	s0 =	sand.u32 $0x1, s1  }
0x8c: {  	s17 =	sshll.u32 s0, $0xA;
	s2 =	sadd.s32 s3, s2  }
0x8d: {  	s2 =	sadd.s32 s2, s17  }
0x8e: {  	[smem:$0x3FBE] =	sst s2  }
0x8f: {  	_ = 	snop  }
0x90: {  	s2 =	sld [smem:$0x3FD0];
	(tm) =	ssettm $0x1  }
0x91: {  	s18 =	sld [smem:$0x3FFB];
	_ =	sdelay $0x3  }
0x92: {  	_ =	strace s18  }
0x93: {  	s3 =	sld [smem:$0x3FFC];
	_ =	sdelay $0x3  }
0x94: {  	_ =	strace s3  }
0x95: {  	s3 =	sld [smem:$0x3FFD];
	_ =	sdelay $0x3  }
0x96: {  	_ =	strace s3  }
0x97: {  	_ =	strace $0x8FFFFFFF  }
0x98: {  	s19 =	sld [smem:$0x3FDB];
	_ =	sdelay $0x1  }
0x99: {  	s4 =	simm.s32 $_scs_section_size  }
0x9a: {  	s5 =	simm.s32 $_size__tile_overlayer_lowered;
	s6 =	simm.s32 $_tile_overlayer_lowered  }
0x9b: {  	s22 =	simm.s32 $0x1BFF;
	s21 =	sshll.u32 s6, $0x1;
	s3 =	sadd.s32 s4, s19  }
0x9c: {  	s7 =	simm.s32 $0x0;
	s20 =	sshll.u32 s5, $0x1;
	s5 =	sadd.s32 s21, s3  }
0x9d: {  	[timem:s7], [sflag:s22] =	dma.local [hbm:s5], s20  }
0x9e: {  	_ =	swait.ge [sflag:s22], s20  }
0x9f: {  	s4 =	ssub.s32 $0x0, s20;
	[sflag:s22] =	ssyncset.done $0x0  }
0xa0: {  	[sflag:s22] =	ssyncadd.s32 s4;
	_ =	sdelay $0x1  }
0xa1: {  	s23 =	simm.s32 $0x1B8B  }
0xa2: {  	_ =	swait.ge [sflag:s23], $0x1  }
0xa3: {  	[sflag:s23] =	ssyncset.done $0x0  }
0xa4: {  	s25 =	simm.s32 $0x1B8E;
	s24 =	sld [smem:$0x3FFE];
	[sflag:s23] =	ssyncadd.s32 $0xFFFFFFFF  }
0xa5: {  	s26 =	simm.s32 $execute0_lowered;
	[smem:$0x3FD2] =	sst s25  }
0xa6: {  	s5 =	sshll.u32 s26, $0x1;
	_ =	strace $0x80000046;
	[dreg:$0x1] =	wrdreg $0xFFFFFFFF  }
0xa7: {  	s28 =	simm.s32 $_size_execute0_lowered;
	s3 =	sadd.s32 s3, s5;
	[dreg:$0x0] =	wrdreg $0x0  }
0xa8: {  	s5 =	sshll.u32 s28, $0x1;
	[dreg:$0x2] =	wrdreg s3  }
0xa9: {  	[dreg:$0x3] =	wrdreg s5  }
0xaa: {  	[dreg:$0x4] =	wrdreg $0xC0  }
0xab: {  	_ =	task [dreg:s7], $0x5FFFF  }
0xac: {  	[dreg:$0x1] =	wrdreg $0xFFFFFFFF  }
0xad: {  	[dreg:$0x0] =	wrdreg $0x60  }
0xae: {  	[dreg:$0x2] =	wrdreg s2  }
0xaf: {  	[dreg:$0x3] =	wrdreg s24  }
0xb0: {  	[dreg:$0x4] =	wrdreg $0x0  }
0xb1: {  	[dreg:$0x5] =	wrdreg $0x140000  }
0xb2: {  	[dreg:$0x6] =	wrdreg $0x9  }
0xb3: {  	_ =	task.clear_ibuf [dreg:s7], $0x7FFFF;
	_ =	strace $0x90000046  }
0xb4: {  	s29 =	simm.s32 $0x9;
	_ =	strace $0x80000048  }
0xb5: {  	_ =	swait.ge [sflag:s29], $0x1  }
0xb6: {  	[sflag:s29] =	ssyncadd.s32 $0xFFFFFFFF  }
0xb7: {  	_ =	strace $0x90000048  }
0xb8: {  	_ =	sfence  }
0xb9: {  	s30 =	sld [smem:$0x0];
	_ =	sdelay $0x2  }
0xba: {  	s31 =	sshll.u32 s1, $0xD;
	s1 =	sshrl.u32 s1, $0x2  }
0xbb: {  	s3 =	sand.u32 $0x4000, s31;
	s1 =	sadd.s32 s1, s30  }
0xbc: {  	s0 =	sor.u32 s3, s0;
	s1 =	sshll.u32 s1, $0x11  }
0xbd: {  	s0 =	sor.u32 s1, s0  }
0xbe: {  	s0 =	sadd.s32 $0x8F2B, s0  }
0xbf: {  	[sflag:s0] =	ssyncadd.remote.s32 $0x1  }
0xc0: {  	_ =	sfence.sel $0xFFFF  }
0xc1: {  	[dreg:$0x0] =	wrdreg $0xFFFFFFFF;
	(pc) =	sbr.abs _section_cstart, $3  }
0xc2: {  	[dreg:$0x1] =	wrdreg $0xFFFFFFFF  }
0xc3: {  	_ =	task.clear_ibuf [dreg:s7], $0x2FFFF;
	_ =	strace $0x9FFFFFFF  }
0xc4: {  	(tm) =	ssettm $0x7FFFFFFF  }
0xc5: {  	_ =	shalt  }
tec
execute0_lowered:
.L_overlay_start_1:
0x0: {  	(tag) =	ssettag $0x1  }
0x1: {  	s0 =	rddreg [dreg:$0x0]  }
0x2: {  	s1 =	rddreg [dreg:$0x1]  }
0x3: {  	s2 =	srdreg.scid;
	s3 =	rddreg [dreg:$0x2]  }
0x4: {  	s10 =	stileid.u32;
	s4 =	rddreg [dreg:$0x3]  }
0x5: {  	s8 =	simm.s32 $0x0;
	s11 =	simm.s32 $0x14300;
	s13 =	simm.s32 $0x14380  }
0x6: {  	s14 =	simm.s32 $0x14400;
	s16 =	simm.s32 $0x14480;
	[smem:$0x7FF] =	sst s8  }
0x7: {  	s17 =	simm.s32 $0x14500;
	_ =	strace $0x80000047;
	[dreg:$0x6] =	wrdreg s11  }
0x8: {  	s18 =	simm.s32 $0x14580;
	s20 =	simm.s32 $0x14600;
	[dreg:$0x7] =	wrdreg s13  }
0x9: {  	s22 =	simm.s32 $0x14680;
	s24 =	simm.s32 $0x14700;
	[dreg:$0x8] =	wrdreg s14  }
0xa: {  	s28 =	simm.s32 $0x3;
	s6 =	smul.u32 $0xA000, s10;
	[dreg:$0x9] =	wrdreg s16  }
0xb: {  	s29 =	simm.s32 $0x2;
	s26 =	smul.u32 $0x14000, s10;
	[dreg:$0xa] =	wrdreg s17  }
0xc: {  	s30 =	simm.s32 $0x15780;
	s9 =	smul.u32 $0x500, s10;
	[dreg:$0xb] =	wrdreg s18  }
0xd: {  	s2 =	sand.u32 $0x1, s2;
	s12 =	smul.u32 $0x50000, s10;
	[dreg:$0xc] =	wrdreg s20  }
0xe: {  	s31 =	simm.s32 $0x15800;
	s5 =	smul.u32 $0xA0000, s2;
	[dreg:$0xd] =	wrdreg s22  }
0xf: {  	s7 =	smul.u32 $0x140000, s2;
	[dreg:$0xe] =	wrdreg s24;
	s13 =	simm.s32 $0x14880  }
0x10: {  	s8 =	sshll.u32 s2, $0x7;
	s16 =	simm.s32 $0x14980;
	[dreg:$0x11] =	wrdreg s13  }
0x11: {  	s2 =	ssub.s32 $0x2, s2;
	s17 =	simm.s32 $0x14A00;
	[dreg:$0x13] =	wrdreg s16  }
0x12: {  	s18 =	simm.s32 $0x14A80;
	s20 =	simm.s32 $0x14B80;
	[dreg:$0x14] =	wrdreg s17  }
0x13: {  	s22 =	simm.s32 $0x14C80;
	s24 =	simm.s32 $0x14D80;
	[dreg:$0x15] =	wrdreg s18  }
0x14: {  	s15 =	sshrl.u32 s12, $0x2;
	s12 =	smul.u32 $0xA00, s10;
	[dreg:$0x17] =	wrdreg s20  }
0x15: {  	s10 =	simm.s32 $0x0;
	s18 =	simm.s32 $0x16280;
	[dreg:$0x19] =	wrdreg s22  }
0x16: {  	s22 =	simm.s32 $0x15280;
	[dreg:$0x1b] =	wrdreg s24;
	s24 =	simm.s32 $0x18A80  }
0x17: {  	s13 =	simm.s32 $0x15380;
	s16 =	simm.s32 $0x15480;
	s17 =	simm.s32 $0x15500  }
0x18: {  	s5 =	sadd.s32 s6, s5;
	s7 =	sadd.s32 s26, s7;
	s26 =	simm.s32 $0x14780  }
0x19: {  	s11 =	sadd.s32 s15, s3;
	s15 =	simm.s32 $0x14900;
	[dreg:$0xf] =	wrdreg s26  }
0x1a: {  	s20 =	simm.s32 $0x15900;
	s5 =	sshrl.u32 s5, $0x3;
	[dreg:$0x12] =	wrdreg s15  }
0x1b: {  	s6 =	sshrl.u32 s7, $0x3;
	s19 =	sadd.s32 $0x5000, s11;
	[dreg:$0x1e] =	wrdreg s11  }
0x1c: {  	s7 =	sor.u32 s8, s9;
	s21 =	sadd.s32 $0x7800, s11;
	[smem:$0x7F4] =	sst s19  }
0x1d: {  	s9 =	sshrl.u32 s2, $0x1;
	s23 =	sadd.s32 $0xA000, s11;
	[smem:$0x7F5] =	sst s21  }
0x1e: {  	s25 =	sadd.s32 $0xC800, s11;
	s8 =	sadd.s32 $0xF000, s11;
	[smem:$0x7F6] =	sst s23  }
0x1f: {  	s14 =	sadd.s32 $0x11800, s11;
	s26 =	simm.s32 $0x14E80;
	[smem:$0x7F7] =	sst s25  }
0x20: {  	s15 =	simm.s32 $0x15400;
	s5 =	sadd.s32 s5, s1;
	[smem:$0x7F8] =	sst s8  }
0x21: {  	s6 =	sadd.s32 s6, s1;
	s7 =	sshrl.u32 s7, $0x3;
	[smem:$0x7F9] =	sst s14  }
0x22: {  	s2 =	ssub.s32 s2, s9;
	s9 =	simm.s32 $0x14800;
	[dreg:$0x1d] =	wrdreg s26  }
0x23: {  	s19 =	simm.s32 $0x14B00;
	s21 =	simm.s32 $0x14C00;
	[dreg:$0x10] =	wrdreg s9  }
0x24: {  	s23 =	simm.s32 $0x14D00;
	s25 =	simm.s32 $0x14E00;
	[dreg:$0x16] =	wrdreg s19  }
0x25: {  	s26 =	simm.s32 $0x1B280;
	s14 =	simm.s32 $0x15580;
	[dreg:$0x18] =	wrdreg s21  }
0x26: {  	s1 =	sadd.s32 s7, s1;
	s5 =	sadd.s32 $0x2600, s5;
	[dreg:$0x1a] =	wrdreg s23  }
0x27: {  	s7 =	sadd.s32 $0x2800, s11;
	s6 =	sadd.s32 $0x2A600, s6;
	[dreg:$0x1c] =	wrdreg s25  }
0x28: {  	s2 =	smax.u32 s2, $0x1;
	s19 =	simm.s32 $0x4;
	[dreg:$0x5] =	wrdreg s5  }
0x29: {  	s23 =	simm.s32 $0x50;
	s25 =	simm.s32 $0x1;
	[dreg:$0x1f] =	wrdreg s7  }
0x2a: {  	s21 =	simm.s32 $0x15700;
	s7 =	sshrl.u32 s12, $0x2;
	[smem:$0x7FB] =	sst s6  }
0x2b: {  	s1 =	sadd.s32 $0x7A600, s1;
	[smem:$0x7FD] =	sst s2;
	s12 =	simm.s32 $0x15300  }
0x2c: {  	s6 =	simm.s32 $0x15600;
	s7 =	sadd.s32 s7, s4;
	[smem:$0x7FC] =	sst s1  }
0x2d: {  	v0 =	vimm.f32 $0.0e+00;
	v1 =	vimm.f32 $1.000000000e+00;
	s5 =	simm.s32 $0x15680;
	s1 =	simm.s32 $0x0;
	[smem:$0x7FA] =	sst s7  }
.LBB2_1:
0x2e: {  	[smem:$0x7F3] =	sst s1;
	s7 =	simm.s32 $0x0;
	s8 =	simm.s32 $0x200  }
.LBB2_2:
0x2f: {  	p0 =	sne.s32 s8, $0x9E00;
	[tilespmem:s7+$0x162F0] =	vst v0  }
0x30: {  	[tilespmem:s7+$0x16280] =	vst v0  }
0x31: {  	[tilespmem:s7+$0x16290] =	vst v0  }
.Ltmp0:
0x32: {  	[tilespmem:s7+$0x162A0] =	vst v0;
	(pc) =	sbr.rel @p0 .LBB2_2-.Ltmp0, $4  }
0x33: {  	[tilespmem:s7+$0x162B0] =	vst v0  }
0x34: {  	[tilespmem:s7+$0x162C0] =	vst v0  }
0x35: {  	[tilespmem:s7+$0x162D0] =	vst v0  }
0x36: {  	[tilespmem:s7+$0x162E0] =	vst v0;
	s7 =	sshra.s32 s8, $0x2;
	s8 =	sadd.s32 $0x200, s8  }
0x37: {  	[tilespmem:s7+$0x162F0] =	vst v0  }
0x38: {  	[tilespmem:s7+$0x16280] =	vst v0  }
0x39: {  	[tilespmem:s7+$0x16290] =	vst v0  }
0x3a: {  	[tilespmem:s7+$0x162A0] =	vst v0  }
0x3b: {  	[tilespmem:s7+$0x162B0] =	vst v0  }
0x3c: {  	[tilespmem:s7+$0x162C0] =	vst v0  }
0x3d: {  	[tilespmem:s7+$0x162D0] =	vst v0  }
0x3e: {  	[tilespmem:s7+$0x162E0] =	vst v0  }
0x3f: {  	[tilespmem:$0x1B300] =	vst v0  }
0x40: {  	[tilespmem:$0x1B310] =	vst v0  }
0x41: {  	[tilespmem:$0x1B320] =	vst v0  }
0x42: {  	[tilespmem:$0x1B330] =	vst v0  }
0x43: {  	[tilespmem:$0x1B340] =	vst v0  }
0x44: {  	[tilespmem:$0x1B350] =	vst v0  }
0x45: {  	[tilespmem:$0x1B360] =	vst v0  }
0x46: {  	[tilespmem:$0x1B370] =	vst v0  }
0x47: {  	[tilespmem:$0x1B380] =	vst v0  }
0x48: {  	[tilespmem:$0x1B390] =	vst v0  }
0x49: {  	[tilespmem:$0x1B3A0] =	vst v0  }
0x4a: {  	[tilespmem:$0x1B3B0] =	vst v0  }
0x4b: {  	[tilespmem:$0x1B3C0] =	vst v0  }
0x4c: {  	[tilespmem:$0x1B3D0] =	vst v0  }
0x4d: {  	[tilespmem:$0x1B3E0] =	vst v0  }
0x4e: {  	[tilespmem:$0x1B3F0] =	vst v0  }
0x4f: {  	[tilespmem:$0x1B400] =	vst v0  }
0x50: {  	[tilespmem:$0x1B410] =	vst v0  }
0x51: {  	[tilespmem:$0x1B420] =	vst v0  }
0x52: {  	[tilespmem:$0x1B430] =	vst v0  }
0x53: {  	[tilespmem:$0x1B440] =	vst v0  }
0x54: {  	[tilespmem:$0x1B450] =	vst v0  }
0x55: {  	[tilespmem:$0x1B460] =	vst v0  }
0x56: {  	[tilespmem:$0x1B470] =	vst v0  }
0x57: {  	[tilespmem:$0x1B480] =	vst v0  }
0x58: {  	[tilespmem:$0x1B490] =	vst v0  }
0x59: {  	[tilespmem:$0x1B4A0] =	vst v0  }
0x5a: {  	[tilespmem:$0x1B4B0] =	vst v0  }
0x5b: {  	[tilespmem:$0x1B4C0] =	vst v0  }
0x5c: {  	[tilespmem:$0x1B4D0] =	vst v0  }
0x5d: {  	[tilespmem:$0x1B4E0] =	vst v0  }
0x5e: {  	[tilespmem:$0x1B4F0] =	vst v0  }
0x5f: {  	[tilespmem:$0x1B500] =	vst v0  }
0x60: {  	[tilespmem:$0x1B510] =	vst v0  }
0x61: {  	[tilespmem:$0x1B520] =	vst v0  }
0x62: {  	[tilespmem:$0x1B530] =	vst v0  }
0x63: {  	[tilespmem:$0x1B540] =	vst v0  }
0x64: {  	[tilespmem:$0x1B550] =	vst v0  }
0x65: {  	[tilespmem:$0x1B560] =	vst v0  }
0x66: {  	[tilespmem:$0x1B570] =	vst v0  }
0x67: {  	[tilespmem:$0x1B280] =	vst v1  }
0x68: {  	[tilespmem:$0x1B290] =	vst v1  }
0x69: {  	[tilespmem:$0x1B2A0] =	vst v1  }
0x6a: {  	[tilespmem:$0x1B2B0] =	vst v1  }
0x6b: {  	[tilespmem:$0x1B2C0] =	vst v1  }
0x6c: {  	[spmem:s11] =	stream.linear.scatter [tilespmem:s18], [sflag:$0x4], $0x2800, $0x38;
	[tilespmem:$0x1B580] =	vst v63  }
0x6d: {  	_ =	swait.ge [sflag:s19], $0x2800  }
0x6e: {  	[sflag:s19] =	ssyncset.done $0x0  }
0x6f: {  	s8 =	rddreg [dreg:$0x1f];
	[sflag:s19] =	ssyncadd.s32 $0xFFFFD800  }
0x70: {  	[spmem:s8] =	stream.linear.scatter [tilespmem:s18], [sflag:$0x4], $0x2800, $0x38;
	[tilespmem:$0x1B580] =	vst v63  }
0x71: {  	_ =	swait.ge [sflag:s19], $0x2800  }
0x72: {  	s9 =	sld [smem:$0x7F4]  }
0x73: {  	[sflag:s19] =	ssyncset.done $0x0  }
0x74: {  	[sflag:s19] =	ssyncadd.s32 $0xFFFFD800  }
0x75: {  	[spmem:s9] =	stream.linear.scatter [tilespmem:s18], [sflag:$0x4], $0x2800, $0x38;
	[tilespmem:$0x1B580] =	vst v63  }
0x76: {  	_ =	swait.ge [sflag:s19], $0x2800  }
0x77: {  	s11 =	sld [smem:$0x7F5]  }
0x78: {  	[sflag:s19] =	ssyncset.done $0x0  }
0x79: {  	[sflag:s19] =	ssyncadd.s32 $0xFFFFD800  }
0x7a: {  	[spmem:s11] =	stream.linear.scatter [tilespmem:s18], [sflag:$0x4], $0x2800, $0x38;
	[tilespmem:$0x1B580] =	vst v63  }
0x7b: {  	_ =	swait.ge [sflag:s19], $0x2800  }
0x7c: {  	s1 =	sld [smem:$0x7F6]  }
0x7d: {  	[sflag:s19] =	ssyncset.done $0x0  }
0x7e: {  	[sflag:s19] =	ssyncadd.s32 $0xFFFFD800  }
0x7f: {  	[spmem:s1] =	stream.linear.scatter [tilespmem:s18], [sflag:$0x4], $0x2800, $0x38;
	[tilespmem:$0x1B580] =	vst v63  }
0x80: {  	_ =	swait.ge [sflag:s19], $0x2800  }
0x81: {  	s2 =	sld [smem:$0x7F7]  }
0x82: {  	[sflag:s19] =	ssyncset.done $0x0  }
0x83: {  	[sflag:s19] =	ssyncadd.s32 $0xFFFFD800  }
0x84: {  	[spmem:s2] =	stream.linear.scatter [tilespmem:s18], [sflag:$0x4], $0x2800, $0x38;
	[tilespmem:$0x1B580] =	vst v63  }
0x85: {  	_ =	swait.ge [sflag:s19], $0x2800  }
0x86: {  	s8 =	sld [smem:$0x7F8]  }
0x87: {  	[sflag:s19] =	ssyncset.done $0x0  }
0x88: {  	[sflag:s19] =	ssyncadd.s32 $0xFFFFD800  }
0x89: {  	[spmem:s8] =	stream.linear.scatter [tilespmem:s18], [sflag:$0x4], $0x2800, $0x38;
	[tilespmem:$0x1B580] =	vst v63  }
0x8a: {  	_ =	swait.ge [sflag:s19], $0x2800  }
0x8b: {  	s9 =	sld [smem:$0x7F9]  }
0x8c: {  	[sflag:s19] =	ssyncset.done $0x0  }
0x8d: {  	[sflag:s19] =	ssyncadd.s32 $0xFFFFD800  }
0x8e: {  	[spmem:s9] =	stream.linear.scatter [tilespmem:s18], [sflag:$0x4], $0x2800, $0x38;
	[tilespmem:$0x1B580] =	vst v63  }
0x8f: {  	_ =	swait.ge [sflag:s19], $0x2800  }
0x90: {  	s11 =	sld [smem:$0x7FA]  }
0x91: {  	[sflag:s19] =	ssyncset.done $0x0  }
0x92: {  	s8 =	simm.s32 $0x1B300;
	[sflag:s19] =	ssyncadd.s32 $0xFFFFD800  }
0x93: {  	[spmem:s11] =	stream.linear.scatter [tilespmem:s8], [sflag:$0x4], $0x280, $0x38;
	[tilespmem:$0x1B580] =	vst v63  }
0x94: {  	_ =	swait.ge [sflag:s19], $0x280  }
0x95: {  	[sflag:s19] =	ssyncset.done $0x0  }
0x96: {  	[sflag:s19] =	ssyncadd.s32 $0xFFFFFD80  }
0x97: {  	[bflag:$0x0] =	sbarrier.arrive $0xFFFF  }
0x98: {  	s1 =	rddreg [dreg:$0x5]  }
0x99: {  	s7 =	sadd.s32 $0x0, s1;
	s1 =	simm.s32 $0x14280  }
0x9a: {  	[tilespmem:s1], [sflag:$0x4] =	stream.linear.gather [hbm4b:s7+s10], $0xC80, $0x38;
	[tilespmem:$0x1B580] =	vst v63  }
0x9b: {  	_ =	swait.ge [sflag:s19], $0xC80  }
0x9c: {  	[sflag:s19] =	ssyncset.done $0x0  }
0x9d: {  	s7 =	sadd.s32 $0x200, s7;
	[sflag:s19] =	ssyncadd.s32 $0xFFFFF380  }
0x9e: {  	[tilespmem:s22], [sflag:$0x4] =	stream.linear.gather [hbm4b:s7+s10], $0xC80, $0x38;
	[tilespmem:$0x1B580] =	vst v63  }
0x9f: {  	_ =	swait.ge [sflag:s19], $0xC80  }
0xa0: {  	[sflag:s19] =	ssyncset.done $0x0  }
0xa1: {  	[sflag:s19] =	ssyncadd.s32 $0xFFFFF380  }
0xa2: {  	[tilespmem:s18], [sflag:$0x1] =	stream.indirect.gather [hbm4b:s0+s23], $0x80, s1, s23, $0xb8;
	[tilespmem:$0x1B580] =	vst v63  }
0xa3: {  	s2 =	rddreg [dreg:$0x6]  }
0xa4: {  	[tilespmem:s24], [sflag:$0x2] =	stream.indirect.gather [hbm4b:s0+s23], $0x80, s2, s23, $0xb8;
	[tilespmem:$0x1B580] =	vst v63  }
0xa5: {  	_ =	swait.ge [sflag:s25], $0x2800  }
0xa6: {  	[sflag:s25] =	ssyncset.done $0x0  }
0xa7: {  	[sflag:s25] =	ssyncadd.s32 $0xFFFFD800  }
0xa8: {  	[spmem:s3] =	stream.indirect.scatter.add.f32 [tilespmem:s18], [sflag:$0x3], $0x80, s22, s23, $0xb8;
	[tilespmem:$0x1B580] =	vst v63  }
0xa9: {  	_ = 	snop  }
0xaa: {  	[spmem:s4] =	stream.indirect.scatter.add.f32 [tilespmem:s26], [sflag:$0x4], $0x1, s22, s23, $0xb8;
	[tilespmem:$0x1B580] =	vst v63  }
0xab: {  	_ =	swait.ge [sflag:s19], $0x50  }
0xac: {  	[sflag:s19] =	ssyncset.done $0x0  }
0xad: {  	[sflag:s19] =	ssyncadd.s32 $0xFFFFFFB0  }
0xae: {  	_ =	swait.ge [sflag:s28], $0x2800  }
0xaf: {  	[sflag:s28] =	ssyncset.done $0x0  }
0xb0: {  	s8 =	rddreg [dreg:$0x7];
	[sflag:s28] =	ssyncadd.s32 $0xFFFFD800  }
0xb1: {  	[tilespmem:s18], [sflag:$0x1] =	stream.indirect.gather [hbm4b:s0+s23], $0x80, s8, s23, $0xb8;
	[tilespmem:$0x1B580] =	vst v63  }
0xb2: {  	_ =	swait.ge [sflag:s29], $0x2800  }
0xb3: {  	[sflag:s29] =	ssyncset.done $0x0  }
0xb4: {  	[sflag:s29] =	ssyncadd.s32 $0xFFFFD800  }
0xb5: {  	[spmem:s3] =	stream.indirect.scatter.add.f32 [tilespmem:s24], [sflag:$0x3], $0x80, s12, s23, $0xb8;
	[tilespmem:$0x1B580] =	vst v63  }
0xb6: {  	_ = 	snop  }
0xb7: {  	[spmem:s4] =	stream.indirect.scatter.add.f32 [tilespmem:s26], [sflag:$0x4], $0x1, s12, s23, $0xb8;
	[tilespmem:$0x1B580] =	vst v63  }
0xb8: {  	_ =	swait.ge [sflag:s19], $0x50  }
0xb9: {  	[sflag:s19] =	ssyncset.done $0x0  }
0xba: {  	[sflag:s19] =	ssyncadd.s32 $0xFFFFFFB0  }
0xbb: {  	_ =	swait.ge [sflag:s28], $0x2800  }
0xbc: {  	[sflag:s28] =	ssyncset.done $0x0  }
0xbd: {  	s9 =	rddreg [dreg:$0x8];
	[sflag:s28] =	ssyncadd.s32 $0xFFFFD800  }
0xbe: {  	[tilespmem:s24], [sflag:$0x2] =	stream.indirect.gather [hbm4b:s0+s23], $0x80, s9, s23, $0xb8;
	[tilespmem:$0x1B580] =	vst v63  }
0xbf: {  	_ =	swait.ge [sflag:s25], $0x2800  }
0xc0: {  	[sflag:s25] =	ssyncset.done $0x0  }
0xc1: {  	[sflag:s25] =	ssyncadd.s32 $0xFFFFD800  }
0xc2: {  	[spmem:s3] =	stream.indirect.scatter.add.f32 [tilespmem:s18], [sflag:$0x3], $0x80, s13, s23, $0xb8;
	[tilespmem:$0x1B580] =	vst v63  }
0xc3: {  	_ = 	snop  }
0xc4: {  	[spmem:s4] =	stream.indirect.scatter.add.f32 [tilespmem:s26], [sflag:$0x4], $0x1, s13, s23, $0xb8;
	[tilespmem:$0x1B580] =	vst v63  }
0xc5: {  	_ =	swait.ge [sflag:s19], $0x50  }
0xc6: {  	[sflag:s19] =	ssyncset.done $0x0  }
0xc7: {  	[sflag:s19] =	ssyncadd.s32 $0xFFFFFFB0  }
0xc8: {  	_ =	swait.ge [sflag:s28], $0x2800  }
0xc9: {  	[sflag:s28] =	ssyncset.done $0x0  }
0xca: {  	s10 =	rddreg [dreg:$0x9];
	[sflag:s28] =	ssyncadd.s32 $0xFFFFD800  }
0xcb: {  	[tilespmem:s18], [sflag:$0x1] =	stream.indirect.gather [hbm4b:s0+s23], $0x80, s10, s23, $0xb8;
	[tilespmem:$0x1B580] =	vst v63  }
0xcc: {  	_ =	swait.ge [sflag:s29], $0x2800  }
0xcd: {  	[sflag:s29] =	ssyncset.done $0x0  }
0xce: {  	[sflag:s29] =	ssyncadd.s32 $0xFFFFD800  }
0xcf: {  	[spmem:s3] =	stream.indirect.scatter.add.f32 [tilespmem:s24], [sflag:$0x3], $0x80, s15, s23, $0xb8;
	[tilespmem:$0x1B580] =	vst v63  }
0xd0: {  	_ = 	snop  }
0xd1: {  	[spmem:s4] =	stream.indirect.scatter.add.f32 [tilespmem:s26], [sflag:$0x4], $0x1, s15, s23, $0xb8;
	[tilespmem:$0x1B580] =	vst v63  }
0xd2: {  	_ =	swait.ge [sflag:s19], $0x50  }
0xd3: {  	[sflag:s19] =	ssyncset.done $0x0  }
0xd4: {  	[sflag:s19] =	ssyncadd.s32 $0xFFFFFFB0  }
0xd5: {  	_ =	swait.ge [sflag:s28], $0x2800  }
0xd6: {  	[sflag:s28] =	ssyncset.done $0x0  }
0xd7: {  	s11 =	rddreg [dreg:$0xa];
	[sflag:s28] =	ssyncadd.s32 $0xFFFFD800  }
0xd8: {  	[tilespmem:s24], [sflag:$0x2] =	stream.indirect.gather [hbm4b:s0+s23], $0x80, s11, s23, $0xb8;
	[tilespmem:$0x1B580] =	vst v63  }
0xd9: {  	_ =	swait.ge [sflag:s25], $0x2800  }
0xda: {  	[sflag:s25] =	ssyncset.done $0x0  }
0xdb: {  	[sflag:s25] =	ssyncadd.s32 $0xFFFFD800  }
0xdc: {  	[spmem:s3] =	stream.indirect.scatter.add.f32 [tilespmem:s18], [sflag:$0x3], $0x80, s16, s23, $0xb8;
	[tilespmem:$0x1B580] =	vst v63  }
0xdd: {  	_ = 	snop  }
0xde: {  	[spmem:s4] =	stream.indirect.scatter.add.f32 [tilespmem:s26], [sflag:$0x4], $0x1, s16, s23, $0xb8;
	[tilespmem:$0x1B580] =	vst v63  }
0xdf: {  	_ =	swait.ge [sflag:s19], $0x50  }
0xe0: {  	[sflag:s19] =	ssyncset.done $0x0  }
0xe1: {  	[sflag:s19] =	ssyncadd.s32 $0xFFFFFFB0  }
0xe2: {  	_ =	swait.ge [sflag:s28], $0x2800  }
0xe3: {  	[sflag:s28] =	ssyncset.done $0x0  }
0xe4: {  	s1 =	rddreg [dreg:$0xb];
	[sflag:s28] =	ssyncadd.s32 $0xFFFFD800  }
0xe5: {  	[tilespmem:s18], [sflag:$0x1] =	stream.indirect.gather [hbm4b:s0+s23], $0x80, s1, s23, $0xb8;
	[tilespmem:$0x1B580] =	vst v63  }
0xe6: {  	_ =	swait.ge [sflag:s29], $0x2800  }
0xe7: {  	[sflag:s29] =	ssyncset.done $0x0  }
0xe8: {  	[sflag:s29] =	ssyncadd.s32 $0xFFFFD800  }
0xe9: {  	[spmem:s3] =	stream.indirect.scatter.add.f32 [tilespmem:s24], [sflag:$0x3], $0x80, s17, s23, $0xb8;
	[tilespmem:$0x1B580] =	vst v63  }
0xea: {  	_ = 	snop  }
0xeb: {  	[spmem:s4] =	stream.indirect.scatter.add.f32 [tilespmem:s26], [sflag:$0x4], $0x1, s17, s23, $0xb8;
	[tilespmem:$0x1B580] =	vst v63  }
0xec: {  	_ =	swait.ge [sflag:s19], $0x50  }
0xed: {  	[sflag:s19] =	ssyncset.done $0x0  }
0xee: {  	[sflag:s19] =	ssyncadd.s32 $0xFFFFFFB0  }
0xef: {  	_ =	swait.ge [sflag:s28], $0x2800  }
0xf0: {  	[sflag:s28] =	ssyncset.done $0x0  }
0xf1: {  	s2 =	rddreg [dreg:$0xc];
	[sflag:s28] =	ssyncadd.s32 $0xFFFFD800  }
0xf2: {  	[tilespmem:s24], [sflag:$0x2] =	stream.indirect.gather [hbm4b:s0+s23], $0x80, s2, s23, $0xb8;
	[tilespmem:$0x1B580] =	vst v63  }
0xf3: {  	_ =	swait.ge [sflag:s25], $0x2800  }
0xf4: {  	[sflag:s25] =	ssyncset.done $0x0  }
0xf5: {  	[sflag:s25] =	ssyncadd.s32 $0xFFFFD800  }
0xf6: {  	[spmem:s3] =	stream.indirect.scatter.add.f32 [tilespmem:s18], [sflag:$0x3], $0x80, s14, s23, $0xb8;
	[tilespmem:$0x1B580] =	vst v63  }
0xf7: {  	_ = 	snop  }
0xf8: {  	[spmem:s4] =	stream.indirect.scatter.add.f32 [tilespmem:s26], [sflag:$0x4], $0x1, s14, s23, $0xb8;
	[tilespmem:$0x1B580] =	vst v63  }
0xf9: {  	_ =	swait.ge [sflag:s19], $0x50  }
0xfa: {  	[sflag:s19] =	ssyncset.done $0x0  }
0xfb: {  	[sflag:s19] =	ssyncadd.s32 $0xFFFFFFB0  }
0xfc: {  	_ =	swait.ge [sflag:s28], $0x2800  }
0xfd: {  	[sflag:s28] =	ssyncset.done $0x0  }
0xfe: {  	s8 =	rddreg [dreg:$0xd];
	[sflag:s28] =	ssyncadd.s32 $0xFFFFD800  }
0xff: {  	[tilespmem:s18], [sflag:$0x1] =	stream.indirect.gather [hbm4b:s0+s23], $0x80, s8, s23, $0xb8;
	[tilespmem:$0x1B580] =	vst v63  }
0x100: {  	_ =	swait.ge [sflag:s29], $0x2800  }
0x101: {  	[sflag:s29] =	ssyncset.done $0x0  }
0x102: {  	[sflag:s29] =	ssyncadd.s32 $0xFFFFD800  }
0x103: {  	[spmem:s3] =	stream.indirect.scatter.add.f32 [tilespmem:s24], [sflag:$0x3], $0x80, s6, s23, $0xb8;
	[tilespmem:$0x1B580] =	vst v63  }
0x104: {  	_ = 	snop  }
0x105: {  	[spmem:s4] =	stream.indirect.scatter.add.f32 [tilespmem:s26], [sflag:$0x4], $0x1, s6, s23, $0xb8;
	[tilespmem:$0x1B580] =	vst v63  }
0x106: {  	_ =	swait.ge [sflag:s19], $0x50  }
0x107: {  	[sflag:s19] =	ssyncset.done $0x0  }
0x108: {  	[sflag:s19] =	ssyncadd.s32 $0xFFFFFFB0  }
0x109: {  	_ =	swait.ge [sflag:s28], $0x2800  }
0x10a: {  	[sflag:s28] =	ssyncset.done $0x0  }
0x10b: {  	s9 =	rddreg [dreg:$0xe];
	[sflag:s28] =	ssyncadd.s32 $0xFFFFD800  }
0x10c: {  	[tilespmem:s24], [sflag:$0x2] =	stream.indirect.gather [hbm4b:s0+s23], $0x80, s9, s23, $0xb8;
	[tilespmem:$0x1B580] =	vst v63  }
0x10d: {  	_ =	swait.ge [sflag:s25], $0x2800  }
0x10e: {  	[sflag:s25] =	ssyncset.done $0x0  }
0x10f: {  	[sflag:s25] =	ssyncadd.s32 $0xFFFFD800  }
0x110: {  	[spmem:s3] =	stream.indirect.scatter.add.f32 [tilespmem:s18], [sflag:$0x3], $0x80, s5, s23, $0xb8;
	[tilespmem:$0x1B580] =	vst v63  }
0x111: {  	_ = 	snop  }
0x112: {  	[spmem:s4] =	stream.indirect.scatter.add.f32 [tilespmem:s26], [sflag:$0x4], $0x1, s5, s23, $0xb8;
	[tilespmem:$0x1B580] =	vst v63  }
0x113: {  	_ =	swait.ge [sflag:s19], $0x50  }
0x114: {  	[sflag:s19] =	ssyncset.done $0x0  }
0x115: {  	[sflag:s19] =	ssyncadd.s32 $0xFFFFFFB0  }
0x116: {  	_ =	swait.ge [sflag:s28], $0x2800  }
0x117: {  	[sflag:s28] =	ssyncset.done $0x0  }
0x118: {  	s10 =	rddreg [dreg:$0xf];
	[sflag:s28] =	ssyncadd.s32 $0xFFFFD800  }
0x119: {  	[tilespmem:s18], [sflag:$0x1] =	stream.indirect.gather [hbm4b:s0+s23], $0x80, s10, s23, $0xb8;
	[tilespmem:$0x1B580] =	vst v63  }
0x11a: {  	_ =	swait.ge [sflag:s29], $0x2800  }
0x11b: {  	[sflag:s29] =	ssyncset.done $0x0  }
0x11c: {  	[sflag:s29] =	ssyncadd.s32 $0xFFFFD800  }
0x11d: {  	[spmem:s3] =	stream.indirect.scatter.add.f32 [tilespmem:s24], [sflag:$0x3], $0x80, s21, s23, $0xb8;
	[tilespmem:$0x1B580] =	vst v63  }
0x11e: {  	_ = 	snop  }
0x11f: {  	[spmem:s4] =	stream.indirect.scatter.add.f32 [tilespmem:s26], [sflag:$0x4], $0x1, s21, s23, $0xb8;
	[tilespmem:$0x1B580] =	vst v63  }
0x120: {  	_ =	swait.ge [sflag:s19], $0x50  }
0x121: {  	[sflag:s19] =	ssyncset.done $0x0  }
0x122: {  	[sflag:s19] =	ssyncadd.s32 $0xFFFFFFB0  }
0x123: {  	_ =	swait.ge [sflag:s28], $0x2800  }
0x124: {  	[sflag:s28] =	ssyncset.done $0x0  }
0x125: {  	s11 =	rddreg [dreg:$0x10];
	[sflag:s28] =	ssyncadd.s32 $0xFFFFD800  }
0x126: {  	[tilespmem:s24], [sflag:$0x2] =	stream.indirect.gather [hbm4b:s0+s23], $0x80, s11, s23, $0xb8;
	[tilespmem:$0x1B580] =	vst v63  }
0x127: {  	_ =	swait.ge [sflag:s25], $0x2800  }
0x128: {  	[sflag:s25] =	ssyncset.done $0x0  }
0x129: {  	[sflag:s25] =	ssyncadd.s32 $0xFFFFD800  }
0x12a: {  	[spmem:s3] =	stream.indirect.scatter.add.f32 [tilespmem:s18], [sflag:$0x3], $0x80, s30, s23, $0xb8;
	[tilespmem:$0x1B580] =	vst v63  }
0x12b: {  	_ = 	snop  }
0x12c: {  	[spmem:s4] =	stream.indirect.scatter.add.f32 [tilespmem:s26], [sflag:$0x4], $0x1, s30, s23, $0xb8;
	[tilespmem:$0x1B580] =	vst v63  }
0x12d: {  	_ =	swait.ge [sflag:s19], $0x50  }
0x12e: {  	[sflag:s19] =	ssyncset.done $0x0  }
0x12f: {  	[sflag:s19] =	ssyncadd.s32 $0xFFFFFFB0  }
0x130: {  	_ =	swait.ge [sflag:s28], $0x2800  }
0x131: {  	[sflag:s28] =	ssyncset.done $0x0  }
0x132: {  	s1 =	rddreg [dreg:$0x11];
	[sflag:s28] =	ssyncadd.s32 $0xFFFFD800  }
0x133: {  	[tilespmem:s18], [sflag:$0x1] =	stream.indirect.gather [hbm4b:s0+s23], $0x80, s1, s23, $0xb8;
	[tilespmem:$0x1B580] =	vst v63  }
0x134: {  	_ =	swait.ge [sflag:s29], $0x2800  }
0x135: {  	[sflag:s29] =	ssyncset.done $0x0  }
0x136: {  	[sflag:s29] =	ssyncadd.s32 $0xFFFFD800  }
0x137: {  	[spmem:s3] =	stream.indirect.scatter.add.f32 [tilespmem:s24], [sflag:$0x3], $0x80, s31, s23, $0xb8;
	[tilespmem:$0x1B580] =	vst v63  }
0x138: {  	_ = 	snop  }
0x139: {  	[spmem:s4] =	stream.indirect.scatter.add.f32 [tilespmem:s26], [sflag:$0x4], $0x1, s31, s23, $0xb8;
	[tilespmem:$0x1B580] =	vst v63  }
0x13a: {  	_ =	swait.ge [sflag:s19], $0x50  }
0x13b: {  	[sflag:s19] =	ssyncset.done $0x0  }
0x13c: {  	[sflag:s19] =	ssyncadd.s32 $0xFFFFFFB0  }
0x13d: {  	_ =	swait.ge [sflag:s28], $0x2800  }
0x13e: {  	[sflag:s28] =	ssyncset.done $0x0  }
0x13f: {  	s2 =	rddreg [dreg:$0x12];
	[sflag:s28] =	ssyncadd.s32 $0xFFFFD800  }
0x140: {  	[tilespmem:s24], [sflag:$0x2] =	stream.indirect.gather [hbm4b:s0+s23], $0x80, s2, s23, $0xb8;
	[tilespmem:$0x1B580] =	vst v63  }
0x141: {  	_ =	swait.ge [sflag:s25], $0x2800  }
0x142: {  	[sflag:s25] =	ssyncset.done $0x0  }
0x143: {  	s2 =	simm.s32 $0x15880;
	[sflag:s25] =	ssyncadd.s32 $0xFFFFD800  }
0x144: {  	[spmem:s3] =	stream.indirect.scatter.add.f32 [tilespmem:s18], [sflag:$0x3], $0x80, s2, s23, $0xb8;
	[tilespmem:$0x1B580] =	vst v63  }
0x145: {  	_ = 	snop  }
0x146: {  	[spmem:s4] =	stream.indirect.scatter.add.f32 [tilespmem:s26], [sflag:$0x4], $0x1, s2, s23, $0xb8;
	[tilespmem:$0x1B580] =	vst v63  }
0x147: {  	_ =	swait.ge [sflag:s19], $0x50  }
0x148: {  	[sflag:s19] =	ssyncset.done $0x0  }
0x149: {  	[sflag:s19] =	ssyncadd.s32 $0xFFFFFFB0  }
0x14a: {  	_ =	swait.ge [sflag:s28], $0x2800  }
0x14b: {  	[sflag:s28] =	ssyncset.done $0x0  }
0x14c: {  	s8 =	rddreg [dreg:$0x13];
	[sflag:s28] =	ssyncadd.s32 $0xFFFFD800  }
0x14d: {  	[tilespmem:s18], [sflag:$0x1] =	stream.indirect.gather [hbm4b:s0+s23], $0x80, s8, s23, $0xb8;
	[tilespmem:$0x1B580] =	vst v63  }
0x14e: {  	_ =	swait.ge [sflag:s29], $0x2800  }
0x14f: {  	[sflag:s29] =	ssyncset.done $0x0  }
0x150: {  	[sflag:s29] =	ssyncadd.s32 $0xFFFFD800  }
0x151: {  	[spmem:s3] =	stream.indirect.scatter.add.f32 [tilespmem:s24], [sflag:$0x3], $0x80, s20, s23, $0xb8;
	[tilespmem:$0x1B580] =	vst v63  }
0x152: {  	_ = 	snop  }
0x153: {  	[spmem:s4] =	stream.indirect.scatter.add.f32 [tilespmem:s26], [sflag:$0x4], $0x1, s20, s23, $0xb8;
	[tilespmem:$0x1B580] =	vst v63  }
0x154: {  	_ =	swait.ge [sflag:s19], $0x50  }
0x155: {  	[sflag:s19] =	ssyncset.done $0x0  }
0x156: {  	[sflag:s19] =	ssyncadd.s32 $0xFFFFFFB0  }
0x157: {  	_ =	swait.ge [sflag:s28], $0x2800  }
0x158: {  	[sflag:s28] =	ssyncset.done $0x0  }
0x159: {  	s9 =	rddreg [dreg:$0x14];
	[sflag:s28] =	ssyncadd.s32 $0xFFFFD800  }
0x15a: {  	[tilespmem:s24], [sflag:$0x2] =	stream.indirect.gather [hbm4b:s0+s23], $0x80, s9, s23, $0xb8;
	[tilespmem:$0x1B580] =	vst v63  }
0x15b: {  	_ =	swait.ge [sflag:s25], $0x2800  }
0x15c: {  	[sflag:s25] =	ssyncset.done $0x0  }
0x15d: {  	s10 =	simm.s32 $0x15980;
	[sflag:s25] =	ssyncadd.s32 $0xFFFFD800  }
0x15e: {  	[spmem:s3] =	stream.indirect.scatter.add.f32 [tilespmem:s18], [sflag:$0x3], $0x80, s10, s23, $0xb8;
	[tilespmem:$0x1B580] =	vst v63  }
0x15f: {  	_ = 	snop  }
0x160: {  	[spmem:s4] =	stream.indirect.scatter.add.f32 [tilespmem:s26], [sflag:$0x4], $0x1, s10, s23, $0xb8;
	[tilespmem:$0x1B580] =	vst v63  }
0x161: {  	_ =	swait.ge [sflag:s19], $0x50  }
0x162: {  	[sflag:s19] =	ssyncset.done $0x0  }
0x163: {  	[sflag:s19] =	ssyncadd.s32 $0xFFFFFFB0  }
0x164: {  	_ =	swait.ge [sflag:s28], $0x2800  }
0x165: {  	[sflag:s28] =	ssyncset.done $0x0  }
0x166: {  	s11 =	rddreg [dreg:$0x15];
	[sflag:s28] =	ssyncadd.s32 $0xFFFFD800  }
0x167: {  	[tilespmem:s18], [sflag:$0x1] =	stream.indirect.gather [hbm4b:s0+s23], $0x80, s11, s23, $0xb8;
	[tilespmem:$0x1B580] =	vst v63  }
0x168: {  	_ =	swait.ge [sflag:s29], $0x2800  }
0x169: {  	[sflag:s29] =	ssyncset.done $0x0  }
0x16a: {  	s11 =	simm.s32 $0x15A00;
	[sflag:s29] =	ssyncadd.s32 $0xFFFFD800  }
0x16b: {  	[spmem:s3] =	stream.indirect.scatter.add.f32 [tilespmem:s24], [sflag:$0x3], $0x80, s11, s23, $0xb8;
	[tilespmem:$0x1B580] =	vst v63  }
0x16c: {  	_ = 	snop  }
0x16d: {  	[spmem:s4] =	stream.indirect.scatter.add.f32 [tilespmem:s26], [sflag:$0x4], $0x1, s11, s23, $0xb8;
	[tilespmem:$0x1B580] =	vst v63  }
0x16e: {  	_ =	swait.ge [sflag:s19], $0x50  }
0x16f: {  	[sflag:s19] =	ssyncset.done $0x0  }
0x170: {  	[sflag:s19] =	ssyncadd.s32 $0xFFFFFFB0  }
0x171: {  	_ =	swait.ge [sflag:s28], $0x2800  }
0x172: {  	[sflag:s28] =	ssyncset.done $0x0  }
0x173: {  	s1 =	rddreg [dreg:$0x16];
	[sflag:s28] =	ssyncadd.s32 $0xFFFFD800  }
0x174: {  	[tilespmem:s24], [sflag:$0x2] =	stream.indirect.gather [hbm4b:s0+s23], $0x80, s1, s23, $0xb8;
	[tilespmem:$0x1B580] =	vst v63  }
0x175: {  	_ =	swait.ge [sflag:s25], $0x2800  }
0x176: {  	[sflag:s25] =	ssyncset.done $0x0  }
0x177: {  	s8 =	simm.s32 $0x15A80;
	[sflag:s25] =	ssyncadd.s32 $0xFFFFD800  }
0x178: {  	[spmem:s3] =	stream.indirect.scatter.add.f32 [tilespmem:s18], [sflag:$0x3], $0x80, s8, s23, $0xb8;
	[tilespmem:$0x1B580] =	vst v63  }
0x179: {  	_ = 	snop  }
0x17a: {  	[spmem:s4] =	stream.indirect.scatter.add.f32 [tilespmem:s26], [sflag:$0x4], $0x1, s8, s23, $0xb8;
	[tilespmem:$0x1B580] =	vst v63  }
0x17b: {  	_ =	swait.ge [sflag:s19], $0x50  }
0x17c: {  	[sflag:s19] =	ssyncset.done $0x0  }
0x17d: {  	[sflag:s19] =	ssyncadd.s32 $0xFFFFFFB0  }
0x17e: {  	_ =	swait.ge [sflag:s28], $0x2800  }
0x17f: {  	[sflag:s28] =	ssyncset.done $0x0  }
0x180: {  	s9 =	rddreg [dreg:$0x17];
	[sflag:s28] =	ssyncadd.s32 $0xFFFFD800  }
0x181: {  	[tilespmem:s18], [sflag:$0x1] =	stream.indirect.gather [hbm4b:s0+s23], $0x80, s9, s23, $0xb8;
	[tilespmem:$0x1B580] =	vst v63  }
0x182: {  	_ =	swait.ge [sflag:s29], $0x2800  }
0x183: {  	[sflag:s29] =	ssyncset.done $0x0  }
0x184: {  	s10 =	simm.s32 $0x15B00;
	[sflag:s29] =	ssyncadd.s32 $0xFFFFD800  }
0x185: {  	[spmem:s3] =	stream.indirect.scatter.add.f32 [tilespmem:s24], [sflag:$0x3], $0x80, s10, s23, $0xb8;
	[tilespmem:$0x1B580] =	vst v63  }
0x186: {  	_ = 	snop  }
0x187: {  	[spmem:s4] =	stream.indirect.scatter.add.f32 [tilespmem:s26], [sflag:$0x4], $0x1, s10, s23, $0xb8;
	[tilespmem:$0x1B580] =	vst v63  }
0x188: {  	_ =	swait.ge [sflag:s19], $0x50  }
0x189: {  	[sflag:s19] =	ssyncset.done $0x0  }
0x18a: {  	[sflag:s19] =	ssyncadd.s32 $0xFFFFFFB0  }
0x18b: {  	_ =	swait.ge [sflag:s28], $0x2800  }
0x18c: {  	[sflag:s28] =	ssyncset.done $0x0  }
0x18d: {  	s1 =	rddreg [dreg:$0x18];
	[sflag:s28] =	ssyncadd.s32 $0xFFFFD800  }
0x18e: {  	[tilespmem:s24], [sflag:$0x2] =	stream.indirect.gather [hbm4b:s0+s23], $0x80, s1, s23, $0xb8;
	[tilespmem:$0x1B580] =	vst v63  }
0x18f: {  	_ =	swait.ge [sflag:s25], $0x2800  }
0x190: {  	[sflag:s25] =	ssyncset.done $0x0  }
0x191: {  	s8 =	simm.s32 $0x15B80;
	[sflag:s25] =	ssyncadd.s32 $0xFFFFD800  }
0x192: {  	[spmem:s3] =	stream.indirect.scatter.add.f32 [tilespmem:s18], [sflag:$0x3], $0x80, s8, s23, $0xb8;
	[tilespmem:$0x1B580] =	vst v63  }
0x193: {  	_ = 	snop  }
0x194: {  	[spmem:s4] =	stream.indirect.scatter.add.f32 [tilespmem:s26], [sflag:$0x4], $0x1, s8, s23, $0xb8;
	[tilespmem:$0x1B580] =	vst v63  }
0x195: {  	_ =	swait.ge [sflag:s19], $0x50  }
0x196: {  	[sflag:s19] =	ssyncset.done $0x0  }
0x197: {  	[sflag:s19] =	ssyncadd.s32 $0xFFFFFFB0  }
0x198: {  	_ =	swait.ge [sflag:s28], $0x2800  }
0x199: {  	[sflag:s28] =	ssyncset.done $0x0  }
0x19a: {  	s9 =	rddreg [dreg:$0x19];
	[sflag:s28] =	ssyncadd.s32 $0xFFFFD800  }
0x19b: {  	[tilespmem:s18], [sflag:$0x1] =	stream.indirect.gather [hbm4b:s0+s23], $0x80, s9, s23, $0xb8;
	[tilespmem:$0x1B580] =	vst v63  }
0x19c: {  	_ =	swait.ge [sflag:s29], $0x2800  }
0x19d: {  	[sflag:s29] =	ssyncset.done $0x0  }
0x19e: {  	s10 =	simm.s32 $0x15C00;
	[sflag:s29] =	ssyncadd.s32 $0xFFFFD800  }
0x19f: {  	[spmem:s3] =	stream.indirect.scatter.add.f32 [tilespmem:s24], [sflag:$0x3], $0x80, s10, s23, $0xb8;
	[tilespmem:$0x1B580] =	vst v63  }
0x1a0: {  	_ = 	snop  }
0x1a1: {  	[spmem:s4] =	stream.indirect.scatter.add.f32 [tilespmem:s26], [sflag:$0x4], $0x1, s10, s23, $0xb8;
	[tilespmem:$0x1B580] =	vst v63  }
0x1a2: {  	_ =	swait.ge [sflag:s19], $0x50  }
0x1a3: {  	[sflag:s19] =	ssyncset.done $0x0  }
0x1a4: {  	[sflag:s19] =	ssyncadd.s32 $0xFFFFFFB0  }
0x1a5: {  	_ =	swait.ge [sflag:s28], $0x2800  }
0x1a6: {  	[sflag:s28] =	ssyncset.done $0x0  }
0x1a7: {  	s1 =	rddreg [dreg:$0x1a];
	[sflag:s28] =	ssyncadd.s32 $0xFFFFD800  }
0x1a8: {  	[tilespmem:s24], [sflag:$0x2] =	stream.indirect.gather [hbm4b:s0+s23], $0x80, s1, s23, $0xb8;
	[tilespmem:$0x1B580] =	vst v63  }
0x1a9: {  	_ =	swait.ge [sflag:s25], $0x2800  }
0x1aa: {  	[sflag:s25] =	ssyncset.done $0x0  }
0x1ab: {  	s8 =	simm.s32 $0x15C80;
	[sflag:s25] =	ssyncadd.s32 $0xFFFFD800  }
0x1ac: {  	[spmem:s3] =	stream.indirect.scatter.add.f32 [tilespmem:s18], [sflag:$0x3], $0x80, s8, s23, $0xb8;
	[tilespmem:$0x1B580] =	vst v63  }
0x1ad: {  	_ = 	snop  }
0x1ae: {  	[spmem:s4] =	stream.indirect.scatter.add.f32 [tilespmem:s26], [sflag:$0x4], $0x1, s8, s23, $0xb8;
	[tilespmem:$0x1B580] =	vst v63  }
0x1af: {  	_ =	swait.ge [sflag:s19], $0x50  }
0x1b0: {  	[sflag:s19] =	ssyncset.done $0x0  }
0x1b1: {  	[sflag:s19] =	ssyncadd.s32 $0xFFFFFFB0  }
0x1b2: {  	_ =	swait.ge [sflag:s28], $0x2800  }
0x1b3: {  	[sflag:s28] =	ssyncset.done $0x0  }
0x1b4: {  	s9 =	rddreg [dreg:$0x1b];
	[sflag:s28] =	ssyncadd.s32 $0xFFFFD800  }
0x1b5: {  	[tilespmem:s18], [sflag:$0x1] =	stream.indirect.gather [hbm4b:s0+s23], $0x80, s9, s23, $0xb8;
	[tilespmem:$0x1B580] =	vst v63  }
0x1b6: {  	_ =	swait.ge [sflag:s29], $0x2800  }
0x1b7: {  	[sflag:s29] =	ssyncset.done $0x0  }
0x1b8: {  	s10 =	simm.s32 $0x15D00;
	[sflag:s29] =	ssyncadd.s32 $0xFFFFD800  }
0x1b9: {  	[spmem:s3] =	stream.indirect.scatter.add.f32 [tilespmem:s24], [sflag:$0x3], $0x80, s10, s23, $0xb8;
	[tilespmem:$0x1B580] =	vst v63  }
0x1ba: {  	_ = 	snop  }
0x1bb: {  	[spmem:s4] =	stream.indirect.scatter.add.f32 [tilespmem:s26], [sflag:$0x4], $0x1, s10, s23, $0xb8;
	[tilespmem:$0x1B580] =	vst v63  }
0x1bc: {  	_ =	swait.ge [sflag:s19], $0x50  }
0x1bd: {  	[sflag:s19] =	ssyncset.done $0x0  }
0x1be: {  	[sflag:s19] =	ssyncadd.s32 $0xFFFFFFB0  }
0x1bf: {  	_ =	swait.ge [sflag:s28], $0x2800  }
0x1c0: {  	[sflag:s28] =	ssyncset.done $0x0  }
0x1c1: {  	s1 =	rddreg [dreg:$0x1c];
	[sflag:s28] =	ssyncadd.s32 $0xFFFFD800  }
0x1c2: {  	[tilespmem:s24], [sflag:$0x2] =	stream.indirect.gather [hbm4b:s0+s23], $0x80, s1, s23, $0xb8;
	[tilespmem:$0x1B580] =	vst v63  }
0x1c3: {  	_ =	swait.ge [sflag:s25], $0x2800  }
0x1c4: {  	[sflag:s25] =	ssyncset.done $0x0  }
0x1c5: {  	s7 =	simm.s32 $0x15D80;
	[sflag:s25] =	ssyncadd.s32 $0xFFFFD800  }
0x1c6: {  	[spmem:s3] =	stream.indirect.scatter.add.f32 [tilespmem:s18], [sflag:$0x3], $0x80, s7, s23, $0xb8;
	[tilespmem:$0x1B580] =	vst v63  }
0x1c7: {  	_ = 	snop  }
0x1c8: {  	[spmem:s4] =	stream.indirect.scatter.add.f32 [tilespmem:s26], [sflag:$0x4], $0x1, s7, s23, $0xb8;
	[tilespmem:$0x1B580] =	vst v63  }
0x1c9: {  	_ =	swait.ge [sflag:s19], $0x50  }
0x1ca: {  	[sflag:s19] =	ssyncset.done $0x0  }
0x1cb: {  	[sflag:s19] =	ssyncadd.s32 $0xFFFFFFB0  }
0x1cc: {  	_ =	swait.ge [sflag:s28], $0x2800  }
0x1cd: {  	[sflag:s28] =	ssyncset.done $0x0  }
0x1ce: {  	s8 =	rddreg [dreg:$0x1d];
	[sflag:s28] =	ssyncadd.s32 $0xFFFFD800  }
0x1cf: {  	[tilespmem:s18], [sflag:$0x1] =	stream.indirect.gather [hbm4b:s0+s23], $0x80, s8, s23, $0xb8;
	[tilespmem:$0x1B580] =	vst v63  }
0x1d0: {  	_ =	swait.ge [sflag:s29], $0x2800  }
0x1d1: {  	[sflag:s29] =	ssyncset.done $0x0  }
0x1d2: {  	s9 =	simm.s32 $0x15E00;
	[sflag:s29] =	ssyncadd.s32 $0xFFFFD800  }
0x1d3: {  	[spmem:s3] =	stream.indirect.scatter.add.f32 [tilespmem:s24], [sflag:$0x3], $0x80, s9, s23, $0xb8;
	[tilespmem:$0x1B580] =	vst v63  }
0x1d4: {  	_ = 	snop  }
0x1d5: {  	[spmem:s4] =	stream.indirect.scatter.add.f32 [tilespmem:s26], [sflag:$0x4], $0x1, s9, s23, $0xb8;
	[tilespmem:$0x1B580] =	vst v63  }
0x1d6: {  	_ =	swait.ge [sflag:s19], $0x50  }
0x1d7: {  	[sflag:s19] =	ssyncset.done $0x0  }
0x1d8: {  	[sflag:s19] =	ssyncadd.s32 $0xFFFFFFB0  }
0x1d9: {  	_ =	swait.ge [sflag:s28], $0x2800  }
0x1da: {  	[sflag:s28] =	ssyncset.done $0x0  }
0x1db: {  	[sflag:s28] =	ssyncadd.s32 $0xFFFFD800  }
0x1dc: {  	_ =	swait.ge [sflag:s25], $0x2800  }
0x1dd: {  	[sflag:s25] =	ssyncset.done $0x0  }
0x1de: {  	s10 =	simm.s32 $0x15E80;
	[sflag:s25] =	ssyncadd.s32 $0xFFFFD800  }
0x1df: {  	[spmem:s3] =	stream.indirect.scatter.add.f32 [tilespmem:s18], [sflag:$0x3], $0x80, s10, s23, $0xb8;
	[tilespmem:$0x1B580] =	vst v63  }
0x1e0: {  	_ = 	snop  }
0x1e1: {  	[spmem:s4] =	stream.indirect.scatter.add.f32 [tilespmem:s26], [sflag:$0x4], $0x1, s10, s23, $0xb8;
	[tilespmem:$0x1B580] =	vst v63  }
0x1e2: {  	_ =	swait.ge [sflag:s19], $0x50  }
0x1e3: {  	[sflag:s19] =	ssyncset.done $0x0  }
0x1e4: {  	[sflag:s19] =	ssyncadd.s32 $0xFFFFFFB0  }
0x1e5: {  	s7 =	simm.s32 $0x400;
	_ =	swait.ge [sflag:s28], $0x2800  }
0x1e6: {  	s8 =	simm.s32 $0x800;
	s9 =	rddreg [dreg:$0x5];
	[sflag:s28] =	ssyncset.done $0x0  }
.LBB2_4:
0x1e7: {  	[sflag:s28] =	ssyncadd.s32 $0xFFFFD800;
	s10 =	smov.u32 s8;
	s9 =	sadd.s32 s7, s9  }
0x1e8: {  	s1 =	simm.s32 $0x14280;
	s7 =	smov.u32 s10;
	s10 =	simm.s32 $0x0  }
0x1e9: {  	[tilespmem:s1], [sflag:$0x4] =	stream.linear.gather [hbm4b:s9+s10], $0xC80, $0x38;
	[tilespmem:$0x1B580] =	vst v63  }
0x1ea: {  	_ =	swait.ge [sflag:s19], $0xC80  }
0x1eb: {  	[sflag:s19] =	ssyncset.done $0x0  }
0x1ec: {  	s9 =	sadd.s32 $0x200, s9;
	[sflag:s19] =	ssyncadd.s32 $0xFFFFF380  }
0x1ed: {  	[tilespmem:s22], [sflag:$0x4] =	stream.linear.gather [hbm4b:s9+s10], $0xC80, $0x38;
	[tilespmem:$0x1B580] =	vst v63  }
0x1ee: {  	_ =	swait.ge [sflag:s19], $0xC80  }
0x1ef: {  	[sflag:s19] =	ssyncset.done $0x0  }
0x1f0: {  	[sflag:s19] =	ssyncadd.s32 $0xFFFFF380  }
0x1f1: {  	[tilespmem:s18], [sflag:$0x1] =	stream.indirect.gather [hbm4b:s0+s23], $0x80, s1, s23, $0xb8;
	[tilespmem:$0x1B580] =	vst v63  }
0x1f2: {  	s9 =	rddreg [dreg:$0x6]  }
0x1f3: {  	[tilespmem:s24], [sflag:$0x2] =	stream.indirect.gather [hbm4b:s0+s23], $0x80, s9, s23, $0xb8;
	[tilespmem:$0x1B580] =	vst v63  }
0x1f4: {  	_ =	swait.ge [sflag:s25], $0x2800  }
0x1f5: {  	[sflag:s25] =	ssyncset.done $0x0  }
0x1f6: {  	[sflag:s25] =	ssyncadd.s32 $0xFFFFD800  }
0x1f7: {  	[spmem:s3] =	stream.indirect.scatter.add.f32 [tilespmem:s18], [sflag:$0x3], $0x80, s22, s23, $0xb8;
	[tilespmem:$0x1B580] =	vst v63  }
0x1f8: {  	_ = 	snop  }
0x1f9: {  	[spmem:s4] =	stream.indirect.scatter.add.f32 [tilespmem:s26], [sflag:$0x4], $0x1, s22, s23, $0xb8;
	[tilespmem:$0x1B580] =	vst v63  }
0x1fa: {  	_ =	swait.ge [sflag:s19], $0x50  }
0x1fb: {  	[sflag:s19] =	ssyncset.done $0x0  }
0x1fc: {  	[sflag:s19] =	ssyncadd.s32 $0xFFFFFFB0  }
0x1fd: {  	_ =	swait.ge [sflag:s28], $0x2800  }
0x1fe: {  	[sflag:s28] =	ssyncset.done $0x0  }
0x1ff: {  	s1 =	rddreg [dreg:$0x7];
	[sflag:s28] =	ssyncadd.s32 $0xFFFFD800  }
0x200: {  	[tilespmem:s18], [sflag:$0x1] =	stream.indirect.gather [hbm4b:s0+s23], $0x80, s1, s23, $0xb8;
	[tilespmem:$0x1B580] =	vst v63  }
0x201: {  	_ =	swait.ge [sflag:s29], $0x2800  }
0x202: {  	[sflag:s29] =	ssyncset.done $0x0  }
0x203: {  	[sflag:s29] =	ssyncadd.s32 $0xFFFFD800  }
0x204: {  	[spmem:s3] =	stream.indirect.scatter.add.f32 [tilespmem:s24], [sflag:$0x3], $0x80, s12, s23, $0xb8;
	[tilespmem:$0x1B580] =	vst v63  }
0x205: {  	_ = 	snop  }
0x206: {  	[spmem:s4] =	stream.indirect.scatter.add.f32 [tilespmem:s26], [sflag:$0x4], $0x1, s12, s23, $0xb8;
	[tilespmem:$0x1B580] =	vst v63  }
0x207: {  	_ =	swait.ge [sflag:s19], $0x50  }
0x208: {  	[sflag:s19] =	ssyncset.done $0x0  }
0x209: {  	[sflag:s19] =	ssyncadd.s32 $0xFFFFFFB0  }
0x20a: {  	_ =	swait.ge [sflag:s28], $0x2800  }
0x20b: {  	[sflag:s28] =	ssyncset.done $0x0  }
0x20c: {  	s1 =	rddreg [dreg:$0x8];
	[sflag:s28] =	ssyncadd.s32 $0xFFFFD800  }
0x20d: {  	[tilespmem:s24], [sflag:$0x2] =	stream.indirect.gather [hbm4b:s0+s23], $0x80, s1, s23, $0xb8;
	[tilespmem:$0x1B580] =	vst v63  }
0x20e: {  	_ =	swait.ge [sflag:s25], $0x2800  }
0x20f: {  	[sflag:s25] =	ssyncset.done $0x0  }
0x210: {  	[sflag:s25] =	ssyncadd.s32 $0xFFFFD800  }
0x211: {  	[spmem:s3] =	stream.indirect.scatter.add.f32 [tilespmem:s18], [sflag:$0x3], $0x80, s13, s23, $0xb8;
	[tilespmem:$0x1B580] =	vst v63  }
0x212: {  	_ = 	snop  }
0x213: {  	[spmem:s4] =	stream.indirect.scatter.add.f32 [tilespmem:s26], [sflag:$0x4], $0x1, s13, s23, $0xb8;
	[tilespmem:$0x1B580] =	vst v63  }
0x214: {  	_ =	swait.ge [sflag:s19], $0x50  }
0x215: {  	[sflag:s19] =	ssyncset.done $0x0  }
0x216: {  	[sflag:s19] =	ssyncadd.s32 $0xFFFFFFB0  }
0x217: {  	_ =	swait.ge [sflag:s28], $0x2800  }
0x218: {  	[sflag:s28] =	ssyncset.done $0x0  }
0x219: {  	s1 =	rddreg [dreg:$0x9];
	[sflag:s28] =	ssyncadd.s32 $0xFFFFD800  }
0x21a: {  	[tilespmem:s18], [sflag:$0x1] =	stream.indirect.gather [hbm4b:s0+s23], $0x80, s1, s23, $0xb8;
	[tilespmem:$0x1B580] =	vst v63  }
0x21b: {  	_ =	swait.ge [sflag:s29], $0x2800  }
0x21c: {  	[sflag:s29] =	ssyncset.done $0x0  }
0x21d: {  	[sflag:s29] =	ssyncadd.s32 $0xFFFFD800  }
0x21e: {  	[spmem:s3] =	stream.indirect.scatter.add.f32 [tilespmem:s24], [sflag:$0x3], $0x80, s15, s23, $0xb8;
	[tilespmem:$0x1B580] =	vst v63  }
0x21f: {  	_ = 	snop  }
0x220: {  	[spmem:s4] =	stream.indirect.scatter.add.f32 [tilespmem:s26], [sflag:$0x4], $0x1, s15, s23, $0xb8;
	[tilespmem:$0x1B580] =	vst v63  }
0x221: {  	_ =	swait.ge [sflag:s19], $0x50  }
0x222: {  	[sflag:s19] =	ssyncset.done $0x0  }
0x223: {  	[sflag:s19] =	ssyncadd.s32 $0xFFFFFFB0  }
0x224: {  	_ =	swait.ge [sflag:s28], $0x2800  }
0x225: {  	[sflag:s28] =	ssyncset.done $0x0  }
0x226: {  	s1 =	rddreg [dreg:$0xa];
	[sflag:s28] =	ssyncadd.s32 $0xFFFFD800  }
0x227: {  	[tilespmem:s24], [sflag:$0x2] =	stream.indirect.gather [hbm4b:s0+s23], $0x80, s1, s23, $0xb8;
	[tilespmem:$0x1B580] =	vst v63  }
0x228: {  	_ =	swait.ge [sflag:s25], $0x2800  }
0x229: {  	[sflag:s25] =	ssyncset.done $0x0  }
0x22a: {  	[sflag:s25] =	ssyncadd.s32 $0xFFFFD800  }
0x22b: {  	[spmem:s3] =	stream.indirect.scatter.add.f32 [tilespmem:s18], [sflag:$0x3], $0x80, s16, s23, $0xb8;
	[tilespmem:$0x1B580] =	vst v63  }
0x22c: {  	_ = 	snop  }
0x22d: {  	[spmem:s4] =	stream.indirect.scatter.add.f32 [tilespmem:s26], [sflag:$0x4], $0x1, s16, s23, $0xb8;
	[tilespmem:$0x1B580] =	vst v63  }
0x22e: {  	_ =	swait.ge [sflag:s19], $0x50  }
0x22f: {  	[sflag:s19] =	ssyncset.done $0x0  }
0x230: {  	[sflag:s19] =	ssyncadd.s32 $0xFFFFFFB0  }
0x231: {  	_ =	swait.ge [sflag:s28], $0x2800  }
0x232: {  	[sflag:s28] =	ssyncset.done $0x0  }
0x233: {  	s1 =	rddreg [dreg:$0xb];
	[sflag:s28] =	ssyncadd.s32 $0xFFFFD800  }
0x234: {  	[tilespmem:s18], [sflag:$0x1] =	stream.indirect.gather [hbm4b:s0+s23], $0x80, s1, s23, $0xb8;
	[tilespmem:$0x1B580] =	vst v63  }
0x235: {  	_ =	swait.ge [sflag:s29], $0x2800  }
0x236: {  	[sflag:s29] =	ssyncset.done $0x0  }
0x237: {  	[sflag:s29] =	ssyncadd.s32 $0xFFFFD800  }
0x238: {  	[spmem:s3] =	stream.indirect.scatter.add.f32 [tilespmem:s24], [sflag:$0x3], $0x80, s17, s23, $0xb8;
	[tilespmem:$0x1B580] =	vst v63  }
0x239: {  	_ = 	snop  }
0x23a: {  	[spmem:s4] =	stream.indirect.scatter.add.f32 [tilespmem:s26], [sflag:$0x4], $0x1, s17, s23, $0xb8;
	[tilespmem:$0x1B580] =	vst v63  }
0x23b: {  	_ =	swait.ge [sflag:s19], $0x50  }
0x23c: {  	[sflag:s19] =	ssyncset.done $0x0  }
0x23d: {  	[sflag:s19] =	ssyncadd.s32 $0xFFFFFFB0  }
0x23e: {  	_ =	swait.ge [sflag:s28], $0x2800  }
0x23f: {  	[sflag:s28] =	ssyncset.done $0x0  }
0x240: {  	s1 =	rddreg [dreg:$0xc];
	[sflag:s28] =	ssyncadd.s32 $0xFFFFD800  }
0x241: {  	[tilespmem:s24], [sflag:$0x2] =	stream.indirect.gather [hbm4b:s0+s23], $0x80, s1, s23, $0xb8;
	[tilespmem:$0x1B580] =	vst v63  }
0x242: {  	_ =	swait.ge [sflag:s25], $0x2800  }
0x243: {  	[sflag:s25] =	ssyncset.done $0x0  }
0x244: {  	[sflag:s25] =	ssyncadd.s32 $0xFFFFD800  }
0x245: {  	[spmem:s3] =	stream.indirect.scatter.add.f32 [tilespmem:s18], [sflag:$0x3], $0x80, s14, s23, $0xb8;
	[tilespmem:$0x1B580] =	vst v63  }
0x246: {  	_ = 	snop  }
0x247: {  	[spmem:s4] =	stream.indirect.scatter.add.f32 [tilespmem:s26], [sflag:$0x4], $0x1, s14, s23, $0xb8;
	[tilespmem:$0x1B580] =	vst v63  }
0x248: {  	_ =	swait.ge [sflag:s19], $0x50  }
0x249: {  	[sflag:s19] =	ssyncset.done $0x0  }
0x24a: {  	[sflag:s19] =	ssyncadd.s32 $0xFFFFFFB0  }
0x24b: {  	_ =	swait.ge [sflag:s28], $0x2800  }
0x24c: {  	[sflag:s28] =	ssyncset.done $0x0  }
0x24d: {  	s1 =	rddreg [dreg:$0xd];
	[sflag:s28] =	ssyncadd.s32 $0xFFFFD800  }
0x24e: {  	[tilespmem:s18], [sflag:$0x1] =	stream.indirect.gather [hbm4b:s0+s23], $0x80, s1, s23, $0xb8;
	[tilespmem:$0x1B580] =	vst v63  }
0x24f: {  	_ =	swait.ge [sflag:s29], $0x2800  }
0x250: {  	[sflag:s29] =	ssyncset.done $0x0  }
0x251: {  	[sflag:s29] =	ssyncadd.s32 $0xFFFFD800  }
0x252: {  	[spmem:s3] =	stream.indirect.scatter.add.f32 [tilespmem:s24], [sflag:$0x3], $0x80, s6, s23, $0xb8;
	[tilespmem:$0x1B580] =	vst v63  }
0x253: {  	_ = 	snop  }
0x254: {  	[spmem:s4] =	stream.indirect.scatter.add.f32 [tilespmem:s26], [sflag:$0x4], $0x1, s6, s23, $0xb8;
	[tilespmem:$0x1B580] =	vst v63  }
0x255: {  	_ =	swait.ge [sflag:s19], $0x50  }
0x256: {  	[sflag:s19] =	ssyncset.done $0x0  }
0x257: {  	[sflag:s19] =	ssyncadd.s32 $0xFFFFFFB0  }
0x258: {  	_ =	swait.ge [sflag:s28], $0x2800  }
0x259: {  	[sflag:s28] =	ssyncset.done $0x0  }
0x25a: {  	s1 =	rddreg [dreg:$0xe];
	[sflag:s28] =	ssyncadd.s32 $0xFFFFD800  }
0x25b: {  	[tilespmem:s24], [sflag:$0x2] =	stream.indirect.gather [hbm4b:s0+s23], $0x80, s1, s23, $0xb8;
	[tilespmem:$0x1B580] =	vst v63  }
0x25c: {  	_ =	swait.ge [sflag:s25], $0x2800  }
0x25d: {  	[sflag:s25] =	ssyncset.done $0x0  }
0x25e: {  	[sflag:s25] =	ssyncadd.s32 $0xFFFFD800  }
0x25f: {  	[spmem:s3] =	stream.indirect.scatter.add.f32 [tilespmem:s18], [sflag:$0x3], $0x80, s5, s23, $0xb8;
	[tilespmem:$0x1B580] =	vst v63  }
0x260: {  	_ = 	snop  }
0x261: {  	[spmem:s4] =	stream.indirect.scatter.add.f32 [tilespmem:s26], [sflag:$0x4], $0x1, s5, s23, $0xb8;
	[tilespmem:$0x1B580] =	vst v63  }
0x262: {  	_ =	swait.ge [sflag:s19], $0x50  }
0x263: {  	[sflag:s19] =	ssyncset.done $0x0  }
0x264: {  	[sflag:s19] =	ssyncadd.s32 $0xFFFFFFB0  }
0x265: {  	_ =	swait.ge [sflag:s28], $0x2800  }
0x266: {  	[sflag:s28] =	ssyncset.done $0x0  }
0x267: {  	s1 =	rddreg [dreg:$0xf];
	[sflag:s28] =	ssyncadd.s32 $0xFFFFD800  }
0x268: {  	[tilespmem:s18], [sflag:$0x1] =	stream.indirect.gather [hbm4b:s0+s23], $0x80, s1, s23, $0xb8;
	[tilespmem:$0x1B580] =	vst v63  }
0x269: {  	_ =	swait.ge [sflag:s29], $0x2800  }
0x26a: {  	[sflag:s29] =	ssyncset.done $0x0  }
0x26b: {  	[sflag:s29] =	ssyncadd.s32 $0xFFFFD800  }
0x26c: {  	[spmem:s3] =	stream.indirect.scatter.add.f32 [tilespmem:s24], [sflag:$0x3], $0x80, s21, s23, $0xb8;
	[tilespmem:$0x1B580] =	vst v63  }
0x26d: {  	_ = 	snop  }
0x26e: {  	[spmem:s4] =	stream.indirect.scatter.add.f32 [tilespmem:s26], [sflag:$0x4], $0x1, s21, s23, $0xb8;
	[tilespmem:$0x1B580] =	vst v63  }
0x26f: {  	_ =	swait.ge [sflag:s19], $0x50  }
0x270: {  	[sflag:s19] =	ssyncset.done $0x0  }
0x271: {  	[sflag:s19] =	ssyncadd.s32 $0xFFFFFFB0  }
0x272: {  	_ =	swait.ge [sflag:s28], $0x2800  }
0x273: {  	[sflag:s28] =	ssyncset.done $0x0  }
0x274: {  	s1 =	rddreg [dreg:$0x10];
	[sflag:s28] =	ssyncadd.s32 $0xFFFFD800  }
0x275: {  	[tilespmem:s24], [sflag:$0x2] =	stream.indirect.gather [hbm4b:s0+s23], $0x80, s1, s23, $0xb8;
	[tilespmem:$0x1B580] =	vst v63  }
0x276: {  	_ =	swait.ge [sflag:s25], $0x2800  }
0x277: {  	[sflag:s25] =	ssyncset.done $0x0  }
0x278: {  	[sflag:s25] =	ssyncadd.s32 $0xFFFFD800  }
0x279: {  	[spmem:s3] =	stream.indirect.scatter.add.f32 [tilespmem:s18], [sflag:$0x3], $0x80, s30, s23, $0xb8;
	[tilespmem:$0x1B580] =	vst v63  }
0x27a: {  	_ = 	snop  }
0x27b: {  	[spmem:s4] =	stream.indirect.scatter.add.f32 [tilespmem:s26], [sflag:$0x4], $0x1, s30, s23, $0xb8;
	[tilespmem:$0x1B580] =	vst v63  }
0x27c: {  	_ =	swait.ge [sflag:s19], $0x50  }
0x27d: {  	[sflag:s19] =	ssyncset.done $0x0  }
0x27e: {  	[sflag:s19] =	ssyncadd.s32 $0xFFFFFFB0  }
0x27f: {  	_ =	swait.ge [sflag:s28], $0x2800  }
0x280: {  	[sflag:s28] =	ssyncset.done $0x0  }
0x281: {  	s1 =	rddreg [dreg:$0x11];
	[sflag:s28] =	ssyncadd.s32 $0xFFFFD800  }
0x282: {  	[tilespmem:s18], [sflag:$0x1] =	stream.indirect.gather [hbm4b:s0+s23], $0x80, s1, s23, $0xb8;
	[tilespmem:$0x1B580] =	vst v63  }
0x283: {  	_ =	swait.ge [sflag:s29], $0x2800  }
0x284: {  	[sflag:s29] =	ssyncset.done $0x0  }
0x285: {  	[sflag:s29] =	ssyncadd.s32 $0xFFFFD800  }
0x286: {  	[spmem:s3] =	stream.indirect.scatter.add.f32 [tilespmem:s24], [sflag:$0x3], $0x80, s31, s23, $0xb8;
	[tilespmem:$0x1B580] =	vst v63  }
0x287: {  	_ = 	snop  }
0x288: {  	[spmem:s4] =	stream.indirect.scatter.add.f32 [tilespmem:s26], [sflag:$0x4], $0x1, s31, s23, $0xb8;
	[tilespmem:$0x1B580] =	vst v63  }
0x289: {  	_ =	swait.ge [sflag:s19], $0x50  }
0x28a: {  	[sflag:s19] =	ssyncset.done $0x0  }
0x28b: {  	[sflag:s19] =	ssyncadd.s32 $0xFFFFFFB0  }
0x28c: {  	_ =	swait.ge [sflag:s28], $0x2800  }
0x28d: {  	[sflag:s28] =	ssyncset.done $0x0  }
0x28e: {  	s1 =	rddreg [dreg:$0x12];
	[sflag:s28] =	ssyncadd.s32 $0xFFFFD800  }
0x28f: {  	[tilespmem:s24], [sflag:$0x2] =	stream.indirect.gather [hbm4b:s0+s23], $0x80, s1, s23, $0xb8;
	[tilespmem:$0x1B580] =	vst v63  }
0x290: {  	_ =	swait.ge [sflag:s25], $0x2800  }
0x291: {  	[sflag:s25] =	ssyncset.done $0x0  }
0x292: {  	[sflag:s25] =	ssyncadd.s32 $0xFFFFD800  }
0x293: {  	[spmem:s3] =	stream.indirect.scatter.add.f32 [tilespmem:s18], [sflag:$0x3], $0x80, s2, s23, $0xb8;
	[tilespmem:$0x1B580] =	vst v63  }
0x294: {  	_ = 	snop  }
0x295: {  	[spmem:s4] =	stream.indirect.scatter.add.f32 [tilespmem:s26], [sflag:$0x4], $0x1, s2, s23, $0xb8;
	[tilespmem:$0x1B580] =	vst v63  }
0x296: {  	_ =	swait.ge [sflag:s19], $0x50  }
0x297: {  	[sflag:s19] =	ssyncset.done $0x0  }
0x298: {  	[sflag:s19] =	ssyncadd.s32 $0xFFFFFFB0  }
0x299: {  	_ =	swait.ge [sflag:s28], $0x2800  }
0x29a: {  	[sflag:s28] =	ssyncset.done $0x0  }
0x29b: {  	s1 =	rddreg [dreg:$0x13];
	[sflag:s28] =	ssyncadd.s32 $0xFFFFD800  }
0x29c: {  	[tilespmem:s18], [sflag:$0x1] =	stream.indirect.gather [hbm4b:s0+s23], $0x80, s1, s23, $0xb8;
	[tilespmem:$0x1B580] =	vst v63  }
0x29d: {  	_ =	swait.ge [sflag:s29], $0x2800  }
0x29e: {  	[sflag:s29] =	ssyncset.done $0x0  }
0x29f: {  	[sflag:s29] =	ssyncadd.s32 $0xFFFFD800  }
0x2a0: {  	[spmem:s3] =	stream.indirect.scatter.add.f32 [tilespmem:s24], [sflag:$0x3], $0x80, s20, s23, $0xb8;
	[tilespmem:$0x1B580] =	vst v63  }
0x2a1: {  	_ = 	snop  }
0x2a2: {  	[spmem:s4] =	stream.indirect.scatter.add.f32 [tilespmem:s26], [sflag:$0x4], $0x1, s20, s23, $0xb8;
	[tilespmem:$0x1B580] =	vst v63  }
0x2a3: {  	_ =	swait.ge [sflag:s19], $0x50  }
0x2a4: {  	[sflag:s19] =	ssyncset.done $0x0  }
0x2a5: {  	[sflag:s19] =	ssyncadd.s32 $0xFFFFFFB0  }
0x2a6: {  	_ =	swait.ge [sflag:s28], $0x2800  }
0x2a7: {  	[sflag:s28] =	ssyncset.done $0x0  }
0x2a8: {  	s1 =	rddreg [dreg:$0x14];
	[sflag:s28] =	ssyncadd.s32 $0xFFFFD800  }
0x2a9: {  	[tilespmem:s24], [sflag:$0x2] =	stream.indirect.gather [hbm4b:s0+s23], $0x80, s1, s23, $0xb8;
	[tilespmem:$0x1B580] =	vst v63  }
0x2aa: {  	_ =	swait.ge [sflag:s25], $0x2800  }
0x2ab: {  	[sflag:s25] =	ssyncset.done $0x0  }
0x2ac: {  	s9 =	simm.s32 $0x15980;
	[sflag:s25] =	ssyncadd.s32 $0xFFFFD800  }
0x2ad: {  	[spmem:s3] =	stream.indirect.scatter.add.f32 [tilespmem:s18], [sflag:$0x3], $0x80, s9, s23, $0xb8;
	[tilespmem:$0x1B580] =	vst v63  }
0x2ae: {  	_ = 	snop  }
0x2af: {  	[spmem:s4] =	stream.indirect.scatter.add.f32 [tilespmem:s26], [sflag:$0x4], $0x1, s9, s23, $0xb8;
	[tilespmem:$0x1B580] =	vst v63  }
0x2b0: {  	_ =	swait.ge [sflag:s19], $0x50  }
0x2b1: {  	[sflag:s19] =	ssyncset.done $0x0  }
0x2b2: {  	[sflag:s19] =	ssyncadd.s32 $0xFFFFFFB0  }
0x2b3: {  	_ =	swait.ge [sflag:s28], $0x2800  }
0x2b4: {  	[sflag:s28] =	ssyncset.done $0x0  }
0x2b5: {  	s1 =	rddreg [dreg:$0x15];
	[sflag:s28] =	ssyncadd.s32 $0xFFFFD800  }
0x2b6: {  	[tilespmem:s18], [sflag:$0x1] =	stream.indirect.gather [hbm4b:s0+s23], $0x80, s1, s23, $0xb8;
	[tilespmem:$0x1B580] =	vst v63  }
0x2b7: {  	_ =	swait.ge [sflag:s29], $0x2800  }
0x2b8: {  	[sflag:s29] =	ssyncset.done $0x0  }
0x2b9: {  	[sflag:s29] =	ssyncadd.s32 $0xFFFFD800  }
0x2ba: {  	[spmem:s3] =	stream.indirect.scatter.add.f32 [tilespmem:s24], [sflag:$0x3], $0x80, s11, s23, $0xb8;
	[tilespmem:$0x1B580] =	vst v63  }
0x2bb: {  	_ = 	snop  }
0x2bc: {  	[spmem:s4] =	stream.indirect.scatter.add.f32 [tilespmem:s26], [sflag:$0x4], $0x1, s11, s23, $0xb8;
	[tilespmem:$0x1B580] =	vst v63  }
0x2bd: {  	_ =	swait.ge [sflag:s19], $0x50  }
0x2be: {  	[sflag:s19] =	ssyncset.done $0x0  }
0x2bf: {  	[sflag:s19] =	ssyncadd.s32 $0xFFFFFFB0  }
0x2c0: {  	_ =	swait.ge [sflag:s28], $0x2800  }
0x2c1: {  	[sflag:s28] =	ssyncset.done $0x0  }
0x2c2: {  	s1 =	rddreg [dreg:$0x16];
	[sflag:s28] =	ssyncadd.s32 $0xFFFFD800  }
0x2c3: {  	[tilespmem:s24], [sflag:$0x2] =	stream.indirect.gather [hbm4b:s0+s23], $0x80, s1, s23, $0xb8;
	[tilespmem:$0x1B580] =	vst v63  }
0x2c4: {  	_ =	swait.ge [sflag:s25], $0x2800  }
0x2c5: {  	[sflag:s25] =	ssyncset.done $0x0  }
0x2c6: {  	s9 =	simm.s32 $0x15A80;
	[sflag:s25] =	ssyncadd.s32 $0xFFFFD800  }
0x2c7: {  	[spmem:s3] =	stream.indirect.scatter.add.f32 [tilespmem:s18], [sflag:$0x3], $0x80, s9, s23, $0xb8;
	[tilespmem:$0x1B580] =	vst v63  }
0x2c8: {  	_ = 	snop  }
0x2c9: {  	[spmem:s4] =	stream.indirect.scatter.add.f32 [tilespmem:s26], [sflag:$0x4], $0x1, s9, s23, $0xb8;
	[tilespmem:$0x1B580] =	vst v63  }
0x2ca: {  	_ =	swait.ge [sflag:s19], $0x50  }
0x2cb: {  	[sflag:s19] =	ssyncset.done $0x0  }
0x2cc: {  	[sflag:s19] =	ssyncadd.s32 $0xFFFFFFB0  }
0x2cd: {  	_ =	swait.ge [sflag:s28], $0x2800  }
0x2ce: {  	[sflag:s28] =	ssyncset.done $0x0  }
0x2cf: {  	s1 =	rddreg [dreg:$0x17];
	[sflag:s28] =	ssyncadd.s32 $0xFFFFD800  }
0x2d0: {  	[tilespmem:s18], [sflag:$0x1] =	stream.indirect.gather [hbm4b:s0+s23], $0x80, s1, s23, $0xb8;
	[tilespmem:$0x1B580] =	vst v63  }
0x2d1: {  	_ =	swait.ge [sflag:s29], $0x2800  }
0x2d2: {  	[sflag:s29] =	ssyncset.done $0x0  }
0x2d3: {  	s9 =	simm.s32 $0x15B00;
	[sflag:s29] =	ssyncadd.s32 $0xFFFFD800  }
0x2d4: {  	[spmem:s3] =	stream.indirect.scatter.add.f32 [tilespmem:s24], [sflag:$0x3], $0x80, s9, s23, $0xb8;
	[tilespmem:$0x1B580] =	vst v63  }
0x2d5: {  	_ = 	snop  }
0x2d6: {  	[spmem:s4] =	stream.indirect.scatter.add.f32 [tilespmem:s26], [sflag:$0x4], $0x1, s9, s23, $0xb8;
	[tilespmem:$0x1B580] =	vst v63  }
0x2d7: {  	_ =	swait.ge [sflag:s19], $0x50  }
0x2d8: {  	[sflag:s19] =	ssyncset.done $0x0  }
0x2d9: {  	[sflag:s19] =	ssyncadd.s32 $0xFFFFFFB0  }
0x2da: {  	_ =	swait.ge [sflag:s28], $0x2800  }
0x2db: {  	[sflag:s28] =	ssyncset.done $0x0  }
0x2dc: {  	s1 =	rddreg [dreg:$0x18];
	[sflag:s28] =	ssyncadd.s32 $0xFFFFD800  }
0x2dd: {  	[tilespmem:s24], [sflag:$0x2] =	stream.indirect.gather [hbm4b:s0+s23], $0x80, s1, s23, $0xb8;
	[tilespmem:$0x1B580] =	vst v63  }
0x2de: {  	_ =	swait.ge [sflag:s25], $0x2800  }
0x2df: {  	[sflag:s25] =	ssyncset.done $0x0  }
0x2e0: {  	s9 =	simm.s32 $0x15B80;
	[sflag:s25] =	ssyncadd.s32 $0xFFFFD800  }
0x2e1: {  	[spmem:s3] =	stream.indirect.scatter.add.f32 [tilespmem:s18], [sflag:$0x3], $0x80, s9, s23, $0xb8;
	[tilespmem:$0x1B580] =	vst v63  }
0x2e2: {  	_ = 	snop  }
0x2e3: {  	[spmem:s4] =	stream.indirect.scatter.add.f32 [tilespmem:s26], [sflag:$0x4], $0x1, s9, s23, $0xb8;
	[tilespmem:$0x1B580] =	vst v63  }
0x2e4: {  	_ =	swait.ge [sflag:s19], $0x50  }
0x2e5: {  	[sflag:s19] =	ssyncset.done $0x0  }
0x2e6: {  	[sflag:s19] =	ssyncadd.s32 $0xFFFFFFB0  }
0x2e7: {  	_ =	swait.ge [sflag:s28], $0x2800  }
0x2e8: {  	[sflag:s28] =	ssyncset.done $0x0  }
0x2e9: {  	s1 =	rddreg [dreg:$0x19];
	[sflag:s28] =	ssyncadd.s32 $0xFFFFD800  }
0x2ea: {  	[tilespmem:s18], [sflag:$0x1] =	stream.indirect.gather [hbm4b:s0+s23], $0x80, s1, s23, $0xb8;
	[tilespmem:$0x1B580] =	vst v63  }
0x2eb: {  	_ =	swait.ge [sflag:s29], $0x2800  }
0x2ec: {  	[sflag:s29] =	ssyncset.done $0x0  }
0x2ed: {  	s9 =	simm.s32 $0x15C00;
	[sflag:s29] =	ssyncadd.s32 $0xFFFFD800  }
0x2ee: {  	[spmem:s3] =	stream.indirect.scatter.add.f32 [tilespmem:s24], [sflag:$0x3], $0x80, s9, s23, $0xb8;
	[tilespmem:$0x1B580] =	vst v63  }
0x2ef: {  	_ = 	snop  }
0x2f0: {  	[spmem:s4] =	stream.indirect.scatter.add.f32 [tilespmem:s26], [sflag:$0x4], $0x1, s9, s23, $0xb8;
	[tilespmem:$0x1B580] =	vst v63  }
0x2f1: {  	_ =	swait.ge [sflag:s19], $0x50  }
0x2f2: {  	[sflag:s19] =	ssyncset.done $0x0  }
0x2f3: {  	[sflag:s19] =	ssyncadd.s32 $0xFFFFFFB0  }
0x2f4: {  	_ =	swait.ge [sflag:s28], $0x2800  }
0x2f5: {  	[sflag:s28] =	ssyncset.done $0x0  }
0x2f6: {  	s1 =	rddreg [dreg:$0x1a];
	[sflag:s28] =	ssyncadd.s32 $0xFFFFD800  }
0x2f7: {  	[tilespmem:s24], [sflag:$0x2] =	stream.indirect.gather [hbm4b:s0+s23], $0x80, s1, s23, $0xb8;
	[tilespmem:$0x1B580] =	vst v63  }
0x2f8: {  	_ =	swait.ge [sflag:s25], $0x2800  }
0x2f9: {  	[sflag:s25] =	ssyncset.done $0x0  }
0x2fa: {  	s9 =	simm.s32 $0x15C80;
	[sflag:s25] =	ssyncadd.s32 $0xFFFFD800  }
0x2fb: {  	[spmem:s3] =	stream.indirect.scatter.add.f32 [tilespmem:s18], [sflag:$0x3], $0x80, s9, s23, $0xb8;
	[tilespmem:$0x1B580] =	vst v63  }
0x2fc: {  	_ = 	snop  }
0x2fd: {  	[spmem:s4] =	stream.indirect.scatter.add.f32 [tilespmem:s26], [sflag:$0x4], $0x1, s9, s23, $0xb8;
	[tilespmem:$0x1B580] =	vst v63  }
0x2fe: {  	_ =	swait.ge [sflag:s19], $0x50  }
0x2ff: {  	[sflag:s19] =	ssyncset.done $0x0  }
0x300: {  	[sflag:s19] =	ssyncadd.s32 $0xFFFFFFB0  }
0x301: {  	_ =	swait.ge [sflag:s28], $0x2800  }
0x302: {  	[sflag:s28] =	ssyncset.done $0x0  }
0x303: {  	s1 =	rddreg [dreg:$0x1b];
	[sflag:s28] =	ssyncadd.s32 $0xFFFFD800  }
0x304: {  	[tilespmem:s18], [sflag:$0x1] =	stream.indirect.gather [hbm4b:s0+s23], $0x80, s1, s23, $0xb8;
	[tilespmem:$0x1B580] =	vst v63  }
0x305: {  	_ =	swait.ge [sflag:s29], $0x2800  }
0x306: {  	[sflag:s29] =	ssyncset.done $0x0  }
0x307: {  	s9 =	simm.s32 $0x15D00;
	[sflag:s29] =	ssyncadd.s32 $0xFFFFD800  }
0x308: {  	[spmem:s3] =	stream.indirect.scatter.add.f32 [tilespmem:s24], [sflag:$0x3], $0x80, s9, s23, $0xb8;
	[tilespmem:$0x1B580] =	vst v63  }
0x309: {  	_ = 	snop  }
0x30a: {  	[spmem:s4] =	stream.indirect.scatter.add.f32 [tilespmem:s26], [sflag:$0x4], $0x1, s9, s23, $0xb8;
	[tilespmem:$0x1B580] =	vst v63  }
0x30b: {  	_ =	swait.ge [sflag:s19], $0x50  }
0x30c: {  	[sflag:s19] =	ssyncset.done $0x0  }
0x30d: {  	[sflag:s19] =	ssyncadd.s32 $0xFFFFFFB0  }
0x30e: {  	_ =	swait.ge [sflag:s28], $0x2800  }
0x30f: {  	[sflag:s28] =	ssyncset.done $0x0  }
0x310: {  	s1 =	rddreg [dreg:$0x1c];
	[sflag:s28] =	ssyncadd.s32 $0xFFFFD800  }
0x311: {  	[tilespmem:s24], [sflag:$0x2] =	stream.indirect.gather [hbm4b:s0+s23], $0x80, s1, s23, $0xb8;
	[tilespmem:$0x1B580] =	vst v63  }
0x312: {  	_ =	swait.ge [sflag:s25], $0x2800  }
0x313: {  	[sflag:s25] =	ssyncset.done $0x0  }
0x314: {  	s9 =	simm.s32 $0x15D80;
	[sflag:s25] =	ssyncadd.s32 $0xFFFFD800  }
0x315: {  	[spmem:s3] =	stream.indirect.scatter.add.f32 [tilespmem:s18], [sflag:$0x3], $0x80, s9, s23, $0xb8;
	[tilespmem:$0x1B580] =	vst v63  }
0x316: {  	_ = 	snop  }
0x317: {  	[spmem:s4] =	stream.indirect.scatter.add.f32 [tilespmem:s26], [sflag:$0x4], $0x1, s9, s23, $0xb8;
	[tilespmem:$0x1B580] =	vst v63  }
0x318: {  	_ =	swait.ge [sflag:s19], $0x50  }
0x319: {  	[sflag:s19] =	ssyncset.done $0x0  }
0x31a: {  	[sflag:s19] =	ssyncadd.s32 $0xFFFFFFB0  }
0x31b: {  	_ =	swait.ge [sflag:s28], $0x2800  }
0x31c: {  	[sflag:s28] =	ssyncset.done $0x0  }
0x31d: {  	s1 =	rddreg [dreg:$0x1d];
	[sflag:s28] =	ssyncadd.s32 $0xFFFFD800  }
0x31e: {  	[tilespmem:s18], [sflag:$0x1] =	stream.indirect.gather [hbm4b:s0+s23], $0x80, s1, s23, $0xb8;
	[tilespmem:$0x1B580] =	vst v63  }
0x31f: {  	_ =	swait.ge [sflag:s29], $0x2800  }
0x320: {  	[sflag:s29] =	ssyncset.done $0x0  }
0x321: {  	s9 =	simm.s32 $0x15E00;
	[sflag:s29] =	ssyncadd.s32 $0xFFFFD800  }
0x322: {  	[spmem:s3] =	stream.indirect.scatter.add.f32 [tilespmem:s24], [sflag:$0x3], $0x80, s9, s23, $0xb8;
	[tilespmem:$0x1B580] =	vst v63  }
0x323: {  	_ = 	snop  }
0x324: {  	[spmem:s4] =	stream.indirect.scatter.add.f32 [tilespmem:s26], [sflag:$0x4], $0x1, s9, s23, $0xb8;
	[tilespmem:$0x1B580] =	vst v63  }
0x325: {  	_ =	swait.ge [sflag:s19], $0x50  }
0x326: {  	[sflag:s19] =	ssyncset.done $0x0  }
0x327: {  	[sflag:s19] =	ssyncadd.s32 $0xFFFFFFB0  }
0x328: {  	_ =	swait.ge [sflag:s28], $0x2800  }
0x329: {  	[sflag:s28] =	ssyncset.done $0x0  }
0x32a: {  	[sflag:s28] =	ssyncadd.s32 $0xFFFFD800  }
0x32b: {  	_ =	swait.ge [sflag:s25], $0x2800  }
0x32c: {  	[sflag:s25] =	ssyncset.done $0x0  }
0x32d: {  	s9 =	simm.s32 $0x15E80;
	[sflag:s25] =	ssyncadd.s32 $0xFFFFD800  }
0x32e: {  	[spmem:s3] =	stream.indirect.scatter.add.f32 [tilespmem:s18], [sflag:$0x3], $0x80, s9, s23, $0xb8;
	[tilespmem:$0x1B580] =	vst v63  }
0x32f: {  	p0 =	sne.s32 s8, $0x1000  }
0x330: {  	[spmem:s4] =	stream.indirect.scatter.add.f32 [tilespmem:s26], [sflag:$0x4], $0x1, s9, s23, $0xb8;
	[tilespmem:$0x1B580] =	vst v63  }
.Ltmp1:
0x331: {  	_ =	swait.ge [sflag:s19], $0x50;
	(pc) =	sbr.rel @p0 .LBB2_4-.Ltmp1, $4  }
0x332: {  	[sflag:s19] =	ssyncset.done $0x0  }
0x333: {  	[sflag:s19] =	ssyncadd.s32 $0xFFFFFFB0  }
0x334: {  	_ =	swait.ge [sflag:s28], $0x2800  }
0x335: {  	s8 =	sadd.s32 $0x400, s8;
	s9 =	rddreg [dreg:$0x5];
	[sflag:s28] =	ssyncset.done $0x0  }
0x336: {  	[sflag:s28] =	ssyncadd.s32 $0xFFFFD800;
	s7 =	sadd.s32 s7, s9;
	s1 =	simm.s32 $0x14280  }
0x337: {  	[tilespmem:s1], [sflag:$0x4] =	stream.linear.gather [hbm4b:s7+s10], $0xC80, $0x38;
	[tilespmem:$0x1B580] =	vst v63  }
0x338: {  	_ =	swait.ge [sflag:s19], $0xC80  }
0x339: {  	[sflag:s19] =	ssyncset.done $0x0  }
0x33a: {  	s7 =	sadd.s32 $0x200, s7;
	[sflag:s19] =	ssyncadd.s32 $0xFFFFF380  }
0x33b: {  	[tilespmem:s22], [sflag:$0x4] =	stream.linear.gather [hbm4b:s7+s10], $0xC80, $0x38;
	[tilespmem:$0x1B580] =	vst v63  }
0x33c: {  	_ =	swait.ge [sflag:s19], $0xC80  }
0x33d: {  	[sflag:s19] =	ssyncset.done $0x0  }
0x33e: {  	[sflag:s19] =	ssyncadd.s32 $0xFFFFF380  }
0x33f: {  	[tilespmem:s18], [sflag:$0x1] =	stream.indirect.gather [hbm4b:s0+s23], $0x80, s1, s23, $0xb8;
	[tilespmem:$0x1B580] =	vst v63  }
0x340: {  	s9 =	rddreg [dreg:$0x6]  }
0x341: {  	[tilespmem:s24], [sflag:$0x2] =	stream.indirect.gather [hbm4b:s0+s23], $0x80, s9, s23, $0xb8;
	[tilespmem:$0x1B580] =	vst v63  }
0x342: {  	_ =	swait.ge [sflag:s25], $0x2800  }
0x343: {  	[sflag:s25] =	ssyncset.done $0x0  }
0x344: {  	[sflag:s25] =	ssyncadd.s32 $0xFFFFD800  }
0x345: {  	[spmem:s3] =	stream.indirect.scatter.add.f32 [tilespmem:s18], [sflag:$0x3], $0x80, s22, s23, $0xb8;
	[tilespmem:$0x1B580] =	vst v63  }
0x346: {  	_ = 	snop  }
0x347: {  	[spmem:s4] =	stream.indirect.scatter.add.f32 [tilespmem:s26], [sflag:$0x4], $0x1, s22, s23, $0xb8;
	[tilespmem:$0x1B580] =	vst v63  }
0x348: {  	_ =	swait.ge [sflag:s19], $0x50  }
0x349: {  	[sflag:s19] =	ssyncset.done $0x0  }
0x34a: {  	[sflag:s19] =	ssyncadd.s32 $0xFFFFFFB0  }
0x34b: {  	_ =	swait.ge [sflag:s28], $0x2800  }
0x34c: {  	[sflag:s28] =	ssyncset.done $0x0  }
0x34d: {  	s1 =	rddreg [dreg:$0x7];
	[sflag:s28] =	ssyncadd.s32 $0xFFFFD800  }
0x34e: {  	[tilespmem:s18], [sflag:$0x1] =	stream.indirect.gather [hbm4b:s0+s23], $0x80, s1, s23, $0xb8;
	[tilespmem:$0x1B580] =	vst v63  }
0x34f: {  	_ =	swait.ge [sflag:s29], $0x2800  }
0x350: {  	[sflag:s29] =	ssyncset.done $0x0  }
0x351: {  	[sflag:s29] =	ssyncadd.s32 $0xFFFFD800  }
0x352: {  	[spmem:s3] =	stream.indirect.scatter.add.f32 [tilespmem:s24], [sflag:$0x3], $0x80, s12, s23, $0xb8;
	[tilespmem:$0x1B580] =	vst v63  }
0x353: {  	_ = 	snop  }
0x354: {  	[spmem:s4] =	stream.indirect.scatter.add.f32 [tilespmem:s26], [sflag:$0x4], $0x1, s12, s23, $0xb8;
	[tilespmem:$0x1B580] =	vst v63  }
0x355: {  	_ =	swait.ge [sflag:s19], $0x50  }
0x356: {  	[sflag:s19] =	ssyncset.done $0x0  }
0x357: {  	[sflag:s19] =	ssyncadd.s32 $0xFFFFFFB0  }
0x358: {  	_ =	swait.ge [sflag:s28], $0x2800  }
0x359: {  	[sflag:s28] =	ssyncset.done $0x0  }
0x35a: {  	s8 =	rddreg [dreg:$0x8];
	[sflag:s28] =	ssyncadd.s32 $0xFFFFD800  }
0x35b: {  	[tilespmem:s24], [sflag:$0x2] =	stream.indirect.gather [hbm4b:s0+s23], $0x80, s8, s23, $0xb8;
	[tilespmem:$0x1B580] =	vst v63  }
0x35c: {  	_ =	swait.ge [sflag:s25], $0x2800  }
0x35d: {  	[sflag:s25] =	ssyncset.done $0x0  }
0x35e: {  	[sflag:s25] =	ssyncadd.s32 $0xFFFFD800  }
0x35f: {  	[spmem:s3] =	stream.indirect.scatter.add.f32 [tilespmem:s18], [sflag:$0x3], $0x80, s13, s23, $0xb8;
	[tilespmem:$0x1B580] =	vst v63  }
0x360: {  	_ = 	snop  }
0x361: {  	[spmem:s4] =	stream.indirect.scatter.add.f32 [tilespmem:s26], [sflag:$0x4], $0x1, s13, s23, $0xb8;
	[tilespmem:$0x1B580] =	vst v63  }
0x362: {  	_ =	swait.ge [sflag:s19], $0x50  }
0x363: {  	[sflag:s19] =	ssyncset.done $0x0  }
0x364: {  	[sflag:s19] =	ssyncadd.s32 $0xFFFFFFB0  }
0x365: {  	_ =	swait.ge [sflag:s28], $0x2800  }
0x366: {  	[sflag:s28] =	ssyncset.done $0x0  }
0x367: {  	s9 =	rddreg [dreg:$0x9];
	[sflag:s28] =	ssyncadd.s32 $0xFFFFD800  }
0x368: {  	[tilespmem:s18], [sflag:$0x1] =	stream.indirect.gather [hbm4b:s0+s23], $0x80, s9, s23, $0xb8;
	[tilespmem:$0x1B580] =	vst v63  }
0x369: {  	_ =	swait.ge [sflag:s29], $0x2800  }
0x36a: {  	[sflag:s29] =	ssyncset.done $0x0  }
0x36b: {  	[sflag:s29] =	ssyncadd.s32 $0xFFFFD800  }
0x36c: {  	[spmem:s3] =	stream.indirect.scatter.add.f32 [tilespmem:s24], [sflag:$0x3], $0x80, s15, s23, $0xb8;
	[tilespmem:$0x1B580] =	vst v63  }
0x36d: {  	_ = 	snop  }
0x36e: {  	[spmem:s4] =	stream.indirect.scatter.add.f32 [tilespmem:s26], [sflag:$0x4], $0x1, s15, s23, $0xb8;
	[tilespmem:$0x1B580] =	vst v63  }
0x36f: {  	_ =	swait.ge [sflag:s19], $0x50  }
0x370: {  	[sflag:s19] =	ssyncset.done $0x0  }
0x371: {  	[sflag:s19] =	ssyncadd.s32 $0xFFFFFFB0  }
0x372: {  	_ =	swait.ge [sflag:s28], $0x2800  }
0x373: {  	[sflag:s28] =	ssyncset.done $0x0  }
0x374: {  	s1 =	rddreg [dreg:$0xa];
	[sflag:s28] =	ssyncadd.s32 $0xFFFFD800  }
0x375: {  	[tilespmem:s24], [sflag:$0x2] =	stream.indirect.gather [hbm4b:s0+s23], $0x80, s1, s23, $0xb8;
	[tilespmem:$0x1B580] =	vst v63  }
0x376: {  	_ =	swait.ge [sflag:s25], $0x2800  }
0x377: {  	[sflag:s25] =	ssyncset.done $0x0  }
0x378: {  	[sflag:s25] =	ssyncadd.s32 $0xFFFFD800  }
0x379: {  	[spmem:s3] =	stream.indirect.scatter.add.f32 [tilespmem:s18], [sflag:$0x3], $0x80, s16, s23, $0xb8;
	[tilespmem:$0x1B580] =	vst v63  }
0x37a: {  	_ = 	snop  }
0x37b: {  	[spmem:s4] =	stream.indirect.scatter.add.f32 [tilespmem:s26], [sflag:$0x4], $0x1, s16, s23, $0xb8;
	[tilespmem:$0x1B580] =	vst v63  }
0x37c: {  	_ =	swait.ge [sflag:s19], $0x50  }
0x37d: {  	[sflag:s19] =	ssyncset.done $0x0  }
0x37e: {  	[sflag:s19] =	ssyncadd.s32 $0xFFFFFFB0  }
0x37f: {  	_ =	swait.ge [sflag:s28], $0x2800  }
0x380: {  	[sflag:s28] =	ssyncset.done $0x0  }
0x381: {  	s8 =	rddreg [dreg:$0xb];
	[sflag:s28] =	ssyncadd.s32 $0xFFFFD800  }
0x382: {  	[tilespmem:s18], [sflag:$0x1] =	stream.indirect.gather [hbm4b:s0+s23], $0x80, s8, s23, $0xb8;
	[tilespmem:$0x1B580] =	vst v63  }
0x383: {  	_ =	swait.ge [sflag:s29], $0x2800  }
0x384: {  	[sflag:s29] =	ssyncset.done $0x0  }
0x385: {  	[sflag:s29] =	ssyncadd.s32 $0xFFFFD800  }
0x386: {  	[spmem:s3] =	stream.indirect.scatter.add.f32 [tilespmem:s24], [sflag:$0x3], $0x80, s17, s23, $0xb8;
	[tilespmem:$0x1B580] =	vst v63  }
0x387: {  	_ = 	snop  }
0x388: {  	[spmem:s4] =	stream.indirect.scatter.add.f32 [tilespmem:s26], [sflag:$0x4], $0x1, s17, s23, $0xb8;
	[tilespmem:$0x1B580] =	vst v63  }
0x389: {  	_ =	swait.ge [sflag:s19], $0x50  }
0x38a: {  	[sflag:s19] =	ssyncset.done $0x0  }
0x38b: {  	[sflag:s19] =	ssyncadd.s32 $0xFFFFFFB0  }
0x38c: {  	_ =	swait.ge [sflag:s28], $0x2800  }
0x38d: {  	[sflag:s28] =	ssyncset.done $0x0  }
0x38e: {  	s9 =	rddreg [dreg:$0xc];
	[sflag:s28] =	ssyncadd.s32 $0xFFFFD800  }
0x38f: {  	[tilespmem:s24], [sflag:$0x2] =	stream.indirect.gather [hbm4b:s0+s23], $0x80, s9, s23, $0xb8;
	[tilespmem:$0x1B580] =	vst v63  }
0x390: {  	_ =	swait.ge [sflag:s25], $0x2800  }
0x391: {  	[sflag:s25] =	ssyncset.done $0x0  }
0x392: {  	[sflag:s25] =	ssyncadd.s32 $0xFFFFD800  }
0x393: {  	[spmem:s3] =	stream.indirect.scatter.add.f32 [tilespmem:s18], [sflag:$0x3], $0x80, s14, s23, $0xb8;
	[tilespmem:$0x1B580] =	vst v63  }
0x394: {  	_ = 	snop  }
0x395: {  	[spmem:s4] =	stream.indirect.scatter.add.f32 [tilespmem:s26], [sflag:$0x4], $0x1, s14, s23, $0xb8;
	[tilespmem:$0x1B580] =	vst v63  }
0x396: {  	_ =	swait.ge [sflag:s19], $0x50  }
0x397: {  	[sflag:s19] =	ssyncset.done $0x0  }
0x398: {  	[sflag:s19] =	ssyncadd.s32 $0xFFFFFFB0  }
0x399: {  	_ =	swait.ge [sflag:s28], $0x2800  }
0x39a: {  	[sflag:s28] =	ssyncset.done $0x0  }
0x39b: {  	s1 =	rddreg [dreg:$0xd];
	[sflag:s28] =	ssyncadd.s32 $0xFFFFD800  }
0x39c: {  	[tilespmem:s18], [sflag:$0x1] =	stream.indirect.gather [hbm4b:s0+s23], $0x80, s1, s23, $0xb8;
	[tilespmem:$0x1B580] =	vst v63  }
0x39d: {  	_ =	swait.ge [sflag:s29], $0x2800  }
0x39e: {  	[sflag:s29] =	ssyncset.done $0x0  }
0x39f: {  	[sflag:s29] =	ssyncadd.s32 $0xFFFFD800  }
0x3a0: {  	[spmem:s3] =	stream.indirect.scatter.add.f32 [tilespmem:s24], [sflag:$0x3], $0x80, s6, s23, $0xb8;
	[tilespmem:$0x1B580] =	vst v63  }
0x3a1: {  	_ = 	snop  }
0x3a2: {  	[spmem:s4] =	stream.indirect.scatter.add.f32 [tilespmem:s26], [sflag:$0x4], $0x1, s6, s23, $0xb8;
	[tilespmem:$0x1B580] =	vst v63  }
0x3a3: {  	_ =	swait.ge [sflag:s19], $0x50  }
0x3a4: {  	[sflag:s19] =	ssyncset.done $0x0  }
0x3a5: {  	[sflag:s19] =	ssyncadd.s32 $0xFFFFFFB0  }
0x3a6: {  	_ =	swait.ge [sflag:s28], $0x2800  }
0x3a7: {  	[sflag:s28] =	ssyncset.done $0x0  }
0x3a8: {  	s8 =	rddreg [dreg:$0xe];
	[sflag:s28] =	ssyncadd.s32 $0xFFFFD800  }
0x3a9: {  	[tilespmem:s24], [sflag:$0x2] =	stream.indirect.gather [hbm4b:s0+s23], $0x80, s8, s23, $0xb8;
	[tilespmem:$0x1B580] =	vst v63  }
0x3aa: {  	_ =	swait.ge [sflag:s25], $0x2800  }
0x3ab: {  	[sflag:s25] =	ssyncset.done $0x0  }
0x3ac: {  	[sflag:s25] =	ssyncadd.s32 $0xFFFFD800  }
0x3ad: {  	[spmem:s3] =	stream.indirect.scatter.add.f32 [tilespmem:s18], [sflag:$0x3], $0x80, s5, s23, $0xb8;
	[tilespmem:$0x1B580] =	vst v63  }
0x3ae: {  	_ = 	snop  }
0x3af: {  	[spmem:s4] =	stream.indirect.scatter.add.f32 [tilespmem:s26], [sflag:$0x4], $0x1, s5, s23, $0xb8;
	[tilespmem:$0x1B580] =	vst v63  }
0x3b0: {  	_ =	swait.ge [sflag:s19], $0x50  }
0x3b1: {  	[sflag:s19] =	ssyncset.done $0x0  }
0x3b2: {  	[sflag:s19] =	ssyncadd.s32 $0xFFFFFFB0  }
0x3b3: {  	_ =	swait.ge [sflag:s28], $0x2800  }
0x3b4: {  	[sflag:s28] =	ssyncset.done $0x0  }
0x3b5: {  	s9 =	rddreg [dreg:$0xf];
	[sflag:s28] =	ssyncadd.s32 $0xFFFFD800  }
0x3b6: {  	[tilespmem:s18], [sflag:$0x1] =	stream.indirect.gather [hbm4b:s0+s23], $0x80, s9, s23, $0xb8;
	[tilespmem:$0x1B580] =	vst v63  }
0x3b7: {  	_ =	swait.ge [sflag:s29], $0x2800  }
0x3b8: {  	[sflag:s29] =	ssyncset.done $0x0  }
0x3b9: {  	[sflag:s29] =	ssyncadd.s32 $0xFFFFD800  }
0x3ba: {  	[spmem:s3] =	stream.indirect.scatter.add.f32 [tilespmem:s24], [sflag:$0x3], $0x80, s21, s23, $0xb8;
	[tilespmem:$0x1B580] =	vst v63  }
0x3bb: {  	_ = 	snop  }
0x3bc: {  	[spmem:s4] =	stream.indirect.scatter.add.f32 [tilespmem:s26], [sflag:$0x4], $0x1, s21, s23, $0xb8;
	[tilespmem:$0x1B580] =	vst v63  }
0x3bd: {  	_ =	swait.ge [sflag:s19], $0x50  }
0x3be: {  	[sflag:s19] =	ssyncset.done $0x0  }
0x3bf: {  	[sflag:s19] =	ssyncadd.s32 $0xFFFFFFB0  }
0x3c0: {  	_ =	swait.ge [sflag:s28], $0x2800  }
0x3c1: {  	[sflag:s28] =	ssyncset.done $0x0  }
0x3c2: {  	s1 =	rddreg [dreg:$0x10];
	[sflag:s28] =	ssyncadd.s32 $0xFFFFD800  }
0x3c3: {  	[tilespmem:s24], [sflag:$0x2] =	stream.indirect.gather [hbm4b:s0+s23], $0x80, s1, s23, $0xb8;
	[tilespmem:$0x1B580] =	vst v63  }
0x3c4: {  	_ =	swait.ge [sflag:s25], $0x2800  }
0x3c5: {  	[sflag:s25] =	ssyncset.done $0x0  }
0x3c6: {  	[sflag:s25] =	ssyncadd.s32 $0xFFFFD800  }
0x3c7: {  	[spmem:s3] =	stream.indirect.scatter.add.f32 [tilespmem:s18], [sflag:$0x3], $0x80, s30, s23, $0xb8;
	[tilespmem:$0x1B580] =	vst v63  }
0x3c8: {  	_ = 	snop  }
0x3c9: {  	[spmem:s4] =	stream.indirect.scatter.add.f32 [tilespmem:s26], [sflag:$0x4], $0x1, s30, s23, $0xb8;
	[tilespmem:$0x1B580] =	vst v63  }
0x3ca: {  	_ =	swait.ge [sflag:s19], $0x50  }
0x3cb: {  	[sflag:s19] =	ssyncset.done $0x0  }
0x3cc: {  	[sflag:s19] =	ssyncadd.s32 $0xFFFFFFB0  }
0x3cd: {  	_ =	swait.ge [sflag:s28], $0x2800  }
0x3ce: {  	[sflag:s28] =	ssyncset.done $0x0  }
0x3cf: {  	s8 =	rddreg [dreg:$0x11];
	[sflag:s28] =	ssyncadd.s32 $0xFFFFD800  }
0x3d0: {  	[tilespmem:s18], [sflag:$0x1] =	stream.indirect.gather [hbm4b:s0+s23], $0x80, s8, s23, $0xb8;
	[tilespmem:$0x1B580] =	vst v63  }
0x3d1: {  	_ =	swait.ge [sflag:s29], $0x2800  }
0x3d2: {  	[sflag:s29] =	ssyncset.done $0x0  }
0x3d3: {  	[sflag:s29] =	ssyncadd.s32 $0xFFFFD800  }
0x3d4: {  	[spmem:s3] =	stream.indirect.scatter.add.f32 [tilespmem:s24], [sflag:$0x3], $0x80, s31, s23, $0xb8;
	[tilespmem:$0x1B580] =	vst v63  }
0x3d5: {  	_ = 	snop  }
0x3d6: {  	[spmem:s4] =	stream.indirect.scatter.add.f32 [tilespmem:s26], [sflag:$0x4], $0x1, s31, s23, $0xb8;
	[tilespmem:$0x1B580] =	vst v63  }
0x3d7: {  	_ =	swait.ge [sflag:s19], $0x50  }
0x3d8: {  	[sflag:s19] =	ssyncset.done $0x0  }
0x3d9: {  	[sflag:s19] =	ssyncadd.s32 $0xFFFFFFB0  }
0x3da: {  	_ =	swait.ge [sflag:s28], $0x2800  }
0x3db: {  	[sflag:s28] =	ssyncset.done $0x0  }
0x3dc: {  	s9 =	rddreg [dreg:$0x12];
	[sflag:s28] =	ssyncadd.s32 $0xFFFFD800  }
0x3dd: {  	[tilespmem:s24], [sflag:$0x2] =	stream.indirect.gather [hbm4b:s0+s23], $0x80, s9, s23, $0xb8;
	[tilespmem:$0x1B580] =	vst v63  }
0x3de: {  	_ =	swait.ge [sflag:s25], $0x2800  }
0x3df: {  	[sflag:s25] =	ssyncset.done $0x0  }
0x3e0: {  	[sflag:s25] =	ssyncadd.s32 $0xFFFFD800  }
0x3e1: {  	[spmem:s3] =	stream.indirect.scatter.add.f32 [tilespmem:s18], [sflag:$0x3], $0x80, s2, s23, $0xb8;
	[tilespmem:$0x1B580] =	vst v63  }
0x3e2: {  	_ = 	snop  }
0x3e3: {  	[spmem:s4] =	stream.indirect.scatter.add.f32 [tilespmem:s26], [sflag:$0x4], $0x1, s2, s23, $0xb8;
	[tilespmem:$0x1B580] =	vst v63  }
0x3e4: {  	_ =	swait.ge [sflag:s19], $0x50  }
0x3e5: {  	[sflag:s19] =	ssyncset.done $0x0  }
0x3e6: {  	[sflag:s19] =	ssyncadd.s32 $0xFFFFFFB0  }
0x3e7: {  	_ =	swait.ge [sflag:s28], $0x2800  }
0x3e8: {  	[sflag:s28] =	ssyncset.done $0x0  }
0x3e9: {  	s1 =	rddreg [dreg:$0x13];
	[sflag:s28] =	ssyncadd.s32 $0xFFFFD800  }
0x3ea: {  	[tilespmem:s18], [sflag:$0x1] =	stream.indirect.gather [hbm4b:s0+s23], $0x80, s1, s23, $0xb8;
	[tilespmem:$0x1B580] =	vst v63  }
0x3eb: {  	_ =	swait.ge [sflag:s29], $0x2800  }
0x3ec: {  	[sflag:s29] =	ssyncset.done $0x0  }
0x3ed: {  	[sflag:s29] =	ssyncadd.s32 $0xFFFFD800  }
0x3ee: {  	[spmem:s3] =	stream.indirect.scatter.add.f32 [tilespmem:s24], [sflag:$0x3], $0x80, s20, s23, $0xb8;
	[tilespmem:$0x1B580] =	vst v63  }
0x3ef: {  	_ = 	snop  }
0x3f0: {  	[spmem:s4] =	stream.indirect.scatter.add.f32 [tilespmem:s26], [sflag:$0x4], $0x1, s20, s23, $0xb8;
	[tilespmem:$0x1B580] =	vst v63  }
0x3f1: {  	_ =	swait.ge [sflag:s19], $0x50  }
0x3f2: {  	[sflag:s19] =	ssyncset.done $0x0  }
0x3f3: {  	[sflag:s19] =	ssyncadd.s32 $0xFFFFFFB0  }
0x3f4: {  	_ =	swait.ge [sflag:s28], $0x2800  }
0x3f5: {  	[sflag:s28] =	ssyncset.done $0x0  }
0x3f6: {  	s2 =	rddreg [dreg:$0x14];
	[sflag:s28] =	ssyncadd.s32 $0xFFFFD800  }
0x3f7: {  	[tilespmem:s24], [sflag:$0x2] =	stream.indirect.gather [hbm4b:s0+s23], $0x80, s2, s23, $0xb8;
	[tilespmem:$0x1B580] =	vst v63  }
0x3f8: {  	_ =	swait.ge [sflag:s25], $0x2800  }
0x3f9: {  	[sflag:s25] =	ssyncset.done $0x0  }
0x3fa: {  	s7 =	simm.s32 $0x15980;
	[sflag:s25] =	ssyncadd.s32 $0xFFFFD800  }
0x3fb: {  	[spmem:s3] =	stream.indirect.scatter.add.f32 [tilespmem:s18], [sflag:$0x3], $0x80, s7, s23, $0xb8;
	[tilespmem:$0x1B580] =	vst v63  }
0x3fc: {  	_ = 	snop  }
0x3fd: {  	[spmem:s4] =	stream.indirect.scatter.add.f32 [tilespmem:s26], [sflag:$0x4], $0x1, s7, s23, $0xb8;
	[tilespmem:$0x1B580] =	vst v63  }
0x3fe: {  	_ =	swait.ge [sflag:s19], $0x50  }
0x3ff: {  	[sflag:s19] =	ssyncset.done $0x0  }
0x400: {  	[sflag:s19] =	ssyncadd.s32 $0xFFFFFFB0  }
0x401: {  	_ =	swait.ge [sflag:s28], $0x2800  }
0x402: {  	[sflag:s28] =	ssyncset.done $0x0  }
0x403: {  	s8 =	rddreg [dreg:$0x15];
	[sflag:s28] =	ssyncadd.s32 $0xFFFFD800  }
0x404: {  	[tilespmem:s18], [sflag:$0x1] =	stream.indirect.gather [hbm4b:s0+s23], $0x80, s8, s23, $0xb8;
	[tilespmem:$0x1B580] =	vst v63  }
0x405: {  	_ =	swait.ge [sflag:s29], $0x2800  }
0x406: {  	[sflag:s29] =	ssyncset.done $0x0  }
0x407: {  	[sflag:s29] =	ssyncadd.s32 $0xFFFFD800  }
0x408: {  	[spmem:s3] =	stream.indirect.scatter.add.f32 [tilespmem:s24], [sflag:$0x3], $0x80, s11, s23, $0xb8;
	[tilespmem:$0x1B580] =	vst v63  }
0x409: {  	_ = 	snop  }
0x40a: {  	[spmem:s4] =	stream.indirect.scatter.add.f32 [tilespmem:s26], [sflag:$0x4], $0x1, s11, s23, $0xb8;
	[tilespmem:$0x1B580] =	vst v63  }
0x40b: {  	_ =	swait.ge [sflag:s19], $0x50  }
0x40c: {  	[sflag:s19] =	ssyncset.done $0x0  }
0x40d: {  	[sflag:s19] =	ssyncadd.s32 $0xFFFFFFB0  }
0x40e: {  	_ =	swait.ge [sflag:s28], $0x2800  }
0x40f: {  	[sflag:s28] =	ssyncset.done $0x0  }
0x410: {  	s9 =	rddreg [dreg:$0x16];
	[sflag:s28] =	ssyncadd.s32 $0xFFFFD800  }
0x411: {  	[tilespmem:s24], [sflag:$0x2] =	stream.indirect.gather [hbm4b:s0+s23], $0x80, s9, s23, $0xb8;
	[tilespmem:$0x1B580] =	vst v63  }
0x412: {  	_ =	swait.ge [sflag:s25], $0x2800  }
0x413: {  	[sflag:s25] =	ssyncset.done $0x0  }
0x414: {  	s11 =	simm.s32 $0x15A80;
	[sflag:s25] =	ssyncadd.s32 $0xFFFFD800  }
0x415: {  	[spmem:s3] =	stream.indirect.scatter.add.f32 [tilespmem:s18], [sflag:$0x3], $0x80, s11, s23, $0xb8;
	[tilespmem:$0x1B580] =	vst v63  }
0x416: {  	_ = 	snop  }
0x417: {  	[spmem:s4] =	stream.indirect.scatter.add.f32 [tilespmem:s26], [sflag:$0x4], $0x1, s11, s23, $0xb8;
	[tilespmem:$0x1B580] =	vst v63  }
0x418: {  	_ =	swait.ge [sflag:s19], $0x50  }
0x419: {  	[sflag:s19] =	ssyncset.done $0x0  }
0x41a: {  	[sflag:s19] =	ssyncadd.s32 $0xFFFFFFB0  }
0x41b: {  	_ =	swait.ge [sflag:s28], $0x2800  }
0x41c: {  	[sflag:s28] =	ssyncset.done $0x0  }
0x41d: {  	s2 =	rddreg [dreg:$0x17];
	[sflag:s28] =	ssyncadd.s32 $0xFFFFD800  }
0x41e: {  	[tilespmem:s18], [sflag:$0x1] =	stream.indirect.gather [hbm4b:s0+s23], $0x80, s2, s23, $0xb8;
	[tilespmem:$0x1B580] =	vst v63  }
0x41f: {  	_ =	swait.ge [sflag:s29], $0x2800  }
0x420: {  	[sflag:s29] =	ssyncset.done $0x0  }
0x421: {  	s8 =	simm.s32 $0x15B00;
	[sflag:s29] =	ssyncadd.s32 $0xFFFFD800  }
0x422: {  	[spmem:s3] =	stream.indirect.scatter.add.f32 [tilespmem:s24], [sflag:$0x3], $0x80, s8, s23, $0xb8;
	[tilespmem:$0x1B580] =	vst v63  }
0x423: {  	_ = 	snop  }
0x424: {  	[spmem:s4] =	stream.indirect.scatter.add.f32 [tilespmem:s26], [sflag:$0x4], $0x1, s8, s23, $0xb8;
	[tilespmem:$0x1B580] =	vst v63  }
0x425: {  	_ =	swait.ge [sflag:s19], $0x50  }
0x426: {  	[sflag:s19] =	ssyncset.done $0x0  }
0x427: {  	[sflag:s19] =	ssyncadd.s32 $0xFFFFFFB0  }
0x428: {  	_ =	swait.ge [sflag:s28], $0x2800  }
0x429: {  	[sflag:s28] =	ssyncset.done $0x0  }
0x42a: {  	s9 =	rddreg [dreg:$0x18];
	[sflag:s28] =	ssyncadd.s32 $0xFFFFD800  }
0x42b: {  	[tilespmem:s24], [sflag:$0x2] =	stream.indirect.gather [hbm4b:s0+s23], $0x80, s9, s23, $0xb8;
	[tilespmem:$0x1B580] =	vst v63  }
0x42c: {  	_ =	swait.ge [sflag:s25], $0x2800  }
0x42d: {  	[sflag:s25] =	ssyncset.done $0x0  }
0x42e: {  	s11 =	simm.s32 $0x15B80;
	[sflag:s25] =	ssyncadd.s32 $0xFFFFD800  }
0x42f: {  	[spmem:s3] =	stream.indirect.scatter.add.f32 [tilespmem:s18], [sflag:$0x3], $0x80, s11, s23, $0xb8;
	[tilespmem:$0x1B580] =	vst v63  }
0x430: {  	_ = 	snop  }
0x431: {  	[spmem:s4] =	stream.indirect.scatter.add.f32 [tilespmem:s26], [sflag:$0x4], $0x1, s11, s23, $0xb8;
	[tilespmem:$0x1B580] =	vst v63  }
0x432: {  	_ =	swait.ge [sflag:s19], $0x50  }
0x433: {  	[sflag:s19] =	ssyncset.done $0x0  }
0x434: {  	[sflag:s19] =	ssyncadd.s32 $0xFFFFFFB0  }
0x435: {  	_ =	swait.ge [sflag:s28], $0x2800  }
0x436: {  	[sflag:s28] =	ssyncset.done $0x0  }
0x437: {  	s2 =	rddreg [dreg:$0x19];
	[sflag:s28] =	ssyncadd.s32 $0xFFFFD800  }
0x438: {  	[tilespmem:s18], [sflag:$0x1] =	stream.indirect.gather [hbm4b:s0+s23], $0x80, s2, s23, $0xb8;
	[tilespmem:$0x1B580] =	vst v63  }
0x439: {  	_ =	swait.ge [sflag:s29], $0x2800  }
0x43a: {  	[sflag:s29] =	ssyncset.done $0x0  }
0x43b: {  	s8 =	simm.s32 $0x15C00;
	[sflag:s29] =	ssyncadd.s32 $0xFFFFD800  }
0x43c: {  	[spmem:s3] =	stream.indirect.scatter.add.f32 [tilespmem:s24], [sflag:$0x3], $0x80, s8, s23, $0xb8;
	[tilespmem:$0x1B580] =	vst v63  }
0x43d: {  	_ = 	snop  }
0x43e: {  	[spmem:s4] =	stream.indirect.scatter.add.f32 [tilespmem:s26], [sflag:$0x4], $0x1, s8, s23, $0xb8;
	[tilespmem:$0x1B580] =	vst v63  }
0x43f: {  	_ =	swait.ge [sflag:s19], $0x50  }
0x440: {  	[sflag:s19] =	ssyncset.done $0x0  }
0x441: {  	[sflag:s19] =	ssyncadd.s32 $0xFFFFFFB0  }
0x442: {  	_ =	swait.ge [sflag:s28], $0x2800  }
0x443: {  	[sflag:s28] =	ssyncset.done $0x0  }
0x444: {  	s9 =	rddreg [dreg:$0x1a];
	[sflag:s28] =	ssyncadd.s32 $0xFFFFD800  }
0x445: {  	[tilespmem:s24], [sflag:$0x2] =	stream.indirect.gather [hbm4b:s0+s23], $0x80, s9, s23, $0xb8;
	[tilespmem:$0x1B580] =	vst v63  }
0x446: {  	_ =	swait.ge [sflag:s25], $0x2800  }
0x447: {  	[sflag:s25] =	ssyncset.done $0x0  }
0x448: {  	s11 =	simm.s32 $0x15C80;
	[sflag:s25] =	ssyncadd.s32 $0xFFFFD800  }
0x449: {  	[spmem:s3] =	stream.indirect.scatter.add.f32 [tilespmem:s18], [sflag:$0x3], $0x80, s11, s23, $0xb8;
	[tilespmem:$0x1B580] =	vst v63  }
0x44a: {  	_ = 	snop  }
0x44b: {  	[spmem:s4] =	stream.indirect.scatter.add.f32 [tilespmem:s26], [sflag:$0x4], $0x1, s11, s23, $0xb8;
	[tilespmem:$0x1B580] =	vst v63  }
0x44c: {  	_ =	swait.ge [sflag:s19], $0x50  }
0x44d: {  	[sflag:s19] =	ssyncset.done $0x0  }
0x44e: {  	[sflag:s19] =	ssyncadd.s32 $0xFFFFFFB0  }
0x44f: {  	_ =	swait.ge [sflag:s28], $0x2800  }
0x450: {  	[sflag:s28] =	ssyncset.done $0x0  }
0x451: {  	s2 =	rddreg [dreg:$0x1b];
	[sflag:s28] =	ssyncadd.s32 $0xFFFFD800  }
0x452: {  	[tilespmem:s18], [sflag:$0x1] =	stream.indirect.gather [hbm4b:s0+s23], $0x80, s2, s23, $0xb8;
	[tilespmem:$0x1B580] =	vst v63  }
0x453: {  	_ =	swait.ge [sflag:s29], $0x2800  }
0x454: {  	[sflag:s29] =	ssyncset.done $0x0  }
0x455: {  	s8 =	simm.s32 $0x15D00;
	[sflag:s29] =	ssyncadd.s32 $0xFFFFD800  }
0x456: {  	[spmem:s3] =	stream.indirect.scatter.add.f32 [tilespmem:s24], [sflag:$0x3], $0x80, s8, s23, $0xb8;
	[tilespmem:$0x1B580] =	vst v63  }
0x457: {  	_ = 	snop  }
0x458: {  	[spmem:s4] =	stream.indirect.scatter.add.f32 [tilespmem:s26], [sflag:$0x4], $0x1, s8, s23, $0xb8;
	[tilespmem:$0x1B580] =	vst v63  }
0x459: {  	_ =	swait.ge [sflag:s19], $0x50  }
0x45a: {  	[sflag:s19] =	ssyncset.done $0x0  }
0x45b: {  	[sflag:s19] =	ssyncadd.s32 $0xFFFFFFB0  }
0x45c: {  	_ =	swait.ge [sflag:s28], $0x2800  }
0x45d: {  	[sflag:s28] =	ssyncset.done $0x0  }
0x45e: {  	s9 =	rddreg [dreg:$0x1c];
	[sflag:s28] =	ssyncadd.s32 $0xFFFFD800  }
0x45f: {  	[tilespmem:s24], [sflag:$0x2] =	stream.indirect.gather [hbm4b:s0+s23], $0x80, s9, s23, $0xb8;
	[tilespmem:$0x1B580] =	vst v63  }
0x460: {  	_ =	swait.ge [sflag:s25], $0x2800  }
0x461: {  	[sflag:s25] =	ssyncset.done $0x0  }
0x462: {  	s11 =	simm.s32 $0x15D80;
	[sflag:s25] =	ssyncadd.s32 $0xFFFFD800  }
0x463: {  	[spmem:s3] =	stream.indirect.scatter.add.f32 [tilespmem:s18], [sflag:$0x3], $0x80, s11, s23, $0xb8;
	[tilespmem:$0x1B580] =	vst v63  }
0x464: {  	_ = 	snop  }
0x465: {  	[spmem:s4] =	stream.indirect.scatter.add.f32 [tilespmem:s26], [sflag:$0x4], $0x1, s11, s23, $0xb8;
	[tilespmem:$0x1B580] =	vst v63  }
0x466: {  	_ =	swait.ge [sflag:s19], $0x50  }
0x467: {  	[sflag:s19] =	ssyncset.done $0x0  }
0x468: {  	[sflag:s19] =	ssyncadd.s32 $0xFFFFFFB0  }
0x469: {  	_ =	swait.ge [sflag:s28], $0x2800  }
0x46a: {  	[sflag:s28] =	ssyncset.done $0x0  }
0x46b: {  	s2 =	rddreg [dreg:$0x1d];
	[sflag:s28] =	ssyncadd.s32 $0xFFFFD800  }
0x46c: {  	[tilespmem:s18], [sflag:$0x1] =	stream.indirect.gather [hbm4b:s0+s23], $0x80, s2, s23, $0xb8;
	[tilespmem:$0x1B580] =	vst v63  }
0x46d: {  	_ =	swait.ge [sflag:s29], $0x2800  }
0x46e: {  	[sflag:s29] =	ssyncset.done $0x0  }
0x46f: {  	s8 =	simm.s32 $0x15E00;
	[sflag:s29] =	ssyncadd.s32 $0xFFFFD800  }
0x470: {  	[spmem:s3] =	stream.indirect.scatter.add.f32 [tilespmem:s24], [sflag:$0x3], $0x80, s8, s23, $0xb8;
	[tilespmem:$0x1B580] =	vst v63  }
0x471: {  	_ = 	snop  }
0x472: {  	[spmem:s4] =	stream.indirect.scatter.add.f32 [tilespmem:s26], [sflag:$0x4], $0x1, s8, s23, $0xb8;
	[tilespmem:$0x1B580] =	vst v63  }
0x473: {  	_ =	swait.ge [sflag:s19], $0x50  }
0x474: {  	[sflag:s19] =	ssyncset.done $0x0  }
0x475: {  	[sflag:s19] =	ssyncadd.s32 $0xFFFFFFB0  }
0x476: {  	_ =	swait.ge [sflag:s28], $0x2800  }
0x477: {  	[sflag:s28] =	ssyncset.done $0x0  }
0x478: {  	[sflag:s28] =	ssyncadd.s32 $0xFFFFD800  }
0x479: {  	_ =	swait.ge [sflag:s25], $0x2800  }
0x47a: {  	[sflag:s25] =	ssyncset.done $0x0  }
0x47b: {  	s9 =	simm.s32 $0x15E80;
	[sflag:s25] =	ssyncadd.s32 $0xFFFFD800  }
0x47c: {  	[spmem:s3] =	stream.indirect.scatter.add.f32 [tilespmem:s18], [sflag:$0x3], $0x80, s9, s23, $0xb8;
	[tilespmem:$0x1B580] =	vst v63  }
0x47d: {  	_ = 	snop  }
0x47e: {  	[spmem:s4] =	stream.indirect.scatter.add.f32 [tilespmem:s26], [sflag:$0x4], $0x1, s9, s23, $0xb8;
	[tilespmem:$0x1B580] =	vst v63  }
0x47f: {  	_ =	swait.ge [sflag:s19], $0x50  }
0x480: {  	[sflag:s19] =	ssyncset.done $0x0  }
0x481: {  	[sflag:s19] =	ssyncadd.s32 $0xFFFFFFB0  }
0x482: {  	_ =	swait.ge [sflag:s28], $0x2800  }
0x483: {  	[sflag:s28] =	ssyncset.done $0x0  }
0x484: {  	[sflag:s28] =	ssyncadd.s32 $0xFFFFD800  }
0x485: {  	[bflag:$0x0] =	sbarrier.arrive $0xFFFF  }
0x486: {  	s11 =	stileid.u32;
	s1 =	sld [smem:$0x7FB]  }
0x487: {  	s7 =	sshll.u32 s11, $0x6;
	s11 =	rddreg [dreg:$0x1e]  }
0x488: {  	s7 =	sor.u32 $0x1C04, s7;
	s8 =	sshrl.u32 s11, $0x3  }
0x489: {  	[hbm:s1], [sflag:s7] =	dma.local [spmem:s8], $0x2800  }
0x48a: {  	_ =	swait.ge [sflag:s19], $0x2800  }
0x48b: {  	s2 =	sld [smem:$0x7FA]  }
0x48c: {  	s9 =	sld [smem:$0x7FC]  }
0x48d: {  	s1 =	simm.s32 $0x20;
	[sflag:s19] =	ssyncset.done $0x0  }
0x48e: {  	[sflag:s19] =	ssyncadd.s32 $0xFFFFD800;
	s8 =	sshrl.u32 s2, $0x3;
	s2 =	simm.s32 $0x10  }
0x48f: {  	[hbm:s9@s1], [sflag:s7] =	dma.strided [spmem:s8@s2], $0x50, s25, $0x10   }
0x490: {  	_ =	swait.ge [sflag:s19], $0x50  }
0x491: {  	s8 =	sld [smem:$0x7F3]  }
0x492: {  	s9 =	sld [smem:$0x7FD];
	_ =	sdelay $0x1  }
0x493: {  	s1 =	sadd.s32 $0x1, s8  }
0x494: {  	p0 =	sne.s32 s1, s9  }
.Ltmp2:
0x495: {  	_ = 	snop;
	(pc) =	sbr.rel @p0 .LBB2_1-.Ltmp2, $3  }
0x496: {  	_ =	sdelay $0x1  }
0x497: {  	[sflag:s19] =	ssyncset.done $0x0  }
0x498: {  	[sflag:s19] =	ssyncadd.s32 $0xFFFFFFB0  }
0x499: {  	_ =	sfence.sel $0x180000  }
0x49a: {  	[bflag:$0x0] =	sbarrier.arrive $0xFFFF  }
0x49b: {  	_ =	strace $0x90000047  }
0x49c: {  	s0 =	stileid.u32;
	[bflag:$0x2] =	sbarrier.arrive $0xFFFF  }
0x49d: {  	p0 =	sne.s32 s0, $0x0;
	s0 =	rddreg [dreg:$0x4]  }
0x49e: {  	s0 =	sadd.s32 @!p0 $0x100000, s0  }
0x49f: {  	[sflag:s0] =	ssyncadd.tile.s32 @!p0 $0x1;
	_ =	shalt  }
.Lfunc_end2:
_tile_overlayer_lowered:
.L_overlay_start_2:
0x4a0: {  	(tag) =	ssettag $0x2  }
0x4a1: {  	s0 =	rddreg [dreg:$0x0];
	s2 =	stileid.u32  }
0x4a2: {  	s1 =	rddreg [dreg:$0x1];
	p0 =	sne.s32 s2, $0x0  }
0x4a3: {  	s3 =	rddreg [dreg:$0x2];
	[bflag:$0x3] =	sbarrier.arrive $0xFFFF;
	s2 =	simm.s32 @!p0 $0x1C04  }
0x4a4: {  	[timem:s3], [sflag:s2] =	dma.local @!p0 [hbm:s0], s1  }
0x4a5: {  	s0 =	simm.s32 @!p0 $0x4  }
0x4a6: {  	_ =	swait.ge @!p0 [sflag:s0], s1  }
0x4a7: {  	s1 =	ssub.s32 @!p0 $0x0, s1;
	[sflag:s0] =	ssyncset.done @!p0 $0x0  }
0x4a8: {  	[sflag:s0] =	ssyncadd.s32 @!p0 s1  }
0x4a9: {  	[bflag:$0x3] =	sbarrier.arrive $0xFFFF  }
0x4aa: {  	_ =	shalt  }

</sc_bundles>
